<compile_context>
chip_gen: v7x
topology: tpu7x:2x2x1
jax: 0.10.2.dev20260603
libtpu: 0.0.44.dev20260713+nightly
codegen_flags: <defaults>
</compile_context>

<pallas_src>
import functools

import jax
import jax.numpy as jnp
from jax import lax
from jax.experimental import pallas as pl
from jax.experimental.pallas import tpu as pltpu
from jax.experimental.pallas import tpu_sc as plsc

N = 10000
E = 320000
D = 128
NCLS = 40
NC = 2
NS = 16
NW = NC * NS
EB = E // 128
NR = 80
EBP = NW * NR
EPAD = (EBP - EB) * 128
HPAD = 64
TB = EB - (NW - 1) * NR
RPW = 624
TAIL = N - NS * RPW


def _mesh():
    return plsc.VectorSubcoreMesh(core_axis_name="c", subcore_axis_name="s")


def _load_my_blocks(g3_hbm, tails_hbm, plane, buf, wid):

    @pl.when(wid < NW - 1)
    def _():
        pltpu.sync_copy(g3_hbm.at[plane, pl.ds(wid * NR, NR)], buf)

    @pl.when(wid == NW - 1)
    def _():
        pltpu.sync_copy(tails_hbm.at[plane, pl.ds(0, NR)], buf)


def _sc_degree(g3, tails):

    @functools.partial(
        pl.kernel,
        mesh=_mesh(),
        out_type=jax.ShapeDtypeStruct((NC * N, 128), jnp.float32),
        scratch_types=[
            pltpu.VMEM((NR, 128), jnp.int32),
            pltpu.VMEM((128, 128), jnp.float32),
            pltpu.VMEM_SHARED((N, 128), jnp.float32),
            pltpu.SemaphoreType.DMA,
        ],
    )
    def k(g3_hbm, tails_hbm, out_hbm, dst_all, ones_v, deg_sh, sem):
        c = lax.axis_index("c")
        s = lax.axis_index("s")
        wid = c * NS + s
        zeros16 = jnp.zeros((16,), jnp.float32)
        ones16 = jnp.ones((16,), jnp.float32)

        def fill0(r, carry):
            for j in range(8):
                ones_v[r, pl.ds(j * 16, 16)] = zeros16
            return carry

        lax.fori_loop(0, 128, fill0, 0)
        base = s * RPW
        for kk in range(4):
            pltpu.sync_copy(ones_v, deg_sh.at[pl.ds(base + kk * 128, 128)])
        pltpu.sync_copy(ones_v.at[pl.ds(0, RPW - 512)],
                        deg_sh.at[pl.ds(base + 512, RPW - 512)])

        @pl.when(s == 0)
        def _():
            pltpu.sync_copy(ones_v.at[pl.ds(0, TAIL)],
                            deg_sh.at[pl.ds(NS * RPW, TAIL)])

        def fill1(r, carry):
            for j in range(8):
                ones_v[r, pl.ds(j * 16, 16)] = ones16
            return carry

        lax.fori_loop(0, 128, fill1, 0)
        _load_my_blocks(g3_hbm, tails_hbm, 1, dst_all, wid)
        plsc.subcore_barrier()

        def fire(i, carry):
            pltpu.async_copy(ones_v, deg_sh.at[dst_all.at[i]], sem, add=True)
            return carry

        lax.fori_loop(0, NR, fire, 0)

        def drain(i, carry):
            pltpu.make_async_copy(ones_v, deg_sh.at[dst_all.at[0]],
                                  sem).wait()
            return carry

        lax.fori_loop(0, NR, drain, 0)
        plsc.subcore_barrier()
        pltpu.sync_copy(deg_sh.at[pl.ds(base, RPW)],
                        out_hbm.at[pl.ds(c * N + base, RPW)])

        @pl.when(s == 0)
        def _():
            pltpu.sync_copy(deg_sh.at[pl.ds(NS * RPW, TAIL)],
                            out_hbm.at[pl.ds(c * N + NS * RPW, TAIL)])

    return k(g3, tails)


def _sc_gather_scatter(hn, g3, tails):

    NB = 3

    @functools.partial(
        pl.kernel,
        mesh=_mesh(),
        out_type=jax.ShapeDtypeStruct((NC * N, D), jnp.float32),
        scratch_types=(
            [pltpu.VMEM((128,), jnp.int32)] * NB
            + [pltpu.VMEM((128,), jnp.int32)] * NB
            + [pltpu.VMEM((128, D), jnp.float32)] * NB
            + [pltpu.VMEM_SHARED((N, D), jnp.float32)]
            + [pltpu.SemaphoreType.DMA] * (4 * NB)
        ),
    )
    def k(hn_hbm, g3_hbm, tails_hbm, out_hbm, *refs):
        sbuf = refs[0:NB]
        dbuf = refs[NB:2 * NB]
        rows = refs[2 * NB:3 * NB]
        agg_sh = refs[3 * NB]
        gsem = refs[3 * NB + 1:3 * NB + 1 + NB]
        ssem = refs[3 * NB + 1 + NB:3 * NB + 1 + 2 * NB]
        isem = refs[3 * NB + 1 + 2 * NB:3 * NB + 1 + 3 * NB]
        dsem = refs[3 * NB + 1 + 3 * NB:3 * NB + 1 + 4 * NB]
        c = lax.axis_index("c")
        s = lax.axis_index("s")
        wid = c * NS + s
        r0 = wid * NR
        zeros16 = jnp.zeros((16,), jnp.float32)

        def load_idx_row(plane, idx, buf, sem):
            @pl.when(wid < NW - 1)
            def _():
                pltpu.async_copy(g3_hbm.at[plane, r0 + idx], buf, sem)

            @pl.when(wid == NW - 1)
            def _():
                pltpu.async_copy(tails_hbm.at[plane, idx], buf, sem)

        def wait_idx(buf, sem):
            pltpu.make_async_copy(g3_hbm.at[0, r0], buf, sem).wait()

        def zb(r, carry):
            for j in range(8):
                rows[0][r, pl.ds(j * 16, 16)] = zeros16
            return carry

        lax.fori_loop(0, 128, zb, 0)
        base = s * RPW
        for kk in range(4):
            pltpu.sync_copy(rows[0], agg_sh.at[pl.ds(base + kk * 128, 128)])
        pltpu.sync_copy(rows[0].at[pl.ds(0, RPW - 512)],
                        agg_sh.at[pl.ds(base + 512, RPW - 512)])

        @pl.when(s == 0)
        def _():
            pltpu.sync_copy(rows[0].at[pl.ds(0, TAIL)],
                            agg_sh.at[pl.ds(NS * RPW, TAIL)])

        for b in range(NB):
            load_idx_row(0, b, sbuf[b], isem[b])
            load_idx_row(1, b, dbuf[b], dsem[b])
        for b in range(NB):
            wait_idx(sbuf[b], isem[b])
            pltpu.async_copy(hn_hbm.at[sbuf[b]], rows[b], gsem[b])
        plsc.subcore_barrier()

        def body(t, carry):
            for b in range(NB):
                ch = NB * t + b

                @pl.when(ch < NR)
                def _():
                    pltpu.make_async_copy(hn_hbm.at[sbuf[b]], rows[b],
                                          gsem[b]).wait()

                @pl.when(ch + NB < NR)
                def _():
                    load_idx_row(0, ch + NB, sbuf[b], isem[b])

                @pl.when(ch < NR)
                def _():
                    wait_idx(dbuf[b], dsem[b])
                    pltpu.async_copy(rows[b], agg_sh.at[dbuf[b]], ssem[b],
                                     add=True)

                @pl.when(ch + NB < NR)
                def _():
                    pltpu.make_async_copy(rows[b], agg_sh.at[dbuf[b]],
                                          ssem[b]).wait()
                    load_idx_row(1, ch + NB, dbuf[b], dsem[b])
                    wait_idx(sbuf[b], isem[b])
                    pltpu.async_copy(hn_hbm.at[sbuf[b]], rows[b], gsem[b])

            return carry

        lax.fori_loop(0, -(-NR // NB), body, 0)
        for b in range(NB):
            pltpu.make_async_copy(rows[b], agg_sh.at[dbuf[b]],
                                  ssem[b]).wait()
        plsc.subcore_barrier()
        pltpu.sync_copy(agg_sh.at[pl.ds(base, RPW)],
                        out_hbm.at[pl.ds(c * N + base, RPW)])

        @pl.when(s == 0)
        def _():
            pltpu.sync_copy(agg_sh.at[pl.ds(NS * RPW, TAIL)],
                            out_hbm.at[pl.ds(c * N + NS * RPW, TAIL)])

    return k(hn, g3, tails)


_R = 1000


def _tc_matmul(features, W1):
    def body(f_ref, w_ref, out_ref):
        out_ref[...] = jnp.dot(f_ref[...], w_ref[...],
                               preferred_element_type=jnp.float32)

    return pl.pallas_call(
        body,
        grid=(N // _R,),
        in_specs=[
            pl.BlockSpec((_R, D), lambda i: (i, 0)),
            pl.BlockSpec((D, D), lambda i: (0, 0)),
        ],
        out_specs=pl.BlockSpec((_R, D), lambda i: (i, 0)),
        out_shape=jax.ShapeDtypeStruct((N, D), jnp.float32),
    )(features, W1)


def _tc_norm_scale(degp, u):
    def body(degp_ref, u_ref, norm_ref, hn_ref):
        d = degp_ref[0, :, 0:1] + degp_ref[1, :, 0:1]
        iota = lax.broadcasted_iota(jnp.int32, (N, 1), 0)
        d = jnp.where(iota < EPAD, d - 1.0, d)
        nrm2 = lax.rsqrt(jnp.maximum(d, 1.0))
        norm_ref[...] = nrm2
        hn_ref[...] = jnp.concatenate(
            [u_ref[...] * nrm2, jnp.zeros((HPAD, D), jnp.float32)], axis=0)

    return pl.pallas_call(
        body,
        grid=(1,),
        in_specs=[
            pl.BlockSpec((NC, N, 128), lambda i: (0, 0, 0)),
            pl.BlockSpec((N, D), lambda i: (0, 0)),
        ],
        out_specs=[
            pl.BlockSpec((N, 1), lambda i: (0, 0)),
            pl.BlockSpec((N + HPAD, D), lambda i: (0, 0)),
        ],
        out_shape=[
            jax.ShapeDtypeStruct((N, 1), jnp.float32),
            jax.ShapeDtypeStruct((N + HPAD, D), jnp.float32),
        ],
    )(degp, u)


def _tc_mid(p, norm, b, W):
    def body(p_ref, n_ref, b_ref, w_ref, out_ref):
        agg = p_ref[0] + p_ref[1]
        h = jnp.maximum(agg * n_ref[...] + b_ref[...][None, :], 0.0)
        hn = jnp.dot(h, w_ref[...],
                     preferred_element_type=jnp.float32) * n_ref[...]
        out_ref[...] = jnp.concatenate(
            [hn, jnp.zeros((HPAD, D), jnp.float32)], axis=0)

    return pl.pallas_call(
        body,
        grid=(1,),
        in_specs=[
            pl.BlockSpec((NC, N, D), lambda i: (0, 0, 0)),
            pl.BlockSpec((N, 1), lambda i: (0, 0)),
            pl.BlockSpec((D,), lambda i: (0,)),
            pl.BlockSpec((D, D), lambda i: (0, 0)),
        ],
        out_specs=pl.BlockSpec((N + HPAD, D), lambda i: (0, 0)),
        out_shape=jax.ShapeDtypeStruct((N + HPAD, D), jnp.float32),
    )(p, norm, b, W)


def _tc_final(qflat, norm, b, W3, b3):
    def body(q0_ref, q1_ref, n_ref, b_ref, w3_ref, b3_ref, out_ref):
        agg = q0_ref[...] + q1_ref[...]
        h = jnp.maximum(agg * n_ref[...] + b_ref[...][None, :], 0.0)
        out_ref[...] = jnp.dot(h, w3_ref[...],
                               preferred_element_type=jnp.float32) + b3_ref[...][None, :]

    return pl.pallas_call(
        body,
        grid=(N // _R,),
        in_specs=[
            pl.BlockSpec((_R, D), lambda i: (i, 0)),
            pl.BlockSpec((_R, D), lambda i: (i + N // _R, 0)),
            pl.BlockSpec((_R, 1), lambda i: (i, 0)),
            pl.BlockSpec((D,), lambda i: (0,)),
            pl.BlockSpec((D, NCLS), lambda i: (0, 0)),
            pl.BlockSpec((NCLS,), lambda i: (0,)),
        ],
        out_specs=pl.BlockSpec((_R, NCLS), lambda i: (i, 0)),
        out_shape=jax.ShapeDtypeStruct((N, NCLS), jnp.float32),
    )(qflat, qflat, norm, b, W3, b3)


def kernel(g, features, W1, b1, W2, b2, W3, b3):
    g3 = g.reshape(2, EB, 128)
    pad_iota = jnp.arange(EPAD, dtype=jnp.int32)
    pads = jnp.stack([N + (pad_iota % HPAD), pad_iota]).reshape(
        2, EPAD // 128, 128)
    tails = jnp.concatenate([g3[:, EB - TB:], pads], axis=1)
    degp = _sc_degree(g3, tails).reshape(NC, N, 128)
    u = _tc_matmul(features, W1)
    norm, hn1 = _tc_norm_scale(degp, u)
    p = _sc_gather_scatter(hn1, g3, tails)
    hn2 = _tc_mid(p.reshape(NC, N, D), norm, b1, W2)
    q = _sc_gather_scatter(hn2, g3, tails)
    return _tc_final(q, norm, b2, W3, b3)

# --- scband reference (transcript-rebuilt; emitter-appended) ---
"""Pipeline reference for scband-gcn-73383811219520 (READ-ONLY COPY).

The authoritative reference and input builder live on the scoring server;
editing this copy changes nothing except your own understanding.
"""

import jax, jax.numpy as jnp
import numpy as np

N = 10000
E = 320000
D_IN = 128
D_HID = 128
N_CLASSES = 40


def setup_inputs(seed: int = 0) -> dict:
    key = jax.random.key(seed)
    ks = jax.random.split(key, 10)
    # graph as edge_index [2, E]: row 0 = src, row 1 = dst
    g = jax.random.randint(ks[0], (2, E), 0, N, dtype=jnp.int32)
    features = jax.random.normal(ks[1], (N, D_IN), dtype=jnp.float32)
    # GraphConv layer 1 (in_feats -> n_hidden)
    W1 = jax.random.normal(ks[2], (D_IN, D_HID), dtype=jnp.float32) * (1.0 / np.sqrt(D_IN))
    b1 = jnp.zeros((D_HID,), dtype=jnp.float32)
    # GraphConv layer 2 (n_hidden -> n_hidden); n_layers=2 -> one extra conv
    W2 = jax.random.normal(ks[3], (D_HID, D_HID), dtype=jnp.float32) * (1.0 / np.sqrt(D_HID))
    b2 = jnp.zeros((D_HID,), dtype=jnp.float32)
    # final Linear (n_hidden -> n_classes)
    W3 = jax.random.normal(ks[4], (D_HID, N_CLASSES), dtype=jnp.float32) * (1.0 / np.sqrt(D_HID))
    b3 = jnp.zeros((N_CLASSES,), dtype=jnp.float32)
    return {"g": g, "features": features, "W1": W1, "b1": b1, "W2": W2, "b2": b2, "W3": W3, "b3": b3}


def reference(g, features, W1, b1, W2, b2, W3, b3):
    src = g[0]
    dst = g[1]
    # symmetric ("both") GCN normalization: D^{-1/2} A D^{-1/2}
    deg = jnp.zeros((N,), jnp.float32).at[dst].add(1.0)
    norm = jax.lax.rsqrt(jnp.maximum(deg, 1.0))

    def gconv(h, W, b):
        h = h @ W                                 # project first (dense)
        m = jnp.take(h, src, axis=0) * norm[src][:, None]   # gather + scale by src norm
        agg = jnp.zeros((N, W.shape[1]), jnp.float32).at[dst].add(m)  # scatter-add over dst
        return jax.nn.relu(agg * norm[:, None] + b)

    h = gconv(features, W1, b1)
    # dropout(p=0.5) is identity in eval/deterministic mode
    h = gconv(h, W2, b2)
    return h @ W3 + b3

if __name__ == "__main__":
    import jax
    _d = setup_inputs()
    print(jax.jit(kernel)(*tuple(_d.values())))

</pallas_src>

<mosaic_0001>
#map = affine_map<(d0, d1) -> (0, 0)>
#map1 = affine_map<(d0, d1) -> (0, 0, 0)>
module attributes {stable_mosaic.version = 14 : i64} {
  func.func @k(%arg0: i32, %arg1: i32, %arg2: memref<10064x128xf32, #tpu.memory_space<hbm>>, %arg3: memref<2x2500x128xi32, #tpu.memory_space<hbm>>, %arg4: memref<2x80x128xi32, #tpu.memory_space<hbm>>, %arg5: memref<20000x128xf32, #tpu.memory_space<hbm>>, %arg6: memref<128xi32, #tpu.memory_space<vmem>>, %arg7: memref<128xi32, #tpu.memory_space<vmem>>, %arg8: memref<128xi32, #tpu.memory_space<vmem>>, %arg9: memref<128xi32, #tpu.memory_space<vmem>>, %arg10: memref<128xi32, #tpu.memory_space<vmem>>, %arg11: memref<128xi32, #tpu.memory_space<vmem>>, %arg12: memref<128x128xf32, #tpu.memory_space<vmem>>, %arg13: memref<128x128xf32, #tpu.memory_space<vmem>>, %arg14: memref<128x128xf32, #tpu.memory_space<vmem>>, %arg15: memref<10000x128xf32, #tpu.memory_space<vmem_shared>>, %arg16: memref<!tpu.dma_semaphore, #tpu.memory_space<semaphore_mem>>, %arg17: memref<!tpu.dma_semaphore, #tpu.memory_space<semaphore_mem>>, %arg18: memref<!tpu.dma_semaphore, #tpu.memory_space<semaphore_mem>>, %arg19: memref<!tpu.dma_semaphore, #tpu.memory_space<semaphore_mem>>, %arg20: memref<!tpu.dma_semaphore, #tpu.memory_space<semaphore_mem>>, %arg21: memref<!tpu.dma_semaphore, #tpu.memory_space<semaphore_mem>>, %arg22: memref<!tpu.dma_semaphore, #tpu.memory_space<semaphore_mem>>, %arg23: memref<!tpu.dma_semaphore, #tpu.memory_space<semaphore_mem>>, %arg24: memref<!tpu.dma_semaphore, #tpu.memory_space<semaphore_mem>>, %arg25: memref<!tpu.dma_semaphore, #tpu.memory_space<semaphore_mem>>, %arg26: memref<!tpu.dma_semaphore, #tpu.memory_space<semaphore_mem>>, %arg27: memref<!tpu.dma_semaphore, #tpu.memory_space<semaphore_mem>>) attributes {dimension_semantics = [#tpu.dimension_semantics<core_parallel>, #tpu.dimension_semantics<subcore_parallel>], iteration_bounds = array<i64: 2, 16>, scalar_prefetch = 0 : i64, scratch_operands = 22 : i64, tpu.core_type = #tpu.core_type<sc_vector_subcore>, window_params = [{transform_indices = #map}, {transform_indices = #map1}, {transform_indices = #map1}, {transform_indices = #map}]} {
    %mul3A = arith.constant 16 : i32
    %mul3A_0 = arith.muli %arg0, %mul3A : i32
    %add3A = arith.addi %mul3A_0, %arg1 : i32
    %mul3A_1 = arith.constant 80 : i32
    %mul3A_2 = arith.muli %add3A, %mul3A_1 : i32
    %broadcast_in_dim3A = arith.constant 0.000000e+00 : f32
    %broadcast_in_dim3A_3 = vector.broadcast %broadcast_in_dim3A : f32 to vector<16xf32>
    %scan3A = arith.constant 0 : i32
    %scan3A_4 = arith.constant 0 : i32
    %scan3A_5 = arith.constant 128 : i32
    %scan3A_6 = arith.addi %scan3A_4, %scan3A_5 : i32
    %scan3A_7 = arith.constant 1 : i32
    scf.for %scan3A_134 = %scan3A_4 to %scan3A_6 step %scan3A_7  : i32 {
      %swap3A = arith.index_cast %scan3A_134 : i32 to index
      %swap3A_135 = arith.constant 0 : index
      %swap3A_136 = tpu.vector_load %arg12[%swap3A, %swap3A_135] {strides = array<i32>} : memref<128x128xf32, #tpu.memory_space<vmem>>, vector<1x16xf32>,
      %swap3A_137 = vector.shape_cast %swap3A_136 : vector<1x16xf32> to vector<16xf32>
      %swap3A_138 = vector.shape_cast %broadcast_in_dim3A_3 : vector<16xf32> to vector<1x16xf32>
      tpu.vector_store %arg12[%swap3A, %swap3A_135], %swap3A_138 {strides = array<i32>} : memref<128x128xf32, #tpu.memory_space<vmem>>, vector<1x16xf32>,
      %swap3A_139 = arith.index_cast %scan3A_134 : i32 to index
      %swap3A_140 = arith.constant 16 : index
      %swap3A_141 = tpu.vector_load %arg12[%swap3A_139, %swap3A_140] {strides = array<i32>} : memref<128x128xf32, #tpu.memory_space<vmem>>, vector<1x16xf32>,
      %swap3A_142 = vector.shape_cast %swap3A_141 : vector<1x16xf32> to vector<16xf32>
      %swap3A_143 = vector.shape_cast %broadcast_in_dim3A_3 : vector<16xf32> to vector<1x16xf32>
      tpu.vector_store %arg12[%swap3A_139, %swap3A_140], %swap3A_143 {strides = array<i32>} : memref<128x128xf32, #tpu.memory_space<vmem>>, vector<1x16xf32>,
      %swap3A_144 = arith.index_cast %scan3A_134 : i32 to index
      %swap3A_145 = arith.constant 32 : index
      %swap3A_146 = tpu.vector_load %arg12[%swap3A_144, %swap3A_145] {strides = array<i32>} : memref<128x128xf32, #tpu.memory_space<vmem>>, vector<1x16xf32>,
      %swap3A_147 = vector.shape_cast %swap3A_146 : vector<1x16xf32> to vector<16xf32>
      %swap3A_148 = vector.shape_cast %broadcast_in_dim3A_3 : vector<16xf32> to vector<1x16xf32>
      tpu.vector_store %arg12[%swap3A_144, %swap3A_145], %swap3A_148 {strides = array<i32>} : memref<128x128xf32, #tpu.memory_space<vmem>>, vector<1x16xf32>,
      %swap3A_149 = arith.index_cast %scan3A_134 : i32 to index
      %swap3A_150 = arith.constant 48 : index
      %swap3A_151 = tpu.vector_load %arg12[%swap3A_149, %swap3A_150] {strides = array<i32>} : memref<128x128xf32, #tpu.memory_space<vmem>>, vector<1x16xf32>,
      %swap3A_152 = vector.shape_cast %swap3A_151 : vector<1x16xf32> to vector<16xf32>
      %swap3A_153 = vector.shape_cast %broadcast_in_dim3A_3 : vector<16xf32> to vector<1x16xf32>
      tpu.vector_store %arg12[%swap3A_149, %swap3A_150], %swap3A_153 {strides = array<i32>} : memref<128x128xf32, #tpu.memory_space<vmem>>, vector<1x16xf32>,
      %swap3A_154 = arith.index_cast %scan3A_134 : i32 to index
      %swap3A_155 = arith.constant 64 : index
      %swap3A_156 = tpu.vector_load %arg12[%swap3A_154, %swap3A_155] {strides = array<i32>} : memref<128x128xf32, #tpu.memory_space<vmem>>, vector<1x16xf32>,
      %swap3A_157 = vector.shape_cast %swap3A_156 : vector<1x16xf32> to vector<16xf32>
      %swap3A_158 = vector.shape_cast %broadcast_in_dim3A_3 : vector<16xf32> to vector<1x16xf32>
      tpu.vector_store %arg12[%swap3A_154, %swap3A_155], %swap3A_158 {strides = array<i32>} : memref<128x128xf32, #tpu.memory_space<vmem>>, vector<1x16xf32>,
      %swap3A_159 = arith.index_cast %scan3A_134 : i32 to index
      %swap3A_160 = arith.constant 80 : index
      %swap3A_161 = tpu.vector_load %arg12[%swap3A_159, %swap3A_160] {strides = array<i32>} : memref<128x128xf32, #tpu.memory_space<vmem>>, vector<1x16xf32>,
      %swap3A_162 = vector.shape_cast %swap3A_161 : vector<1x16xf32> to vector<16xf32>
      %swap3A_163 = vector.shape_cast %broadcast_in_dim3A_3 : vector<16xf32> to vector<1x16xf32>
      tpu.vector_store %arg12[%swap3A_159, %swap3A_160], %swap3A_163 {strides = array<i32>} : memref<128x128xf32, #tpu.memory_space<vmem>>, vector<1x16xf32>,
      %swap3A_164 = arith.index_cast %scan3A_134 : i32 to index
      %swap3A_165 = arith.constant 96 : index
      %swap3A_166 = tpu.vector_load %arg12[%swap3A_164, %swap3A_165] {strides = array<i32>} : memref<128x128xf32, #tpu.memory_space<vmem>>, vector<1x16xf32>,
      %swap3A_167 = vector.shape_cast %swap3A_166 : vector<1x16xf32> to vector<16xf32>
      %swap3A_168 = vector.shape_cast %broadcast_in_dim3A_3 : vector<16xf32> to vector<1x16xf32>
      tpu.vector_store %arg12[%swap3A_164, %swap3A_165], %swap3A_168 {strides = array<i32>} : memref<128x128xf32, #tpu.memory_space<vmem>>, vector<1x16xf32>,
      %swap3A_169 = arith.index_cast %scan3A_134 : i32 to index
      %swap3A_170 = arith.constant 112 : index
      %swap3A_171 = tpu.vector_load %arg12[%swap3A_169, %swap3A_170] {strides = array<i32>} : memref<128x128xf32, #tpu.memory_space<vmem>>, vector<1x16xf32>,
      %swap3A_172 = vector.shape_cast %swap3A_171 : vector<1x16xf32> to vector<16xf32>
      %swap3A_173 = vector.shape_cast %broadcast_in_dim3A_3 : vector<16xf32> to vector<1x16xf32>
      tpu.vector_store %arg12[%swap3A_169, %swap3A_170], %swap3A_173 {strides = array<i32>} : memref<128x128xf32, #tpu.memory_space<vmem>>, vector<1x16xf32>,
    }
    %scan3A_8 = arith.constant 128 : i32
    %mul3A_9 = arith.constant 624 : i32
    %mul3A_10 = arith.muli %arg1, %mul3A_9 : i32
    %add3A_11 = arith.constant 0 : i32
    %add3A_12 = arith.addi %mul3A_10, %add3A_11 : i32
    "tpu.region"() ({
      %run_scoped3A = tpu.sem_alloc : memref<!tpu.dma_semaphore, #tpu.memory_space<semaphore_mem>>
      %dma_start3A_134 = arith.constant 0 : i32
      %dma_start3A_135 = tpu.memref_slice %arg15[%add3A_12, %dma_start3A_134] : memref<10000x128xf32, #tpu.memory_space<vmem_shared>> -> memref<128x128xf32, #tpu.memory_space<vmem_shared>>
      %dma_start3A_136 = arith.constant 0 : i32
      %dma_start3A_137 = tpu.memref_slice %arg15[%add3A_12, %dma_start3A_136] : memref<10000x128xf32, #tpu.memory_space<vmem_shared>> -> memref<128x128xf32, #tpu.memory_space<vmem_shared>>
      tpu.enqueue_dma source(%arg12 : memref<128x128xf32, #tpu.memory_space<vmem>>) target(%dma_start3A_137 : memref<128x128xf32, #tpu.memory_space<vmem_shared>>) target_semaphore(%run_scoped3A : memref<!tpu.dma_semaphore, #tpu.memory_space<semaphore_mem>>)
      %dma_wait3A_138 = arith.constant 0 : i32
      %dma_wait3A_139 = tpu.memref_slice %arg15[%add3A_12, %dma_wait3A_138] : memref<10000x128xf32, #tpu.memory_space<vmem_shared>> -> memref<128x128xf32, #tpu.memory_space<vmem_shared>>
      %dma_wait3A_140 = arith.constant 0 : i32
      %dma_wait3A_141 = tpu.memref_slice %arg15[%add3A_12, %dma_wait3A_140] : memref<10000x128xf32, #tpu.memory_space<vmem_shared>> -> memref<128x128xf32, #tpu.memory_space<vmem_shared>>
      tpu.wait_dma2 semaphore(%run_scoped3A : memref<!tpu.dma_semaphore, #tpu.memory_space<semaphore_mem>>) src(%arg12 : memref<128x128xf32, #tpu.memory_space<vmem>>) dst(%dma_wait3A_141 : memref<128x128xf32, #tpu.memory_space<vmem_shared>>)
      tpu.yield
    }) : () -> ()
    %add3A_13 = arith.constant 128 : i32
    %add3A_14 = arith.addi %mul3A_10, %add3A_13 : i32
    "tpu.region"() ({
      %run_scoped3A = tpu.sem_alloc : memref<!tpu.dma_semaphore, #tpu.memory_space<semaphore_mem>>
      %dma_start3A_134 = arith.constant 0 : i32
      %dma_start3A_135 = tpu.memref_slice %arg15[%add3A_14, %dma_start3A_134] : memref<10000x128xf32, #tpu.memory_space<vmem_shared>> -> memref<128x128xf32, #tpu.memory_space<vmem_shared>>
      %dma_start3A_136 = arith.constant 0 : i32
      %dma_start3A_137 = tpu.memref_slice %arg15[%add3A_14, %dma_start3A_136] : memref<10000x128xf32, #tpu.memory_space<vmem_shared>> -> memref<128x128xf32, #tpu.memory_space<vmem_shared>>
      tpu.enqueue_dma source(%arg12 : memref<128x128xf32, #tpu.memory_space<vmem>>) target(%dma_start3A_137 : memref<128x128xf32, #tpu.memory_space<vmem_shared>>) target_semaphore(%run_scoped3A : memref<!tpu.dma_semaphore, #tpu.memory_space<semaphore_mem>>)
      %dma_wait3A_138 = arith.constant 0 : i32
      %dma_wait3A_139 = tpu.memref_slice %arg15[%add3A_14, %dma_wait3A_138] : memref<10000x128xf32, #tpu.memory_space<vmem_shared>> -> memref<128x128xf32, #tpu.memory_space<vmem_shared>>
      %dma_wait3A_140 = arith.constant 0 : i32
      %dma_wait3A_141 = tpu.memref_slice %arg15[%add3A_14, %dma_wait3A_140] : memref<10000x128xf32, #tpu.memory_space<vmem_shared>> -> memref<128x128xf32, #tpu.memory_space<vmem_shared>>
      tpu.wait_dma2 semaphore(%run_scoped3A : memref<!tpu.dma_semaphore, #tpu.memory_space<semaphore_mem>>) src(%arg12 : memref<128x128xf32, #tpu.memory_space<vmem>>) dst(%dma_wait3A_141 : memref<128x128xf32, #tpu.memory_space<vmem_shared>>)
      tpu.yield
    }) : () -> ()
    %add3A_15 = arith.constant 256 : i32
    %add3A_16 = arith.addi %mul3A_10, %add3A_15 : i32
    "tpu.region"() ({
      %run_scoped3A = tpu.sem_alloc : memref<!tpu.dma_semaphore, #tpu.memory_space<semaphore_mem>>
      %dma_start3A_134 = arith.constant 0 : i32
      %dma_start3A_135 = tpu.memref_slice %arg15[%add3A_16, %dma_start3A_134] : memref<10000x128xf32, #tpu.memory_space<vmem_shared>> -> memref<128x128xf32, #tpu.memory_space<vmem_shared>>
      %dma_start3A_136 = arith.constant 0 : i32
      %dma_start3A_137 = tpu.memref_slice %arg15[%add3A_16, %dma_start3A_136] : memref<10000x128xf32, #tpu.memory_space<vmem_shared>> -> memref<128x128xf32, #tpu.memory_space<vmem_shared>>
      tpu.enqueue_dma source(%arg12 : memref<128x128xf32, #tpu.memory_space<vmem>>) target(%dma_start3A_137 : memref<128x128xf32, #tpu.memory_space<vmem_shared>>) target_semaphore(%run_scoped3A : memref<!tpu.dma_semaphore, #tpu.memory_space<semaphore_mem>>)
      %dma_wait3A_138 = arith.constant 0 : i32
      %dma_wait3A_139 = tpu.memref_slice %arg15[%add3A_16, %dma_wait3A_138] : memref<10000x128xf32, #tpu.memory_space<vmem_shared>> -> memref<128x128xf32, #tpu.memory_space<vmem_shared>>
      %dma_wait3A_140 = arith.constant 0 : i32
      %dma_wait3A_141 = tpu.memref_slice %arg15[%add3A_16, %dma_wait3A_140] : memref<10000x128xf32, #tpu.memory_space<vmem_shared>> -> memref<128x128xf32, #tpu.memory_space<vmem_shared>>
      tpu.wait_dma2 semaphore(%run_scoped3A : memref<!tpu.dma_semaphore, #tpu.memory_space<semaphore_mem>>) src(%arg12 : memref<128x128xf32, #tpu.memory_space<vmem>>) dst(%dma_wait3A_141 : memref<128x128xf32, #tpu.memory_space<vmem_shared>>)
      tpu.yield
    }) : () -> ()
    %add3A_17 = arith.constant 384 : i32
    %add3A_18 = arith.addi %mul3A_10, %add3A_17 : i32
    "tpu.region"() ({
      %run_scoped3A = tpu.sem_alloc : memref<!tpu.dma_semaphore, #tpu.memory_space<semaphore_mem>>
      %dma_start3A_134 = arith.constant 0 : i32
      %dma_start3A_135 = tpu.memref_slice %arg15[%add3A_18, %dma_start3A_134] : memref<10000x128xf32, #tpu.memory_space<vmem_shared>> -> memref<128x128xf32, #tpu.memory_space<vmem_shared>>
      %dma_start3A_136 = arith.constant 0 : i32
      %dma_start3A_137 = tpu.memref_slice %arg15[%add3A_18, %dma_start3A_136] : memref<10000x128xf32, #tpu.memory_space<vmem_shared>> -> memref<128x128xf32, #tpu.memory_space<vmem_shared>>
      tpu.enqueue_dma source(%arg12 : memref<128x128xf32, #tpu.memory_space<vmem>>) target(%dma_start3A_137 : memref<128x128xf32, #tpu.memory_space<vmem_shared>>) target_semaphore(%run_scoped3A : memref<!tpu.dma_semaphore, #tpu.memory_space<semaphore_mem>>)
      %dma_wait3A_138 = arith.constant 0 : i32
      %dma_wait3A_139 = tpu.memref_slice %arg15[%add3A_18, %dma_wait3A_138] : memref<10000x128xf32, #tpu.memory_space<vmem_shared>> -> memref<128x128xf32, #tpu.memory_space<vmem_shared>>
      %dma_wait3A_140 = arith.constant 0 : i32
      %dma_wait3A_141 = tpu.memref_slice %arg15[%add3A_18, %dma_wait3A_140] : memref<10000x128xf32, #tpu.memory_space<vmem_shared>> -> memref<128x128xf32, #tpu.memory_space<vmem_shared>>
      tpu.wait_dma2 semaphore(%run_scoped3A : memref<!tpu.dma_semaphore, #tpu.memory_space<semaphore_mem>>) src(%arg12 : memref<128x128xf32, #tpu.memory_space<vmem>>) dst(%dma_wait3A_141 : memref<128x128xf32, #tpu.memory_space<vmem_shared>>)
      tpu.yield
    }) : () -> ()
    %add3A_19 = arith.constant 512 : i32
    %add3A_20 = arith.addi %mul3A_10, %add3A_19 : i32
    "tpu.region"() ({
      %run_scoped3A = tpu.sem_alloc : memref<!tpu.dma_semaphore, #tpu.memory_space<semaphore_mem>>
      %dma_start3A_134 = arith.constant 0 : i32
      %dma_start3A_135 = arith.constant 0 : i32
      %dma_start3A_136 = tpu.memref_slice %arg12[%dma_start3A_134, %dma_start3A_135] : memref<128x128xf32, #tpu.memory_space<vmem>> -> memref<112x128xf32, #tpu.memory_space<vmem>>
      %dma_start3A_137 = arith.constant 0 : i32
      %dma_start3A_138 = tpu.memref_slice %arg15[%add3A_20, %dma_start3A_137] : memref<10000x128xf32, #tpu.memory_space<vmem_shared>> -> memref<112x128xf32, #tpu.memory_space<vmem_shared>>
      %dma_start3A_139 = arith.constant 0 : i32
      %dma_start3A_140 = tpu.memref_slice %arg15[%add3A_20, %dma_start3A_139] : memref<10000x128xf32, #tpu.memory_space<vmem_shared>> -> memref<112x128xf32, #tpu.memory_space<vmem_shared>>
      %dma_start3A_141 = arith.constant 0 : i32
      %dma_start3A_142 = arith.constant 0 : i32
      %dma_start3A_143 = tpu.memref_slice %arg12[%dma_start3A_141, %dma_start3A_142] : memref<128x128xf32, #tpu.memory_space<vmem>> -> memref<112x128xf32, #tpu.memory_space<vmem>>
      tpu.enqueue_dma source(%dma_start3A_143 : memref<112x128xf32, #tpu.memory_space<vmem>>) target(%dma_start3A_140 : memref<112x128xf32, #tpu.memory_space<vmem_shared>>) target_semaphore(%run_scoped3A : memref<!tpu.dma_semaphore, #tpu.memory_space<semaphore_mem>>)
      %dma_wait3A_144 = arith.constant 0 : i32
      %dma_wait3A_145 = arith.constant 0 : i32
      %dma_wait3A_146 = tpu.memref_slice %arg12[%dma_wait3A_144, %dma_wait3A_145] : memref<128x128xf32, #tpu.memory_space<vmem>> -> memref<112x128xf32, #tpu.memory_space<vmem>>
      %dma_wait3A_147 = arith.constant 0 : i32
      %dma_wait3A_148 = tpu.memref_slice %arg15[%add3A_20, %dma_wait3A_147] : memref<10000x128xf32, #tpu.memory_space<vmem_shared>> -> memref<112x128xf32, #tpu.memory_space<vmem_shared>>
      %dma_wait3A_149 = arith.constant 0 : i32
      %dma_wait3A_150 = tpu.memref_slice %arg15[%add3A_20, %dma_wait3A_149] : memref<10000x128xf32, #tpu.memory_space<vmem_shared>> -> memref<112x128xf32, #tpu.memory_space<vmem_shared>>
      %dma_wait3A_151 = arith.constant 0 : i32
      %dma_wait3A_152 = arith.constant 0 : i32
      %dma_wait3A_153 = tpu.memref_slice %arg12[%dma_wait3A_151, %dma_wait3A_152] : memref<128x128xf32, #tpu.memory_space<vmem>> -> memref<112x128xf32, #tpu.memory_space<vmem>>
      tpu.wait_dma2 semaphore(%run_scoped3A : memref<!tpu.dma_semaphore, #tpu.memory_space<semaphore_mem>>) src(%dma_wait3A_153 : memref<112x128xf32, #tpu.memory_space<vmem>>) dst(%dma_wait3A_150 : memref<112x128xf32, #tpu.memory_space<vmem_shared>>)
      tpu.yield
    }) : () -> ()
    %eq3A = arith.constant 0 : i32
    %eq3A_21 = arith.cmpi eq, %arg1, %eq3A : i32
    %convert_element_type3A = arith.extui %eq3A_21 : i1 to i32
    %cond3A = arith.constant 0 : i32
    %cond3A_22 = arith.cmpi ne, %convert_element_type3A, %cond3A : i32
    scf.if %cond3A_22 {
      "tpu.region"() ({
        %run_scoped3A = tpu.sem_alloc : memref<!tpu.dma_semaphore, #tpu.memory_space<semaphore_mem>>
        %dma_start3A_134 = arith.constant 0 : i32
        %dma_start3A_135 = arith.constant 0 : i32
        %dma_start3A_136 = tpu.memref_slice %arg12[%dma_start3A_134, %dma_start3A_135] : memref<128x128xf32, #tpu.memory_space<vmem>> -> memref<16x128xf32, #tpu.memory_space<vmem>>
        %dma_start3A_137 = arith.constant 9984 : i32
        %dma_start3A_138 = arith.constant 0 : i32
        %dma_start3A_139 = tpu.memref_slice %arg15[%dma_start3A_137, %dma_start3A_138] : memref<10000x128xf32, #tpu.memory_space<vmem_shared>> -> memref<16x128xf32, #tpu.memory_space<vmem_shared>>
        %dma_start3A_140 = arith.constant 9984 : i32
        %dma_start3A_141 = arith.constant 0 : i32
        %dma_start3A_142 = tpu.memref_slice %arg15[%dma_start3A_140, %dma_start3A_141] : memref<10000x128xf32, #tpu.memory_space<vmem_shared>> -> memref<16x128xf32, #tpu.memory_space<vmem_shared>>
        %dma_start3A_143 = arith.constant 0 : i32
        %dma_start3A_144 = arith.constant 0 : i32
        %dma_start3A_145 = tpu.memref_slice %arg12[%dma_start3A_143, %dma_start3A_144] : memref<128x128xf32, #tpu.memory_space<vmem>> -> memref<16x128xf32, #tpu.memory_space<vmem>>
        tpu.enqueue_dma source(%dma_start3A_145 : memref<16x128xf32, #tpu.memory_space<vmem>>) target(%dma_start3A_142 : memref<16x128xf32, #tpu.memory_space<vmem_shared>>) target_semaphore(%run_scoped3A : memref<!tpu.dma_semaphore, #tpu.memory_space<semaphore_mem>>)
        %dma_wait3A_146 = arith.constant 0 : i32
        %dma_wait3A_147 = arith.constant 0 : i32
        %dma_wait3A_148 = tpu.memref_slice %arg12[%dma_wait3A_146, %dma_wait3A_147] : memref<128x128xf32, #tpu.memory_space<vmem>> -> memref<16x128xf32, #tpu.memory_space<vmem>>
        %dma_wait3A_149 = arith.constant 9984 : i32
        %dma_wait3A_150 = arith.constant 0 : i32
        %dma_wait3A_151 = tpu.memref_slice %arg15[%dma_wait3A_149, %dma_wait3A_150] : memref<10000x128xf32, #tpu.memory_space<vmem_shared>> -> memref<16x128xf32, #tpu.memory_space<vmem_shared>>
        %dma_wait3A_152 = arith.constant 9984 : i32
        %dma_wait3A_153 = arith.constant 0 : i32
        %dma_wait3A_154 = tpu.memref_slice %arg15[%dma_wait3A_152, %dma_wait3A_153] : memref<10000x128xf32, #tpu.memory_space<vmem_shared>> -> memref<16x128xf32, #tpu.memory_space<vmem_shared>>
        %dma_wait3A_155 = arith.constant 0 : i32
        %dma_wait3A_156 = arith.constant 0 : i32
        %dma_wait3A_157 = tpu.memref_slice %arg12[%dma_wait3A_155, %dma_wait3A_156] : memref<128x128xf32, #tpu.memory_space<vmem>> -> memref<16x128xf32, #tpu.memory_space<vmem>>
        tpu.wait_dma2 semaphore(%run_scoped3A : memref<!tpu.dma_semaphore, #tpu.memory_space<semaphore_mem>>) src(%dma_wait3A_157 : memref<16x128xf32, #tpu.memory_space<vmem>>) dst(%dma_wait3A_154 : memref<16x128xf32, #tpu.memory_space<vmem_shared>>)
        tpu.yield
      }) : () -> ()
    } else {
    }
    %lt3A = arith.constant 31 : i32
    %lt3A_23 = arith.cmpi slt, %add3A, %lt3A : i32
    %convert_element_type3A_24 = arith.extui %lt3A_23 : i1 to i32
    %cond3A_25 = arith.constant 0 : i32
    %cond3A_26 = arith.cmpi ne, %convert_element_type3A_24, %cond3A_25 : i32
    scf.if %cond3A_26 {
      %add3A_134 = arith.constant 0 : i32
      %add3A_135 = arith.addi %mul3A_2, %add3A_134 : i32
      %dma_start3A_136 = arith.constant 0 : i32
      %dma_start3A_137 = arith.constant 0 : i32
      %dma_start3A_138 = tpu.memref_slice %arg3[%dma_start3A_136, %add3A_135, %dma_start3A_137] : memref<2x2500x128xi32, #tpu.memory_space<hbm>> -> memref<1x1x128xi32, #tpu.memory_space<hbm>>
      %dma_start3A_139 = tpu.memref_squeeze %dma_start3A_138 : memref<1x1x128xi32, #tpu.memory_space<hbm>> -> memref<128xi32, #tpu.memory_space<hbm>>
      %dma_start3A_140 = arith.constant 0 : i32
      %dma_start3A_141 = tpu.memref_slice %arg3[%dma_start3A_136, %add3A_135, %dma_start3A_140] : memref<2x2500x128xi32, #tpu.memory_space<hbm>> -> memref<1x1x128xi32, #tpu.memory_space<hbm>>
      %dma_start3A_142 = tpu.memref_squeeze %dma_start3A_141 : memref<1x1x128xi32, #tpu.memory_space<hbm>> -> memref<128xi32, #tpu.memory_space<hbm>>
      tpu.enqueue_dma source(%dma_start3A_142 : memref<128xi32, #tpu.memory_space<hbm>>) target(%arg6 : memref<128xi32, #tpu.memory_space<vmem>>) target_semaphore(%arg22 : memref<!tpu.dma_semaphore, #tpu.memory_space<semaphore_mem>>)
    } else {
    }
    %eq3A_27 = arith.constant 31 : i32
    %eq3A_28 = arith.cmpi eq, %add3A, %eq3A_27 : i32
    %convert_element_type3A_29 = arith.extui %eq3A_28 : i1 to i32
    %cond3A_30 = arith.constant 0 : i32
    %cond3A_31 = arith.cmpi ne, %convert_element_type3A_29, %cond3A_30 : i32
    scf.if %cond3A_31 {
      %dma_start3A_134 = arith.constant 0 : i32
      %dma_start3A_135 = arith.constant 0 : i32
      %dma_start3A_136 = arith.constant 0 : i32
      %dma_start3A_137 = tpu.memref_slice %arg4[%dma_start3A_134, %dma_start3A_135, %dma_start3A_136] : memref<2x80x128xi32, #tpu.memory_space<hbm>> -> memref<1x1x128xi32, #tpu.memory_space<hbm>>
      %dma_start3A_138 = tpu.memref_squeeze %dma_start3A_137 : memref<1x1x128xi32, #tpu.memory_space<hbm>> -> memref<128xi32, #tpu.memory_space<hbm>>
      %dma_start3A_139 = arith.constant 0 : i32
      %dma_start3A_140 = tpu.memref_slice %arg4[%dma_start3A_134, %dma_start3A_135, %dma_start3A_139] : memref<2x80x128xi32, #tpu.memory_space<hbm>> -> memref<1x1x128xi32, #tpu.memory_space<hbm>>
      %dma_start3A_141 = tpu.memref_squeeze %dma_start3A_140 : memref<1x1x128xi32, #tpu.memory_space<hbm>> -> memref<128xi32, #tpu.memory_space<hbm>>
      tpu.enqueue_dma source(%dma_start3A_141 : memref<128xi32, #tpu.memory_space<hbm>>) target(%arg6 : memref<128xi32, #tpu.memory_space<vmem>>) target_semaphore(%arg22 : memref<!tpu.dma_semaphore, #tpu.memory_space<semaphore_mem>>)
    } else {
    }
    %lt3A_32 = arith.constant 31 : i32
    %lt3A_33 = arith.cmpi slt, %add3A, %lt3A_32 : i32
    %convert_element_type3A_34 = arith.extui %lt3A_33 : i1 to i32
    %cond3A_35 = arith.constant 0 : i32
    %cond3A_36 = arith.cmpi ne, %convert_element_type3A_34, %cond3A_35 : i32
    scf.if %cond3A_36 {
      %add3A_134 = arith.constant 0 : i32
      %add3A_135 = arith.addi %mul3A_2, %add3A_134 : i32
      %dma_start3A_136 = arith.constant 1 : i32
      %dma_start3A_137 = arith.constant 0 : i32
      %dma_start3A_138 = tpu.memref_slice %arg3[%dma_start3A_136, %add3A_135, %dma_start3A_137] : memref<2x2500x128xi32, #tpu.memory_space<hbm>> -> memref<1x1x128xi32, #tpu.memory_space<hbm>>
      %dma_start3A_139 = tpu.memref_squeeze %dma_start3A_138 : memref<1x1x128xi32, #tpu.memory_space<hbm>> -> memref<128xi32, #tpu.memory_space<hbm>>
      %dma_start3A_140 = arith.constant 0 : i32
      %dma_start3A_141 = tpu.memref_slice %arg3[%dma_start3A_136, %add3A_135, %dma_start3A_140] : memref<2x2500x128xi32, #tpu.memory_space<hbm>> -> memref<1x1x128xi32, #tpu.memory_space<hbm>>
      %dma_start3A_142 = tpu.memref_squeeze %dma_start3A_141 : memref<1x1x128xi32, #tpu.memory_space<hbm>> -> memref<128xi32, #tpu.memory_space<hbm>>
      tpu.enqueue_dma source(%dma_start3A_142 : memref<128xi32, #tpu.memory_space<hbm>>) target(%arg9 : memref<128xi32, #tpu.memory_space<vmem>>) target_semaphore(%arg25 : memref<!tpu.dma_semaphore, #tpu.memory_space<semaphore_mem>>)
    } else {
    }
    %eq3A_37 = arith.constant 31 : i32
    %eq3A_38 = arith.cmpi eq, %add3A, %eq3A_37 : i32
    %convert_element_type3A_39 = arith.extui %eq3A_38 : i1 to i32
    %cond3A_40 = arith.constant 0 : i32
    %cond3A_41 = arith.cmpi ne, %convert_element_type3A_39, %cond3A_40 : i32
    scf.if %cond3A_41 {
      %dma_start3A_134 = arith.constant 1 : i32
      %dma_start3A_135 = arith.constant 0 : i32
      %dma_start3A_136 = arith.constant 0 : i32
      %dma_start3A_137 = tpu.memref_slice %arg4[%dma_start3A_134, %dma_start3A_135, %dma_start3A_136] : memref<2x80x128xi32, #tpu.memory_space<hbm>> -> memref<1x1x128xi32, #tpu.memory_space<hbm>>
      %dma_start3A_138 = tpu.memref_squeeze %dma_start3A_137 : memref<1x1x128xi32, #tpu.memory_space<hbm>> -> memref<128xi32, #tpu.memory_space<hbm>>
      %dma_start3A_139 = arith.constant 0 : i32
      %dma_start3A_140 = tpu.memref_slice %arg4[%dma_start3A_134, %dma_start3A_135, %dma_start3A_139] : memref<2x80x128xi32, #tpu.memory_space<hbm>> -> memref<1x1x128xi32, #tpu.memory_space<hbm>>
      %dma_start3A_141 = tpu.memref_squeeze %dma_start3A_140 : memref<1x1x128xi32, #tpu.memory_space<hbm>> -> memref<128xi32, #tpu.memory_space<hbm>>
      tpu.enqueue_dma source(%dma_start3A_141 : memref<128xi32, #tpu.memory_space<hbm>>) target(%arg9 : memref<128xi32, #tpu.memory_space<vmem>>) target_semaphore(%arg25 : memref<!tpu.dma_semaphore, #tpu.memory_space<semaphore_mem>>)
    } else {
    }
    %lt3A_42 = arith.constant 31 : i32
    %lt3A_43 = arith.cmpi slt, %add3A, %lt3A_42 : i32
    %convert_element_type3A_44 = arith.extui %lt3A_43 : i1 to i32
    %cond3A_45 = arith.constant 0 : i32
    %cond3A_46 = arith.cmpi ne, %convert_element_type3A_44, %cond3A_45 : i32
    scf.if %cond3A_46 {
      %add3A_134 = arith.constant 1 : i32
      %add3A_135 = arith.addi %mul3A_2, %add3A_134 : i32
      %dma_start3A_136 = arith.constant 0 : i32
      %dma_start3A_137 = arith.constant 0 : i32
      %dma_start3A_138 = tpu.memref_slice %arg3[%dma_start3A_136, %add3A_135, %dma_start3A_137] : memref<2x2500x128xi32, #tpu.memory_space<hbm>> -> memref<1x1x128xi32, #tpu.memory_space<hbm>>
      %dma_start3A_139 = tpu.memref_squeeze %dma_start3A_138 : memref<1x1x128xi32, #tpu.memory_space<hbm>> -> memref<128xi32, #tpu.memory_space<hbm>>
      %dma_start3A_140 = arith.constant 0 : i32
      %dma_start3A_141 = tpu.memref_slice %arg3[%dma_start3A_136, %add3A_135, %dma_start3A_140] : memref<2x2500x128xi32, #tpu.memory_space<hbm>> -> memref<1x1x128xi32, #tpu.memory_space<hbm>>
      %dma_start3A_142 = tpu.memref_squeeze %dma_start3A_141 : memref<1x1x128xi32, #tpu.memory_space<hbm>> -> memref<128xi32, #tpu.memory_space<hbm>>
      tpu.enqueue_dma source(%dma_start3A_142 : memref<128xi32, #tpu.memory_space<hbm>>) target(%arg7 : memref<128xi32, #tpu.memory_space<vmem>>) target_semaphore(%arg23 : memref<!tpu.dma_semaphore, #tpu.memory_space<semaphore_mem>>)
    } else {
    }
    %eq3A_47 = arith.constant 31 : i32
    %eq3A_48 = arith.cmpi eq, %add3A, %eq3A_47 : i32
    %convert_element_type3A_49 = arith.extui %eq3A_48 : i1 to i32
    %cond3A_50 = arith.constant 0 : i32
    %cond3A_51 = arith.cmpi ne, %convert_element_type3A_49, %cond3A_50 : i32
    scf.if %cond3A_51 {
      %dma_start3A_134 = arith.constant 0 : i32
      %dma_start3A_135 = arith.constant 1 : i32
      %dma_start3A_136 = arith.constant 0 : i32
      %dma_start3A_137 = tpu.memref_slice %arg4[%dma_start3A_134, %dma_start3A_135, %dma_start3A_136] : memref<2x80x128xi32, #tpu.memory_space<hbm>> -> memref<1x1x128xi32, #tpu.memory_space<hbm>>
      %dma_start3A_138 = tpu.memref_squeeze %dma_start3A_137 : memref<1x1x128xi32, #tpu.memory_space<hbm>> -> memref<128xi32, #tpu.memory_space<hbm>>
      %dma_start3A_139 = arith.constant 0 : i32
      %dma_start3A_140 = tpu.memref_slice %arg4[%dma_start3A_134, %dma_start3A_135, %dma_start3A_139] : memref<2x80x128xi32, #tpu.memory_space<hbm>> -> memref<1x1x128xi32, #tpu.memory_space<hbm>>
      %dma_start3A_141 = tpu.memref_squeeze %dma_start3A_140 : memref<1x1x128xi32, #tpu.memory_space<hbm>> -> memref<128xi32, #tpu.memory_space<hbm>>
      tpu.enqueue_dma source(%dma_start3A_141 : memref<128xi32, #tpu.memory_space<hbm>>) target(%arg7 : memref<128xi32, #tpu.memory_space<vmem>>) target_semaphore(%arg23 : memref<!tpu.dma_semaphore, #tpu.memory_space<semaphore_mem>>)
    } else {
    }
    %lt3A_52 = arith.constant 31 : i32
    %lt3A_53 = arith.cmpi slt, %add3A, %lt3A_52 : i32
    %convert_element_type3A_54 = arith.extui %lt3A_53 : i1 to i32
    %cond3A_55 = arith.constant 0 : i32
    %cond3A_56 = arith.cmpi ne, %convert_element_type3A_54, %cond3A_55 : i32
    scf.if %cond3A_56 {
      %add3A_134 = arith.constant 1 : i32
      %add3A_135 = arith.addi %mul3A_2, %add3A_134 : i32
      %dma_start3A_136 = arith.constant 1 : i32
      %dma_start3A_137 = arith.constant 0 : i32
      %dma_start3A_138 = tpu.memref_slice %arg3[%dma_start3A_136, %add3A_135, %dma_start3A_137] : memref<2x2500x128xi32, #tpu.memory_space<hbm>> -> memref<1x1x128xi32, #tpu.memory_space<hbm>>
      %dma_start3A_139 = tpu.memref_squeeze %dma_start3A_138 : memref<1x1x128xi32, #tpu.memory_space<hbm>> -> memref<128xi32, #tpu.memory_space<hbm>>
      %dma_start3A_140 = arith.constant 0 : i32
      %dma_start3A_141 = tpu.memref_slice %arg3[%dma_start3A_136, %add3A_135, %dma_start3A_140] : memref<2x2500x128xi32, #tpu.memory_space<hbm>> -> memref<1x1x128xi32, #tpu.memory_space<hbm>>
      %dma_start3A_142 = tpu.memref_squeeze %dma_start3A_141 : memref<1x1x128xi32, #tpu.memory_space<hbm>> -> memref<128xi32, #tpu.memory_space<hbm>>
      tpu.enqueue_dma source(%dma_start3A_142 : memref<128xi32, #tpu.memory_space<hbm>>) target(%arg10 : memref<128xi32, #tpu.memory_space<vmem>>) target_semaphore(%arg26 : memref<!tpu.dma_semaphore, #tpu.memory_space<semaphore_mem>>)
    } else {
    }
    %eq3A_57 = arith.constant 31 : i32
    %eq3A_58 = arith.cmpi eq, %add3A, %eq3A_57 : i32
    %convert_element_type3A_59 = arith.extui %eq3A_58 : i1 to i32
    %cond3A_60 = arith.constant 0 : i32
    %cond3A_61 = arith.cmpi ne, %convert_element_type3A_59, %cond3A_60 : i32
    scf.if %cond3A_61 {
      %dma_start3A_134 = arith.constant 1 : i32
      %dma_start3A_135 = arith.constant 1 : i32
      %dma_start3A_136 = arith.constant 0 : i32
      %dma_start3A_137 = tpu.memref_slice %arg4[%dma_start3A_134, %dma_start3A_135, %dma_start3A_136] : memref<2x80x128xi32, #tpu.memory_space<hbm>> -> memref<1x1x128xi32, #tpu.memory_space<hbm>>
      %dma_start3A_138 = tpu.memref_squeeze %dma_start3A_137 : memref<1x1x128xi32, #tpu.memory_space<hbm>> -> memref<128xi32, #tpu.memory_space<hbm>>
      %dma_start3A_139 = arith.constant 0 : i32
      %dma_start3A_140 = tpu.memref_slice %arg4[%dma_start3A_134, %dma_start3A_135, %dma_start3A_139] : memref<2x80x128xi32, #tpu.memory_space<hbm>> -> memref<1x1x128xi32, #tpu.memory_space<hbm>>
      %dma_start3A_141 = tpu.memref_squeeze %dma_start3A_140 : memref<1x1x128xi32, #tpu.memory_space<hbm>> -> memref<128xi32, #tpu.memory_space<hbm>>
      tpu.enqueue_dma source(%dma_start3A_141 : memref<128xi32, #tpu.memory_space<hbm>>) target(%arg10 : memref<128xi32, #tpu.memory_space<vmem>>) target_semaphore(%arg26 : memref<!tpu.dma_semaphore, #tpu.memory_space<semaphore_mem>>)
    } else {
    }
    %lt3A_62 = arith.constant 31 : i32
    %lt3A_63 = arith.cmpi slt, %add3A, %lt3A_62 : i32
    %convert_element_type3A_64 = arith.extui %lt3A_63 : i1 to i32
    %cond3A_65 = arith.constant 0 : i32
    %cond3A_66 = arith.cmpi ne, %convert_element_type3A_64, %cond3A_65 : i32
    scf.if %cond3A_66 {
      %add3A_134 = arith.constant 2 : i32
      %add3A_135 = arith.addi %mul3A_2, %add3A_134 : i32
      %dma_start3A_136 = arith.constant 0 : i32
      %dma_start3A_137 = arith.constant 0 : i32
      %dma_start3A_138 = tpu.memref_slice %arg3[%dma_start3A_136, %add3A_135, %dma_start3A_137] : memref<2x2500x128xi32, #tpu.memory_space<hbm>> -> memref<1x1x128xi32, #tpu.memory_space<hbm>>
      %dma_start3A_139 = tpu.memref_squeeze %dma_start3A_138 : memref<1x1x128xi32, #tpu.memory_space<hbm>> -> memref<128xi32, #tpu.memory_space<hbm>>
      %dma_start3A_140 = arith.constant 0 : i32
      %dma_start3A_141 = tpu.memref_slice %arg3[%dma_start3A_136, %add3A_135, %dma_start3A_140] : memref<2x2500x128xi32, #tpu.memory_space<hbm>> -> memref<1x1x128xi32, #tpu.memory_space<hbm>>
      %dma_start3A_142 = tpu.memref_squeeze %dma_start3A_141 : memref<1x1x128xi32, #tpu.memory_space<hbm>> -> memref<128xi32, #tpu.memory_space<hbm>>
      tpu.enqueue_dma source(%dma_start3A_142 : memref<128xi32, #tpu.memory_space<hbm>>) target(%arg8 : memref<128xi32, #tpu.memory_space<vmem>>) target_semaphore(%arg24 : memref<!tpu.dma_semaphore, #tpu.memory_space<semaphore_mem>>)
    } else {
    }
    %eq3A_67 = arith.constant 31 : i32
    %eq3A_68 = arith.cmpi eq, %add3A, %eq3A_67 : i32
    %convert_element_type3A_69 = arith.extui %eq3A_68 : i1 to i32
    %cond3A_70 = arith.constant 0 : i32
    %cond3A_71 = arith.cmpi ne, %convert_element_type3A_69, %cond3A_70 : i32
    scf.if %cond3A_71 {
      %dma_start3A_134 = arith.constant 0 : i32
      %dma_start3A_135 = arith.constant 2 : i32
      %dma_start3A_136 = arith.constant 0 : i32
      %dma_start3A_137 = tpu.memref_slice %arg4[%dma_start3A_134, %dma_start3A_135, %dma_start3A_136] : memref<2x80x128xi32, #tpu.memory_space<hbm>> -> memref<1x1x128xi32, #tpu.memory_space<hbm>>
      %dma_start3A_138 = tpu.memref_squeeze %dma_start3A_137 : memref<1x1x128xi32, #tpu.memory_space<hbm>> -> memref<128xi32, #tpu.memory_space<hbm>>
      %dma_start3A_139 = arith.constant 0 : i32
      %dma_start3A_140 = tpu.memref_slice %arg4[%dma_start3A_134, %dma_start3A_135, %dma_start3A_139] : memref<2x80x128xi32, #tpu.memory_space<hbm>> -> memref<1x1x128xi32, #tpu.memory_space<hbm>>
      %dma_start3A_141 = tpu.memref_squeeze %dma_start3A_140 : memref<1x1x128xi32, #tpu.memory_space<hbm>> -> memref<128xi32, #tpu.memory_space<hbm>>
      tpu.enqueue_dma source(%dma_start3A_141 : memref<128xi32, #tpu.memory_space<hbm>>) target(%arg8 : memref<128xi32, #tpu.memory_space<vmem>>) target_semaphore(%arg24 : memref<!tpu.dma_semaphore, #tpu.memory_space<semaphore_mem>>)
    } else {
    }
    %lt3A_72 = arith.constant 31 : i32
    %lt3A_73 = arith.cmpi slt, %add3A, %lt3A_72 : i32
    %convert_element_type3A_74 = arith.extui %lt3A_73 : i1 to i32
    %cond3A_75 = arith.constant 0 : i32
    %cond3A_76 = arith.cmpi ne, %convert_element_type3A_74, %cond3A_75 : i32
    scf.if %cond3A_76 {
      %add3A_134 = arith.constant 2 : i32
      %add3A_135 = arith.addi %mul3A_2, %add3A_134 : i32
      %dma_start3A_136 = arith.constant 1 : i32
      %dma_start3A_137 = arith.constant 0 : i32
      %dma_start3A_138 = tpu.memref_slice %arg3[%dma_start3A_136, %add3A_135, %dma_start3A_137] : memref<2x2500x128xi32, #tpu.memory_space<hbm>> -> memref<1x1x128xi32, #tpu.memory_space<hbm>>
      %dma_start3A_139 = tpu.memref_squeeze %dma_start3A_138 : memref<1x1x128xi32, #tpu.memory_space<hbm>> -> memref<128xi32, #tpu.memory_space<hbm>>
      %dma_start3A_140 = arith.constant 0 : i32
      %dma_start3A_141 = tpu.memref_slice %arg3[%dma_start3A_136, %add3A_135, %dma_start3A_140] : memref<2x2500x128xi32, #tpu.memory_space<hbm>> -> memref<1x1x128xi32, #tpu.memory_space<hbm>>
      %dma_start3A_142 = tpu.memref_squeeze %dma_start3A_141 : memref<1x1x128xi32, #tpu.memory_space<hbm>> -> memref<128xi32, #tpu.memory_space<hbm>>
      tpu.enqueue_dma source(%dma_start3A_142 : memref<128xi32, #tpu.memory_space<hbm>>) target(%arg11 : memref<128xi32, #tpu.memory_space<vmem>>) target_semaphore(%arg27 : memref<!tpu.dma_semaphore, #tpu.memory_space<semaphore_mem>>)
    } else {
    }
    %eq3A_77 = arith.constant 31 : i32
    %eq3A_78 = arith.cmpi eq, %add3A, %eq3A_77 : i32
    %convert_element_type3A_79 = arith.extui %eq3A_78 : i1 to i32
    %cond3A_80 = arith.constant 0 : i32
    %cond3A_81 = arith.cmpi ne, %convert_element_type3A_79, %cond3A_80 : i32
    scf.if %cond3A_81 {
      %dma_start3A_134 = arith.constant 1 : i32
      %dma_start3A_135 = arith.constant 2 : i32
      %dma_start3A_136 = arith.constant 0 : i32
      %dma_start3A_137 = tpu.memref_slice %arg4[%dma_start3A_134, %dma_start3A_135, %dma_start3A_136] : memref<2x80x128xi32, #tpu.memory_space<hbm>> -> memref<1x1x128xi32, #tpu.memory_space<hbm>>
      %dma_start3A_138 = tpu.memref_squeeze %dma_start3A_137 : memref<1x1x128xi32, #tpu.memory_space<hbm>> -> memref<128xi32, #tpu.memory_space<hbm>>
      %dma_start3A_139 = arith.constant 0 : i32
      %dma_start3A_140 = tpu.memref_slice %arg4[%dma_start3A_134, %dma_start3A_135, %dma_start3A_139] : memref<2x80x128xi32, #tpu.memory_space<hbm>> -> memref<1x1x128xi32, #tpu.memory_space<hbm>>
      %dma_start3A_141 = tpu.memref_squeeze %dma_start3A_140 : memref<1x1x128xi32, #tpu.memory_space<hbm>> -> memref<128xi32, #tpu.memory_space<hbm>>
      tpu.enqueue_dma source(%dma_start3A_141 : memref<128xi32, #tpu.memory_space<hbm>>) target(%arg11 : memref<128xi32, #tpu.memory_space<vmem>>) target_semaphore(%arg27 : memref<!tpu.dma_semaphore, #tpu.memory_space<semaphore_mem>>)
    } else {
    }
    %dma_wait3A = arith.constant 0 : i32
    %dma_wait3A_82 = arith.constant 0 : i32
    %dma_wait3A_83 = tpu.memref_slice %arg3[%dma_wait3A, %mul3A_2, %dma_wait3A_82] : memref<2x2500x128xi32, #tpu.memory_space<hbm>> -> memref<1x1x128xi32, #tpu.memory_space<hbm>>
    %dma_wait3A_84 = tpu.memref_squeeze %dma_wait3A_83 : memref<1x1x128xi32, #tpu.memory_space<hbm>> -> memref<128xi32, #tpu.memory_space<hbm>>
    %dma_wait3A_85 = arith.constant 0 : i32
    %dma_wait3A_86 = tpu.memref_slice %arg3[%dma_wait3A, %mul3A_2, %dma_wait3A_85] : memref<2x2500x128xi32, #tpu.memory_space<hbm>> -> memref<1x1x128xi32, #tpu.memory_space<hbm>>
    %dma_wait3A_87 = tpu.memref_squeeze %dma_wait3A_86 : memref<1x1x128xi32, #tpu.memory_space<hbm>> -> memref<128xi32, #tpu.memory_space<hbm>>
    tpu.wait_dma2 semaphore(%arg22 : memref<!tpu.dma_semaphore, #tpu.memory_space<semaphore_mem>>) src(%dma_wait3A_87 : memref<128xi32, #tpu.memory_space<hbm>>) dst(%arg6 : memref<128xi32, #tpu.memory_space<vmem>>)
    %dma_start3A = arith.constant 0 : i32
    %dma_start3A_88 = arith.constant 0 : i32
    %dma_start3A_89 = tpu.memref_slice %arg2[%dma_start3A, %dma_start3A_88] : memref<10064x128xf32, #tpu.memory_space<hbm>> -> memref<10064x128xf32, #tpu.memory_space<hbm>>
    tpu.enqueue_indirect_dma source(%dma_start3A_89 : memref<10064x128xf32, #tpu.memory_space<hbm>>) target(%arg12 : memref<128x128xf32, #tpu.memory_space<vmem>>) offsets(%arg6 : memref<128xi32, #tpu.memory_space<vmem>>) semaphore(%arg16 : memref<!tpu.dma_semaphore, #tpu.memory_space<semaphore_mem>>)
    %dma_wait3A_90 = arith.constant 0 : i32
    %dma_wait3A_91 = arith.constant 0 : i32
    %dma_wait3A_92 = tpu.memref_slice %arg3[%dma_wait3A_90, %mul3A_2, %dma_wait3A_91] : memref<2x2500x128xi32, #tpu.memory_space<hbm>> -> memref<1x1x128xi32, #tpu.memory_space<hbm>>
    %dma_wait3A_93 = tpu.memref_squeeze %dma_wait3A_92 : memref<1x1x128xi32, #tpu.memory_space<hbm>> -> memref<128xi32, #tpu.memory_space<hbm>>
    %dma_wait3A_94 = arith.constant 0 : i32
    %dma_wait3A_95 = tpu.memref_slice %arg3[%dma_wait3A_90, %mul3A_2, %dma_wait3A_94] : memref<2x2500x128xi32, #tpu.memory_space<hbm>> -> memref<1x1x128xi32, #tpu.memory_space<hbm>>
    %dma_wait3A_96 = tpu.memref_squeeze %dma_wait3A_95 : memref<1x1x128xi32, #tpu.memory_space<hbm>> -> memref<128xi32, #tpu.memory_space<hbm>>
    tpu.wait_dma2 semaphore(%arg23 : memref<!tpu.dma_semaphore, #tpu.memory_space<semaphore_mem>>) src(%dma_wait3A_96 : memref<128xi32, #tpu.memory_space<hbm>>) dst(%arg7 : memref<128xi32, #tpu.memory_space<vmem>>)
    %dma_start3A_97 = arith.constant 0 : i32
    %dma_start3A_98 = arith.constant 0 : i32
    %dma_start3A_99 = tpu.memref_slice %arg2[%dma_start3A_97, %dma_start3A_98] : memref<10064x128xf32, #tpu.memory_space<hbm>> -> memref<10064x128xf32, #tpu.memory_space<hbm>>
    tpu.enqueue_indirect_dma source(%dma_start3A_99 : memref<10064x128xf32, #tpu.memory_space<hbm>>) target(%arg13 : memref<128x128xf32, #tpu.memory_space<vmem>>) offsets(%arg7 : memref<128xi32, #tpu.memory_space<vmem>>) semaphore(%arg17 : memref<!tpu.dma_semaphore, #tpu.memory_space<semaphore_mem>>)
    %dma_wait3A_100 = arith.constant 0 : i32
    %dma_wait3A_101 = arith.constant 0 : i32
    %dma_wait3A_102 = tpu.memref_slice %arg3[%dma_wait3A_100, %mul3A_2, %dma_wait3A_101] : memref<2x2500x128xi32, #tpu.memory_space<hbm>> -> memref<1x1x128xi32, #tpu.memory_space<hbm>>
    %dma_wait3A_103 = tpu.memref_squeeze %dma_wait3A_102 : memref<1x1x128xi32, #tpu.memory_space<hbm>> -> memref<128xi32, #tpu.memory_space<hbm>>
    %dma_wait3A_104 = arith.constant 0 : i32
    %dma_wait3A_105 = tpu.memref_slice %arg3[%dma_wait3A_100, %mul3A_2, %dma_wait3A_104] : memref<2x2500x128xi32, #tpu.memory_space<hbm>> -> memref<1x1x128xi32, #tpu.memory_space<hbm>>
    %dma_wait3A_106 = tpu.memref_squeeze %dma_wait3A_105 : memref<1x1x128xi32, #tpu.memory_space<hbm>> -> memref<128xi32, #tpu.memory_space<hbm>>
    tpu.wait_dma2 semaphore(%arg24 : memref<!tpu.dma_semaphore, #tpu.memory_space<semaphore_mem>>) src(%dma_wait3A_106 : memref<128xi32, #tpu.memory_space<hbm>>) dst(%arg8 : memref<128xi32, #tpu.memory_space<vmem>>)
    %dma_start3A_107 = arith.constant 0 : i32
    %dma_start3A_108 = arith.constant 0 : i32
    %dma_start3A_109 = tpu.memref_slice %arg2[%dma_start3A_107, %dma_start3A_108] : memref<10064x128xf32, #tpu.memory_space<hbm>> -> memref<10064x128xf32, #tpu.memory_space<hbm>>
    tpu.enqueue_indirect_dma source(%dma_start3A_109 : memref<10064x128xf32, #tpu.memory_space<hbm>>) target(%arg14 : memref<128x128xf32, #tpu.memory_space<vmem>>) offsets(%arg8 : memref<128xi32, #tpu.memory_space<vmem>>) semaphore(%arg18 : memref<!tpu.dma_semaphore, #tpu.memory_space<semaphore_mem>>)
    %barrier3A = arith.constant 0 : index
    tpu.barrier barrier_id(%barrier3A)
    %scan3A_110 = arith.constant 0 : i32
    %scan3A_111 = arith.constant 0 : i32
    %scan3A_112 = arith.constant 27 : i32
    %scan3A_113 = arith.addi %scan3A_111, %scan3A_112 : i32
    %scan3A_114 = arith.constant 1 : i32
    scf.for %scan3A_134 = %scan3A_111 to %scan3A_113 step %scan3A_114  : i32 {
      %mul3A_135 = arith.constant 3 : i32
      %mul3A_136 = arith.muli %mul3A_135, %scan3A_134 : i32
      %add3A_137 = arith.constant 0 : i32
      %add3A_138 = arith.addi %mul3A_136, %add3A_137 : i32
      %lt3A_139 = arith.constant 80 : i32
      %lt3A_140 = arith.cmpi slt, %add3A_138, %lt3A_139 : i32
      %convert_element_type3A_141 = arith.extui %lt3A_140 : i1 to i32
      %cond3A_142 = arith.constant 0 : i32
      %cond3A_143 = arith.cmpi ne, %convert_element_type3A_141, %cond3A_142 : i32
      scf.if %cond3A_143 {
        %dma_wait3A_219 = arith.constant 0 : i32
        %dma_wait3A_220 = arith.constant 0 : i32
        %dma_wait3A_221 = tpu.memref_slice %arg2[%dma_wait3A_219, %dma_wait3A_220] : memref<10064x128xf32, #tpu.memory_space<hbm>> -> memref<10064x128xf32, #tpu.memory_space<hbm>>
        tpu.wait_indirect_dma semaphore(%arg16 : memref<!tpu.dma_semaphore, #tpu.memory_space<semaphore_mem>>) src(%dma_wait3A_221 : memref<10064x128xf32, #tpu.memory_space<hbm>>) dst(%arg12 : memref<128x128xf32, #tpu.memory_space<vmem>>)
      } else {
      }
      %add3A_144 = arith.constant 3 : i32
      %add3A_145 = arith.addi %add3A_138, %add3A_144 : i32
      %lt3A_146 = arith.constant 80 : i32
      %lt3A_147 = arith.cmpi slt, %add3A_145, %lt3A_146 : i32
      %convert_element_type3A_148 = arith.extui %lt3A_147 : i1 to i32
      %cond3A_149 = arith.constant 0 : i32
      %cond3A_150 = arith.cmpi ne, %convert_element_type3A_148, %cond3A_149 : i32
      scf.if %cond3A_150 {
        %add3A_219 = arith.constant 3 : i32
        %add3A_220 = arith.addi %add3A_138, %add3A_219 : i32
        %lt3A_221 = arith.constant 31 : i32
        %lt3A_222 = arith.cmpi slt, %add3A, %lt3A_221 : i32
        %convert_element_type3A_223 = arith.extui %lt3A_222 : i1 to i32
        %cond3A_224 = arith.constant 0 : i32
        %cond3A_225 = arith.cmpi ne, %convert_element_type3A_223, %cond3A_224 : i32
        scf.if %cond3A_225 {
          %add3A_231 = arith.addi %mul3A_2, %add3A_220 : i32
          %dma_start3A_232 = arith.constant 0 : i32
          %dma_start3A_233 = arith.constant 0 : i32
          %dma_start3A_234 = tpu.memref_slice %arg3[%dma_start3A_232, %add3A_231, %dma_start3A_233] : memref<2x2500x128xi32, #tpu.memory_space<hbm>> -> memref<1x1x128xi32, #tpu.memory_space<hbm>>
          %dma_start3A_235 = tpu.memref_squeeze %dma_start3A_234 : memref<1x1x128xi32, #tpu.memory_space<hbm>> -> memref<128xi32, #tpu.memory_space<hbm>>
          %dma_start3A_236 = arith.constant 0 : i32
          %dma_start3A_237 = tpu.memref_slice %arg3[%dma_start3A_232, %add3A_231, %dma_start3A_236] : memref<2x2500x128xi32, #tpu.memory_space<hbm>> -> memref<1x1x128xi32, #tpu.memory_space<hbm>>
          %dma_start3A_238 = tpu.memref_squeeze %dma_start3A_237 : memref<1x1x128xi32, #tpu.memory_space<hbm>> -> memref<128xi32, #tpu.memory_space<hbm>>
          tpu.enqueue_dma source(%dma_start3A_238 : memref<128xi32, #tpu.memory_space<hbm>>) target(%arg6 : memref<128xi32, #tpu.memory_space<vmem>>) target_semaphore(%arg22 : memref<!tpu.dma_semaphore, #tpu.memory_space<semaphore_mem>>)
        } else {
        }
        %eq3A_226 = arith.constant 31 : i32
        %eq3A_227 = arith.cmpi eq, %add3A, %eq3A_226 : i32
        %convert_element_type3A_228 = arith.extui %eq3A_227 : i1 to i32
        %cond3A_229 = arith.constant 0 : i32
        %cond3A_230 = arith.cmpi ne, %convert_element_type3A_228, %cond3A_229 : i32
        scf.if %cond3A_230 {
          %dma_start3A_231 = arith.constant 0 : i32
          %dma_start3A_232 = arith.constant 0 : i32
          %dma_start3A_233 = tpu.memref_slice %arg4[%dma_start3A_231, %add3A_220, %dma_start3A_232] : memref<2x80x128xi32, #tpu.memory_space<hbm>> -> memref<1x1x128xi32, #tpu.memory_space<hbm>>
          %dma_start3A_234 = tpu.memref_squeeze %dma_start3A_233 : memref<1x1x128xi32, #tpu.memory_space<hbm>> -> memref<128xi32, #tpu.memory_space<hbm>>
          %dma_start3A_235 = arith.constant 0 : i32
          %dma_start3A_236 = tpu.memref_slice %arg4[%dma_start3A_231, %add3A_220, %dma_start3A_235] : memref<2x80x128xi32, #tpu.memory_space<hbm>> -> memref<1x1x128xi32, #tpu.memory_space<hbm>>
          %dma_start3A_237 = tpu.memref_squeeze %dma_start3A_236 : memref<1x1x128xi32, #tpu.memory_space<hbm>> -> memref<128xi32, #tpu.memory_space<hbm>>
          tpu.enqueue_dma source(%dma_start3A_237 : memref<128xi32, #tpu.memory_space<hbm>>) target(%arg6 : memref<128xi32, #tpu.memory_space<vmem>>) target_semaphore(%arg22 : memref<!tpu.dma_semaphore, #tpu.memory_space<semaphore_mem>>)
        } else {
        }
      } else {
      }
      %lt3A_151 = arith.constant 80 : i32
      %lt3A_152 = arith.cmpi slt, %add3A_138, %lt3A_151 : i32
      %convert_element_type3A_153 = arith.extui %lt3A_152 : i1 to i32
      %cond3A_154 = arith.constant 0 : i32
      %cond3A_155 = arith.cmpi ne, %convert_element_type3A_153, %cond3A_154 : i32
      scf.if %cond3A_155 {
        %dma_wait3A_219 = arith.constant 0 : i32
        %dma_wait3A_220 = arith.constant 0 : i32
        %dma_wait3A_221 = tpu.memref_slice %arg3[%dma_wait3A_219, %mul3A_2, %dma_wait3A_220] : memref<2x2500x128xi32, #tpu.memory_space<hbm>> -> memref<1x1x128xi32, #tpu.memory_space<hbm>>
        %dma_wait3A_222 = tpu.memref_squeeze %dma_wait3A_221 : memref<1x1x128xi32, #tpu.memory_space<hbm>> -> memref<128xi32, #tpu.memory_space<hbm>>
        %dma_wait3A_223 = arith.constant 0 : i32
        %dma_wait3A_224 = tpu.memref_slice %arg3[%dma_wait3A_219, %mul3A_2, %dma_wait3A_223] : memref<2x2500x128xi32, #tpu.memory_space<hbm>> -> memref<1x1x128xi32, #tpu.memory_space<hbm>>
        %dma_wait3A_225 = tpu.memref_squeeze %dma_wait3A_224 : memref<1x1x128xi32, #tpu.memory_space<hbm>> -> memref<128xi32, #tpu.memory_space<hbm>>
        tpu.wait_dma2 semaphore(%arg25 : memref<!tpu.dma_semaphore, #tpu.memory_space<semaphore_mem>>) src(%dma_wait3A_225 : memref<128xi32, #tpu.memory_space<hbm>>) dst(%arg9 : memref<128xi32, #tpu.memory_space<vmem>>)
        %dma_start3A_226 = arith.constant 0 : i32
        %dma_start3A_227 = arith.constant 0 : i32
        %dma_start3A_228 = tpu.memref_slice %arg15[%dma_start3A_226, %dma_start3A_227] : memref<10000x128xf32, #tpu.memory_space<vmem_shared>> -> memref<10000x128xf32, #tpu.memory_space<vmem_shared>>
        tpu.enqueue_indirect_dma source(%arg12 : memref<128x128xf32, #tpu.memory_space<vmem>>) target(%dma_start3A_228 : memref<10000x128xf32, #tpu.memory_space<vmem_shared>>) offsets(%arg9 : memref<128xi32, #tpu.memory_space<vmem>>) semaphore(%arg19 : memref<!tpu.dma_semaphore, #tpu.memory_space<semaphore_mem>>) {add = true}
      } else {
      }
      %add3A_156 = arith.constant 3 : i32
      %add3A_157 = arith.addi %add3A_138, %add3A_156 : i32
      %lt3A_158 = arith.constant 80 : i32
      %lt3A_159 = arith.cmpi slt, %add3A_157, %lt3A_158 : i32
      %convert_element_type3A_160 = arith.extui %lt3A_159 : i1 to i32
      %cond3A_161 = arith.constant 0 : i32
      %cond3A_162 = arith.cmpi ne, %convert_element_type3A_160, %cond3A_161 : i32
      scf.if %cond3A_162 {
        %dma_wait3A_219 = arith.constant 0 : i32
        %dma_wait3A_220 = arith.constant 0 : i32
        %dma_wait3A_221 = tpu.memref_slice %arg15[%dma_wait3A_219, %dma_wait3A_220] : memref<10000x128xf32, #tpu.memory_space<vmem_shared>> -> memref<10000x128xf32, #tpu.memory_space<vmem_shared>>
        tpu.wait_indirect_dma semaphore(%arg19 : memref<!tpu.dma_semaphore, #tpu.memory_space<semaphore_mem>>) src(%arg12 : memref<128x128xf32, #tpu.memory_space<vmem>>) dst(%dma_wait3A_221 : memref<10000x128xf32, #tpu.memory_space<vmem_shared>>)
        %add3A_222 = arith.constant 3 : i32
        %add3A_223 = arith.addi %add3A_138, %add3A_222 : i32
        %lt3A_224 = arith.constant 31 : i32
        %lt3A_225 = arith.cmpi slt, %add3A, %lt3A_224 : i32
        %convert_element_type3A_226 = arith.extui %lt3A_225 : i1 to i32
        %cond3A_227 = arith.constant 0 : i32
        %cond3A_228 = arith.cmpi ne, %convert_element_type3A_226, %cond3A_227 : i32
        scf.if %cond3A_228 {
          %add3A_244 = arith.addi %mul3A_2, %add3A_223 : i32
          %dma_start3A_245 = arith.constant 1 : i32
          %dma_start3A_246 = arith.constant 0 : i32
          %dma_start3A_247 = tpu.memref_slice %arg3[%dma_start3A_245, %add3A_244, %dma_start3A_246] : memref<2x2500x128xi32, #tpu.memory_space<hbm>> -> memref<1x1x128xi32, #tpu.memory_space<hbm>>
          %dma_start3A_248 = tpu.memref_squeeze %dma_start3A_247 : memref<1x1x128xi32, #tpu.memory_space<hbm>> -> memref<128xi32, #tpu.memory_space<hbm>>
          %dma_start3A_249 = arith.constant 0 : i32
          %dma_start3A_250 = tpu.memref_slice %arg3[%dma_start3A_245, %add3A_244, %dma_start3A_249] : memref<2x2500x128xi32, #tpu.memory_space<hbm>> -> memref<1x1x128xi32, #tpu.memory_space<hbm>>
          %dma_start3A_251 = tpu.memref_squeeze %dma_start3A_250 : memref<1x1x128xi32, #tpu.memory_space<hbm>> -> memref<128xi32, #tpu.memory_space<hbm>>
          tpu.enqueue_dma source(%dma_start3A_251 : memref<128xi32, #tpu.memory_space<hbm>>) target(%arg9 : memref<128xi32, #tpu.memory_space<vmem>>) target_semaphore(%arg25 : memref<!tpu.dma_semaphore, #tpu.memory_space<semaphore_mem>>)
        } else {
        }
        %eq3A_229 = arith.constant 31 : i32
        %eq3A_230 = arith.cmpi eq, %add3A, %eq3A_229 : i32
        %convert_element_type3A_231 = arith.extui %eq3A_230 : i1 to i32
        %cond3A_232 = arith.constant 0 : i32
        %cond3A_233 = arith.cmpi ne, %convert_element_type3A_231, %cond3A_232 : i32
        scf.if %cond3A_233 {
          %dma_start3A_244 = arith.constant 1 : i32
          %dma_start3A_245 = arith.constant 0 : i32
          %dma_start3A_246 = tpu.memref_slice %arg4[%dma_start3A_244, %add3A_223, %dma_start3A_245] : memref<2x80x128xi32, #tpu.memory_space<hbm>> -> memref<1x1x128xi32, #tpu.memory_space<hbm>>
          %dma_start3A_247 = tpu.memref_squeeze %dma_start3A_246 : memref<1x1x128xi32, #tpu.memory_space<hbm>> -> memref<128xi32, #tpu.memory_space<hbm>>
          %dma_start3A_248 = arith.constant 0 : i32
          %dma_start3A_249 = tpu.memref_slice %arg4[%dma_start3A_244, %add3A_223, %dma_start3A_248] : memref<2x80x128xi32, #tpu.memory_space<hbm>> -> memref<1x1x128xi32, #tpu.memory_space<hbm>>
          %dma_start3A_250 = tpu.memref_squeeze %dma_start3A_249 : memref<1x1x128xi32, #tpu.memory_space<hbm>> -> memref<128xi32, #tpu.memory_space<hbm>>
          tpu.enqueue_dma source(%dma_start3A_250 : memref<128xi32, #tpu.memory_space<hbm>>) target(%arg9 : memref<128xi32, #tpu.memory_space<vmem>>) target_semaphore(%arg25 : memref<!tpu.dma_semaphore, #tpu.memory_space<semaphore_mem>>)
        } else {
        }
        %dma_wait3A_234 = arith.constant 0 : i32
        %dma_wait3A_235 = arith.constant 0 : i32
        %dma_wait3A_236 = tpu.memref_slice %arg3[%dma_wait3A_234, %mul3A_2, %dma_wait3A_235] : memref<2x2500x128xi32, #tpu.memory_space<hbm>> -> memref<1x1x128xi32, #tpu.memory_space<hbm>>
        %dma_wait3A_237 = tpu.memref_squeeze %dma_wait3A_236 : memref<1x1x128xi32, #tpu.memory_space<hbm>> -> memref<128xi32, #tpu.memory_space<hbm>>
        %dma_wait3A_238 = arith.constant 0 : i32
        %dma_wait3A_239 = tpu.memref_slice %arg3[%dma_wait3A_234, %mul3A_2, %dma_wait3A_238] : memref<2x2500x128xi32, #tpu.memory_space<hbm>> -> memref<1x1x128xi32, #tpu.memory_space<hbm>>
        %dma_wait3A_240 = tpu.memref_squeeze %dma_wait3A_239 : memref<1x1x128xi32, #tpu.memory_space<hbm>> -> memref<128xi32, #tpu.memory_space<hbm>>
        tpu.wait_dma2 semaphore(%arg22 : memref<!tpu.dma_semaphore, #tpu.memory_space<semaphore_mem>>) src(%dma_wait3A_240 : memref<128xi32, #tpu.memory_space<hbm>>) dst(%arg6 : memref<128xi32, #tpu.memory_space<vmem>>)
        %dma_start3A_241 = arith.constant 0 : i32
        %dma_start3A_242 = arith.constant 0 : i32
        %dma_start3A_243 = tpu.memref_slice %arg2[%dma_start3A_241, %dma_start3A_242] : memref<10064x128xf32, #tpu.memory_space<hbm>> -> memref<10064x128xf32, #tpu.memory_space<hbm>>
        tpu.enqueue_indirect_dma source(%dma_start3A_243 : memref<10064x128xf32, #tpu.memory_space<hbm>>) target(%arg12 : memref<128x128xf32, #tpu.memory_space<vmem>>) offsets(%arg6 : memref<128xi32, #tpu.memory_space<vmem>>) semaphore(%arg16 : memref<!tpu.dma_semaphore, #tpu.memory_space<semaphore_mem>>)
      } else {
      }
      %mul3A_163 = arith.constant 3 : i32
      %mul3A_164 = arith.muli %mul3A_163, %scan3A_134 : i32
      %add3A_165 = arith.constant 1 : i32
      %add3A_166 = arith.addi %mul3A_164, %add3A_165 : i32
      %lt3A_167 = arith.constant 80 : i32
      %lt3A_168 = arith.cmpi slt, %add3A_166, %lt3A_167 : i32
      %convert_element_type3A_169 = arith.extui %lt3A_168 : i1 to i32
      %cond3A_170 = arith.constant 0 : i32
      %cond3A_171 = arith.cmpi ne, %convert_element_type3A_169, %cond3A_170 : i32
      scf.if %cond3A_171 {
        %dma_wait3A_219 = arith.constant 0 : i32
        %dma_wait3A_220 = arith.constant 0 : i32
        %dma_wait3A_221 = tpu.memref_slice %arg2[%dma_wait3A_219, %dma_wait3A_220] : memref<10064x128xf32, #tpu.memory_space<hbm>> -> memref<10064x128xf32, #tpu.memory_space<hbm>>
        tpu.wait_indirect_dma semaphore(%arg17 : memref<!tpu.dma_semaphore, #tpu.memory_space<semaphore_mem>>) src(%dma_wait3A_221 : memref<10064x128xf32, #tpu.memory_space<hbm>>) dst(%arg13 : memref<128x128xf32, #tpu.memory_space<vmem>>)
      } else {
      }
      %add3A_172 = arith.constant 3 : i32
      %add3A_173 = arith.addi %add3A_166, %add3A_172 : i32
      %lt3A_174 = arith.constant 80 : i32
      %lt3A_175 = arith.cmpi slt, %add3A_173, %lt3A_174 : i32
      %convert_element_type3A_176 = arith.extui %lt3A_175 : i1 to i32
      %cond3A_177 = arith.constant 0 : i32
      %cond3A_178 = arith.cmpi ne, %convert_element_type3A_176, %cond3A_177 : i32
      scf.if %cond3A_178 {
        %add3A_219 = arith.constant 3 : i32
        %add3A_220 = arith.addi %add3A_166, %add3A_219 : i32
        %lt3A_221 = arith.constant 31 : i32
        %lt3A_222 = arith.cmpi slt, %add3A, %lt3A_221 : i32
        %convert_element_type3A_223 = arith.extui %lt3A_222 : i1 to i32
        %cond3A_224 = arith.constant 0 : i32
        %cond3A_225 = arith.cmpi ne, %convert_element_type3A_223, %cond3A_224 : i32
        scf.if %cond3A_225 {
          %add3A_231 = arith.addi %mul3A_2, %add3A_220 : i32
          %dma_start3A_232 = arith.constant 0 : i32
          %dma_start3A_233 = arith.constant 0 : i32
          %dma_start3A_234 = tpu.memref_slice %arg3[%dma_start3A_232, %add3A_231, %dma_start3A_233] : memref<2x2500x128xi32, #tpu.memory_space<hbm>> -> memref<1x1x128xi32, #tpu.memory_space<hbm>>
          %dma_start3A_235 = tpu.memref_squeeze %dma_start3A_234 : memref<1x1x128xi32, #tpu.memory_space<hbm>> -> memref<128xi32, #tpu.memory_space<hbm>>
          %dma_start3A_236 = arith.constant 0 : i32
          %dma_start3A_237 = tpu.memref_slice %arg3[%dma_start3A_232, %add3A_231, %dma_start3A_236] : memref<2x2500x128xi32, #tpu.memory_space<hbm>> -> memref<1x1x128xi32, #tpu.memory_space<hbm>>
          %dma_start3A_238 = tpu.memref_squeeze %dma_start3A_237 : memref<1x1x128xi32, #tpu.memory_space<hbm>> -> memref<128xi32, #tpu.memory_space<hbm>>
          tpu.enqueue_dma source(%dma_start3A_238 : memref<128xi32, #tpu.memory_space<hbm>>) target(%arg7 : memref<128xi32, #tpu.memory_space<vmem>>) target_semaphore(%arg23 : memref<!tpu.dma_semaphore, #tpu.memory_space<semaphore_mem>>)
        } else {
        }
        %eq3A_226 = arith.constant 31 : i32
        %eq3A_227 = arith.cmpi eq, %add3A, %eq3A_226 : i32
        %convert_element_type3A_228 = arith.extui %eq3A_227 : i1 to i32
        %cond3A_229 = arith.constant 0 : i32
        %cond3A_230 = arith.cmpi ne, %convert_element_type3A_228, %cond3A_229 : i32
        scf.if %cond3A_230 {
          %dma_start3A_231 = arith.constant 0 : i32
          %dma_start3A_232 = arith.constant 0 : i32
          %dma_start3A_233 = tpu.memref_slice %arg4[%dma_start3A_231, %add3A_220, %dma_start3A_232] : memref<2x80x128xi32, #tpu.memory_space<hbm>> -> memref<1x1x128xi32, #tpu.memory_space<hbm>>
          %dma_start3A_234 = tpu.memref_squeeze %dma_start3A_233 : memref<1x1x128xi32, #tpu.memory_space<hbm>> -> memref<128xi32, #tpu.memory_space<hbm>>
          %dma_start3A_235 = arith.constant 0 : i32
          %dma_start3A_236 = tpu.memref_slice %arg4[%dma_start3A_231, %add3A_220, %dma_start3A_235] : memref<2x80x128xi32, #tpu.memory_space<hbm>> -> memref<1x1x128xi32, #tpu.memory_space<hbm>>
          %dma_start3A_237 = tpu.memref_squeeze %dma_start3A_236 : memref<1x1x128xi32, #tpu.memory_space<hbm>> -> memref<128xi32, #tpu.memory_space<hbm>>
          tpu.enqueue_dma source(%dma_start3A_237 : memref<128xi32, #tpu.memory_space<hbm>>) target(%arg7 : memref<128xi32, #tpu.memory_space<vmem>>) target_semaphore(%arg23 : memref<!tpu.dma_semaphore, #tpu.memory_space<semaphore_mem>>)
        } else {
        }
      } else {
      }
      %lt3A_179 = arith.constant 80 : i32
      %lt3A_180 = arith.cmpi slt, %add3A_166, %lt3A_179 : i32
      %convert_element_type3A_181 = arith.extui %lt3A_180 : i1 to i32
      %cond3A_182 = arith.constant 0 : i32
      %cond3A_183 = arith.cmpi ne, %convert_element_type3A_181, %cond3A_182 : i32
      scf.if %cond3A_183 {
        %dma_wait3A_219 = arith.constant 0 : i32
        %dma_wait3A_220 = arith.constant 0 : i32
        %dma_wait3A_221 = tpu.memref_slice %arg3[%dma_wait3A_219, %mul3A_2, %dma_wait3A_220] : memref<2x2500x128xi32, #tpu.memory_space<hbm>> -> memref<1x1x128xi32, #tpu.memory_space<hbm>>
        %dma_wait3A_222 = tpu.memref_squeeze %dma_wait3A_221 : memref<1x1x128xi32, #tpu.memory_space<hbm>> -> memref<128xi32, #tpu.memory_space<hbm>>
        %dma_wait3A_223 = arith.constant 0 : i32
        %dma_wait3A_224 = tpu.memref_slice %arg3[%dma_wait3A_219, %mul3A_2, %dma_wait3A_223] : memref<2x2500x128xi32, #tpu.memory_space<hbm>> -> memref<1x1x128xi32, #tpu.memory_space<hbm>>
        %dma_wait3A_225 = tpu.memref_squeeze %dma_wait3A_224 : memref<1x1x128xi32, #tpu.memory_space<hbm>> -> memref<128xi32, #tpu.memory_space<hbm>>
        tpu.wait_dma2 semaphore(%arg26 : memref<!tpu.dma_semaphore, #tpu.memory_space<semaphore_mem>>) src(%dma_wait3A_225 : memref<128xi32, #tpu.memory_space<hbm>>) dst(%arg10 : memref<128xi32, #tpu.memory_space<vmem>>)
        %dma_start3A_226 = arith.constant 0 : i32
        %dma_start3A_227 = arith.constant 0 : i32
        %dma_start3A_228 = tpu.memref_slice %arg15[%dma_start3A_226, %dma_start3A_227] : memref<10000x128xf32, #tpu.memory_space<vmem_shared>> -> memref<10000x128xf32, #tpu.memory_space<vmem_shared>>
        tpu.enqueue_indirect_dma source(%arg13 : memref<128x128xf32, #tpu.memory_space<vmem>>) target(%dma_start3A_228 : memref<10000x128xf32, #tpu.memory_space<vmem_shared>>) offsets(%arg10 : memref<128xi32, #tpu.memory_space<vmem>>) semaphore(%arg20 : memref<!tpu.dma_semaphore, #tpu.memory_space<semaphore_mem>>) {add = true}
      } else {
      }
      %add3A_184 = arith.constant 3 : i32
      %add3A_185 = arith.addi %add3A_166, %add3A_184 : i32
      %lt3A_186 = arith.constant 80 : i32
      %lt3A_187 = arith.cmpi slt, %add3A_185, %lt3A_186 : i32
      %convert_element_type3A_188 = arith.extui %lt3A_187 : i1 to i32
      %cond3A_189 = arith.constant 0 : i32
      %cond3A_190 = arith.cmpi ne, %convert_element_type3A_188, %cond3A_189 : i32
      scf.if %cond3A_190 {
        %dma_wait3A_219 = arith.constant 0 : i32
        %dma_wait3A_220 = arith.constant 0 : i32
        %dma_wait3A_221 = tpu.memref_slice %arg15[%dma_wait3A_219, %dma_wait3A_220] : memref<10000x128xf32, #tpu.memory_space<vmem_shared>> -> memref<10000x128xf32, #tpu.memory_space<vmem_shared>>
        tpu.wait_indirect_dma semaphore(%arg20 : memref<!tpu.dma_semaphore, #tpu.memory_space<semaphore_mem>>) src(%arg13 : memref<128x128xf32, #tpu.memory_space<vmem>>) dst(%dma_wait3A_221 : memref<10000x128xf32, #tpu.memory_space<vmem_shared>>)
        %add3A_222 = arith.constant 3 : i32
        %add3A_223 = arith.addi %add3A_166, %add3A_222 : i32
        %lt3A_224 = arith.constant 31 : i32
        %lt3A_225 = arith.cmpi slt, %add3A, %lt3A_224 : i32
        %convert_element_type3A_226 = arith.extui %lt3A_225 : i1 to i32
        %cond3A_227 = arith.constant 0 : i32
        %cond3A_228 = arith.cmpi ne, %convert_element_type3A_226, %cond3A_227 : i32
        scf.if %cond3A_228 {
          %add3A_244 = arith.addi %mul3A_2, %add3A_223 : i32
          %dma_start3A_245 = arith.constant 1 : i32
          %dma_start3A_246 = arith.constant 0 : i32
          %dma_start3A_247 = tpu.memref_slice %arg3[%dma_start3A_245, %add3A_244, %dma_start3A_246] : memref<2x2500x128xi32, #tpu.memory_space<hbm>> -> memref<1x1x128xi32, #tpu.memory_space<hbm>>
          %dma_start3A_248 = tpu.memref_squeeze %dma_start3A_247 : memref<1x1x128xi32, #tpu.memory_space<hbm>> -> memref<128xi32, #tpu.memory_space<hbm>>
          %dma_start3A_249 = arith.constant 0 : i32
          %dma_start3A_250 = tpu.memref_slice %arg3[%dma_start3A_245, %add3A_244, %dma_start3A_249] : memref<2x2500x128xi32, #tpu.memory_space<hbm>> -> memref<1x1x128xi32, #tpu.memory_space<hbm>>
          %dma_start3A_251 = tpu.memref_squeeze %dma_start3A_250 : memref<1x1x128xi32, #tpu.memory_space<hbm>> -> memref<128xi32, #tpu.memory_space<hbm>>
          tpu.enqueue_dma source(%dma_start3A_251 : memref<128xi32, #tpu.memory_space<hbm>>) target(%arg10 : memref<128xi32, #tpu.memory_space<vmem>>) target_semaphore(%arg26 : memref<!tpu.dma_semaphore, #tpu.memory_space<semaphore_mem>>)
        } else {
        }
        %eq3A_229 = arith.constant 31 : i32
        %eq3A_230 = arith.cmpi eq, %add3A, %eq3A_229 : i32
        %convert_element_type3A_231 = arith.extui %eq3A_230 : i1 to i32
        %cond3A_232 = arith.constant 0 : i32
        %cond3A_233 = arith.cmpi ne, %convert_element_type3A_231, %cond3A_232 : i32
        scf.if %cond3A_233 {
          %dma_start3A_244 = arith.constant 1 : i32
          %dma_start3A_245 = arith.constant 0 : i32
          %dma_start3A_246 = tpu.memref_slice %arg4[%dma_start3A_244, %add3A_223, %dma_start3A_245] : memref<2x80x128xi32, #tpu.memory_space<hbm>> -> memref<1x1x128xi32, #tpu.memory_space<hbm>>
          %dma_start3A_247 = tpu.memref_squeeze %dma_start3A_246 : memref<1x1x128xi32, #tpu.memory_space<hbm>> -> memref<128xi32, #tpu.memory_space<hbm>>
          %dma_start3A_248 = arith.constant 0 : i32
          %dma_start3A_249 = tpu.memref_slice %arg4[%dma_start3A_244, %add3A_223, %dma_start3A_248] : memref<2x80x128xi32, #tpu.memory_space<hbm>> -> memref<1x1x128xi32, #tpu.memory_space<hbm>>
          %dma_start3A_250 = tpu.memref_squeeze %dma_start3A_249 : memref<1x1x128xi32, #tpu.memory_space<hbm>> -> memref<128xi32, #tpu.memory_space<hbm>>
          tpu.enqueue_dma source(%dma_start3A_250 : memref<128xi32, #tpu.memory_space<hbm>>) target(%arg10 : memref<128xi32, #tpu.memory_space<vmem>>) target_semaphore(%arg26 : memref<!tpu.dma_semaphore, #tpu.memory_space<semaphore_mem>>)
        } else {
        }
        %dma_wait3A_234 = arith.constant 0 : i32
        %dma_wait3A_235 = arith.constant 0 : i32
        %dma_wait3A_236 = tpu.memref_slice %arg3[%dma_wait3A_234, %mul3A_2, %dma_wait3A_235] : memref<2x2500x128xi32, #tpu.memory_space<hbm>> -> memref<1x1x128xi32, #tpu.memory_space<hbm>>
        %dma_wait3A_237 = tpu.memref_squeeze %dma_wait3A_236 : memref<1x1x128xi32, #tpu.memory_space<hbm>> -> memref<128xi32, #tpu.memory_space<hbm>>
        %dma_wait3A_238 = arith.constant 0 : i32
        %dma_wait3A_239 = tpu.memref_slice %arg3[%dma_wait3A_234, %mul3A_2, %dma_wait3A_238] : memref<2x2500x128xi32, #tpu.memory_space<hbm>> -> memref<1x1x128xi32, #tpu.memory_space<hbm>>
        %dma_wait3A_240 = tpu.memref_squeeze %dma_wait3A_239 : memref<1x1x128xi32, #tpu.memory_space<hbm>> -> memref<128xi32, #tpu.memory_space<hbm>>
        tpu.wait_dma2 semaphore(%arg23 : memref<!tpu.dma_semaphore, #tpu.memory_space<semaphore_mem>>) src(%dma_wait3A_240 : memref<128xi32, #tpu.memory_space<hbm>>) dst(%arg7 : memref<128xi32, #tpu.memory_space<vmem>>)
        %dma_start3A_241 = arith.constant 0 : i32
        %dma_start3A_242 = arith.constant 0 : i32
        %dma_start3A_243 = tpu.memref_slice %arg2[%dma_start3A_241, %dma_start3A_242] : memref<10064x128xf32, #tpu.memory_space<hbm>> -> memref<10064x128xf32, #tpu.memory_space<hbm>>
        tpu.enqueue_indirect_dma source(%dma_start3A_243 : memref<10064x128xf32, #tpu.memory_space<hbm>>) target(%arg13 : memref<128x128xf32, #tpu.memory_space<vmem>>) offsets(%arg7 : memref<128xi32, #tpu.memory_space<vmem>>) semaphore(%arg17 : memref<!tpu.dma_semaphore, #tpu.memory_space<semaphore_mem>>)
      } else {
      }
      %mul3A_191 = arith.constant 3 : i32
      %mul3A_192 = arith.muli %mul3A_191, %scan3A_134 : i32
      %add3A_193 = arith.constant 2 : i32
      %add3A_194 = arith.addi %mul3A_192, %add3A_193 : i32
      %lt3A_195 = arith.constant 80 : i32
      %lt3A_196 = arith.cmpi slt, %add3A_194, %lt3A_195 : i32
      %convert_element_type3A_197 = arith.extui %lt3A_196 : i1 to i32
      %cond3A_198 = arith.constant 0 : i32
      %cond3A_199 = arith.cmpi ne, %convert_element_type3A_197, %cond3A_198 : i32
      scf.if %cond3A_199 {
        %dma_wait3A_219 = arith.constant 0 : i32
        %dma_wait3A_220 = arith.constant 0 : i32
        %dma_wait3A_221 = tpu.memref_slice %arg2[%dma_wait3A_219, %dma_wait3A_220] : memref<10064x128xf32, #tpu.memory_space<hbm>> -> memref<10064x128xf32, #tpu.memory_space<hbm>>
        tpu.wait_indirect_dma semaphore(%arg18 : memref<!tpu.dma_semaphore, #tpu.memory_space<semaphore_mem>>) src(%dma_wait3A_221 : memref<10064x128xf32, #tpu.memory_space<hbm>>) dst(%arg14 : memref<128x128xf32, #tpu.memory_space<vmem>>)
      } else {
      }
      %add3A_200 = arith.constant 3 : i32
      %add3A_201 = arith.addi %add3A_194, %add3A_200 : i32
      %lt3A_202 = arith.constant 80 : i32
      %lt3A_203 = arith.cmpi slt, %add3A_201, %lt3A_202 : i32
      %convert_element_type3A_204 = arith.extui %lt3A_203 : i1 to i32
      %cond3A_205 = arith.constant 0 : i32
      %cond3A_206 = arith.cmpi ne, %convert_element_type3A_204, %cond3A_205 : i32
      scf.if %cond3A_206 {
        %add3A_219 = arith.constant 3 : i32
        %add3A_220 = arith.addi %add3A_194, %add3A_219 : i32
        %lt3A_221 = arith.constant 31 : i32
        %lt3A_222 = arith.cmpi slt, %add3A, %lt3A_221 : i32
        %convert_element_type3A_223 = arith.extui %lt3A_222 : i1 to i32
        %cond3A_224 = arith.constant 0 : i32
        %cond3A_225 = arith.cmpi ne, %convert_element_type3A_223, %cond3A_224 : i32
        scf.if %cond3A_225 {
          %add3A_231 = arith.addi %mul3A_2, %add3A_220 : i32
          %dma_start3A_232 = arith.constant 0 : i32
          %dma_start3A_233 = arith.constant 0 : i32
          %dma_start3A_234 = tpu.memref_slice %arg3[%dma_start3A_232, %add3A_231, %dma_start3A_233] : memref<2x2500x128xi32, #tpu.memory_space<hbm>> -> memref<1x1x128xi32, #tpu.memory_space<hbm>>
          %dma_start3A_235 = tpu.memref_squeeze %dma_start3A_234 : memref<1x1x128xi32, #tpu.memory_space<hbm>> -> memref<128xi32, #tpu.memory_space<hbm>>
          %dma_start3A_236 = arith.constant 0 : i32
          %dma_start3A_237 = tpu.memref_slice %arg3[%dma_start3A_232, %add3A_231, %dma_start3A_236] : memref<2x2500x128xi32, #tpu.memory_space<hbm>> -> memref<1x1x128xi32, #tpu.memory_space<hbm>>
          %dma_start3A_238 = tpu.memref_squeeze %dma_start3A_237 : memref<1x1x128xi32, #tpu.memory_space<hbm>> -> memref<128xi32, #tpu.memory_space<hbm>>
          tpu.enqueue_dma source(%dma_start3A_238 : memref<128xi32, #tpu.memory_space<hbm>>) target(%arg8 : memref<128xi32, #tpu.memory_space<vmem>>) target_semaphore(%arg24 : memref<!tpu.dma_semaphore, #tpu.memory_space<semaphore_mem>>)
        } else {
        }
        %eq3A_226 = arith.constant 31 : i32
        %eq3A_227 = arith.cmpi eq, %add3A, %eq3A_226 : i32
        %convert_element_type3A_228 = arith.extui %eq3A_227 : i1 to i32
        %cond3A_229 = arith.constant 0 : i32
        %cond3A_230 = arith.cmpi ne, %convert_element_type3A_228, %cond3A_229 : i32
        scf.if %cond3A_230 {
          %dma_start3A_231 = arith.constant 0 : i32
          %dma_start3A_232 = arith.constant 0 : i32
          %dma_start3A_233 = tpu.memref_slice %arg4[%dma_start3A_231, %add3A_220, %dma_start3A_232] : memref<2x80x128xi32, #tpu.memory_space<hbm>> -> memref<1x1x128xi32, #tpu.memory_space<hbm>>
          %dma_start3A_234 = tpu.memref_squeeze %dma_start3A_233 : memref<1x1x128xi32, #tpu.memory_space<hbm>> -> memref<128xi32, #tpu.memory_space<hbm>>
          %dma_start3A_235 = arith.constant 0 : i32
          %dma_start3A_236 = tpu.memref_slice %arg4[%dma_start3A_231, %add3A_220, %dma_start3A_235] : memref<2x80x128xi32, #tpu.memory_space<hbm>> -> memref<1x1x128xi32, #tpu.memory_space<hbm>>
          %dma_start3A_237 = tpu.memref_squeeze %dma_start3A_236 : memref<1x1x128xi32, #tpu.memory_space<hbm>> -> memref<128xi32, #tpu.memory_space<hbm>>
          tpu.enqueue_dma source(%dma_start3A_237 : memref<128xi32, #tpu.memory_space<hbm>>) target(%arg8 : memref<128xi32, #tpu.memory_space<vmem>>) target_semaphore(%arg24 : memref<!tpu.dma_semaphore, #tpu.memory_space<semaphore_mem>>)
        } else {
        }
      } else {
      }
      %lt3A_207 = arith.constant 80 : i32
      %lt3A_208 = arith.cmpi slt, %add3A_194, %lt3A_207 : i32
      %convert_element_type3A_209 = arith.extui %lt3A_208 : i1 to i32
      %cond3A_210 = arith.constant 0 : i32
      %cond3A_211 = arith.cmpi ne, %convert_element_type3A_209, %cond3A_210 : i32
      scf.if %cond3A_211 {
        %dma_wait3A_219 = arith.constant 0 : i32
        %dma_wait3A_220 = arith.constant 0 : i32
        %dma_wait3A_221 = tpu.memref_slice %arg3[%dma_wait3A_219, %mul3A_2, %dma_wait3A_220] : memref<2x2500x128xi32, #tpu.memory_space<hbm>> -> memref<1x1x128xi32, #tpu.memory_space<hbm>>
        %dma_wait3A_222 = tpu.memref_squeeze %dma_wait3A_221 : memref<1x1x128xi32, #tpu.memory_space<hbm>> -> memref<128xi32, #tpu.memory_space<hbm>>
        %dma_wait3A_223 = arith.constant 0 : i32
        %dma_wait3A_224 = tpu.memref_slice %arg3[%dma_wait3A_219, %mul3A_2, %dma_wait3A_223] : memref<2x2500x128xi32, #tpu.memory_space<hbm>> -> memref<1x1x128xi32, #tpu.memory_space<hbm>>
        %dma_wait3A_225 = tpu.memref_squeeze %dma_wait3A_224 : memref<1x1x128xi32, #tpu.memory_space<hbm>> -> memref<128xi32, #tpu.memory_space<hbm>>
        tpu.wait_dma2 semaphore(%arg27 : memref<!tpu.dma_semaphore, #tpu.memory_space<semaphore_mem>>) src(%dma_wait3A_225 : memref<128xi32, #tpu.memory_space<hbm>>) dst(%arg11 : memref<128xi32, #tpu.memory_space<vmem>>)
        %dma_start3A_226 = arith.constant 0 : i32
        %dma_start3A_227 = arith.constant 0 : i32
        %dma_start3A_228 = tpu.memref_slice %arg15[%dma_start3A_226, %dma_start3A_227] : memref<10000x128xf32, #tpu.memory_space<vmem_shared>> -> memref<10000x128xf32, #tpu.memory_space<vmem_shared>>
        tpu.enqueue_indirect_dma source(%arg14 : memref<128x128xf32, #tpu.memory_space<vmem>>) target(%dma_start3A_228 : memref<10000x128xf32, #tpu.memory_space<vmem_shared>>) offsets(%arg11 : memref<128xi32, #tpu.memory_space<vmem>>) semaphore(%arg21 : memref<!tpu.dma_semaphore, #tpu.memory_space<semaphore_mem>>) {add = true}
      } else {
      }
      %add3A_212 = arith.constant 3 : i32
      %add3A_213 = arith.addi %add3A_194, %add3A_212 : i32
      %lt3A_214 = arith.constant 80 : i32
      %lt3A_215 = arith.cmpi slt, %add3A_213, %lt3A_214 : i32
      %convert_element_type3A_216 = arith.extui %lt3A_215 : i1 to i32
      %cond3A_217 = arith.constant 0 : i32
      %cond3A_218 = arith.cmpi ne, %convert_element_type3A_216, %cond3A_217 : i32
      scf.if %cond3A_218 {
        %dma_wait3A_219 = arith.constant 0 : i32
        %dma_wait3A_220 = arith.constant 0 : i32
        %dma_wait3A_221 = tpu.memref_slice %arg15[%dma_wait3A_219, %dma_wait3A_220] : memref<10000x128xf32, #tpu.memory_space<vmem_shared>> -> memref<10000x128xf32, #tpu.memory_space<vmem_shared>>
        tpu.wait_indirect_dma semaphore(%arg21 : memref<!tpu.dma_semaphore, #tpu.memory_space<semaphore_mem>>) src(%arg14 : memref<128x128xf32, #tpu.memory_space<vmem>>) dst(%dma_wait3A_221 : memref<10000x128xf32, #tpu.memory_space<vmem_shared>>)
        %add3A_222 = arith.constant 3 : i32
        %add3A_223 = arith.addi %add3A_194, %add3A_222 : i32
        %lt3A_224 = arith.constant 31 : i32
        %lt3A_225 = arith.cmpi slt, %add3A, %lt3A_224 : i32
        %convert_element_type3A_226 = arith.extui %lt3A_225 : i1 to i32
        %cond3A_227 = arith.constant 0 : i32
        %cond3A_228 = arith.cmpi ne, %convert_element_type3A_226, %cond3A_227 : i32
        scf.if %cond3A_228 {
          %add3A_244 = arith.addi %mul3A_2, %add3A_223 : i32
          %dma_start3A_245 = arith.constant 1 : i32
          %dma_start3A_246 = arith.constant 0 : i32
          %dma_start3A_247 = tpu.memref_slice %arg3[%dma_start3A_245, %add3A_244, %dma_start3A_246] : memref<2x2500x128xi32, #tpu.memory_space<hbm>> -> memref<1x1x128xi32, #tpu.memory_space<hbm>>
          %dma_start3A_248 = tpu.memref_squeeze %dma_start3A_247 : memref<1x1x128xi32, #tpu.memory_space<hbm>> -> memref<128xi32, #tpu.memory_space<hbm>>
          %dma_start3A_249 = arith.constant 0 : i32
          %dma_start3A_250 = tpu.memref_slice %arg3[%dma_start3A_245, %add3A_244, %dma_start3A_249] : memref<2x2500x128xi32, #tpu.memory_space<hbm>> -> memref<1x1x128xi32, #tpu.memory_space<hbm>>
          %dma_start3A_251 = tpu.memref_squeeze %dma_start3A_250 : memref<1x1x128xi32, #tpu.memory_space<hbm>> -> memref<128xi32, #tpu.memory_space<hbm>>
          tpu.enqueue_dma source(%dma_start3A_251 : memref<128xi32, #tpu.memory_space<hbm>>) target(%arg11 : memref<128xi32, #tpu.memory_space<vmem>>) target_semaphore(%arg27 : memref<!tpu.dma_semaphore, #tpu.memory_space<semaphore_mem>>)
        } else {
        }
        %eq3A_229 = arith.constant 31 : i32
        %eq3A_230 = arith.cmpi eq, %add3A, %eq3A_229 : i32
        %convert_element_type3A_231 = arith.extui %eq3A_230 : i1 to i32
        %cond3A_232 = arith.constant 0 : i32
        %cond3A_233 = arith.cmpi ne, %convert_element_type3A_231, %cond3A_232 : i32
        scf.if %cond3A_233 {
          %dma_start3A_244 = arith.constant 1 : i32
          %dma_start3A_245 = arith.constant 0 : i32
          %dma_start3A_246 = tpu.memref_slice %arg4[%dma_start3A_244, %add3A_223, %dma_start3A_245] : memref<2x80x128xi32, #tpu.memory_space<hbm>> -> memref<1x1x128xi32, #tpu.memory_space<hbm>>
          %dma_start3A_247 = tpu.memref_squeeze %dma_start3A_246 : memref<1x1x128xi32, #tpu.memory_space<hbm>> -> memref<128xi32, #tpu.memory_space<hbm>>
          %dma_start3A_248 = arith.constant 0 : i32
          %dma_start3A_249 = tpu.memref_slice %arg4[%dma_start3A_244, %add3A_223, %dma_start3A_248] : memref<2x80x128xi32, #tpu.memory_space<hbm>> -> memref<1x1x128xi32, #tpu.memory_space<hbm>>
          %dma_start3A_250 = tpu.memref_squeeze %dma_start3A_249 : memref<1x1x128xi32, #tpu.memory_space<hbm>> -> memref<128xi32, #tpu.memory_space<hbm>>
          tpu.enqueue_dma source(%dma_start3A_250 : memref<128xi32, #tpu.memory_space<hbm>>) target(%arg11 : memref<128xi32, #tpu.memory_space<vmem>>) target_semaphore(%arg27 : memref<!tpu.dma_semaphore, #tpu.memory_space<semaphore_mem>>)
        } else {
        }
        %dma_wait3A_234 = arith.constant 0 : i32
        %dma_wait3A_235 = arith.constant 0 : i32
        %dma_wait3A_236 = tpu.memref_slice %arg3[%dma_wait3A_234, %mul3A_2, %dma_wait3A_235] : memref<2x2500x128xi32, #tpu.memory_space<hbm>> -> memref<1x1x128xi32, #tpu.memory_space<hbm>>
        %dma_wait3A_237 = tpu.memref_squeeze %dma_wait3A_236 : memref<1x1x128xi32, #tpu.memory_space<hbm>> -> memref<128xi32, #tpu.memory_space<hbm>>
        %dma_wait3A_238 = arith.constant 0 : i32
        %dma_wait3A_239 = tpu.memref_slice %arg3[%dma_wait3A_234, %mul3A_2, %dma_wait3A_238] : memref<2x2500x128xi32, #tpu.memory_space<hbm>> -> memref<1x1x128xi32, #tpu.memory_space<hbm>>
        %dma_wait3A_240 = tpu.memref_squeeze %dma_wait3A_239 : memref<1x1x128xi32, #tpu.memory_space<hbm>> -> memref<128xi32, #tpu.memory_space<hbm>>
        tpu.wait_dma2 semaphore(%arg24 : memref<!tpu.dma_semaphore, #tpu.memory_space<semaphore_mem>>) src(%dma_wait3A_240 : memref<128xi32, #tpu.memory_space<hbm>>) dst(%arg8 : memref<128xi32, #tpu.memory_space<vmem>>)
        %dma_start3A_241 = arith.constant 0 : i32
        %dma_start3A_242 = arith.constant 0 : i32
        %dma_start3A_243 = tpu.memref_slice %arg2[%dma_start3A_241, %dma_start3A_242] : memref<10064x128xf32, #tpu.memory_space<hbm>> -> memref<10064x128xf32, #tpu.memory_space<hbm>>
        tpu.enqueue_indirect_dma source(%dma_start3A_243 : memref<10064x128xf32, #tpu.memory_space<hbm>>) target(%arg14 : memref<128x128xf32, #tpu.memory_space<vmem>>) offsets(%arg8 : memref<128xi32, #tpu.memory_space<vmem>>) semaphore(%arg18 : memref<!tpu.dma_semaphore, #tpu.memory_space<semaphore_mem>>)
      } else {
      }
    }
    %scan3A_115 = arith.constant 27 : i32
    %dma_wait3A_116 = arith.constant 0 : i32
    %dma_wait3A_117 = arith.constant 0 : i32
    %dma_wait3A_118 = tpu.memref_slice %arg15[%dma_wait3A_116, %dma_wait3A_117] : memref<10000x128xf32, #tpu.memory_space<vmem_shared>> -> memref<10000x128xf32, #tpu.memory_space<vmem_shared>>
    tpu.wait_indirect_dma semaphore(%arg19 : memref<!tpu.dma_semaphore, #tpu.memory_space<semaphore_mem>>) src(%arg12 : memref<128x128xf32, #tpu.memory_space<vmem>>) dst(%dma_wait3A_118 : memref<10000x128xf32, #tpu.memory_space<vmem_shared>>)
    %dma_wait3A_119 = arith.constant 0 : i32
    %dma_wait3A_120 = arith.constant 0 : i32
    %dma_wait3A_121 = tpu.memref_slice %arg15[%dma_wait3A_119, %dma_wait3A_120] : memref<10000x128xf32, #tpu.memory_space<vmem_shared>> -> memref<10000x128xf32, #tpu.memory_space<vmem_shared>>
    tpu.wait_indirect_dma semaphore(%arg20 : memref<!tpu.dma_semaphore, #tpu.memory_space<semaphore_mem>>) src(%arg13 : memref<128x128xf32, #tpu.memory_space<vmem>>) dst(%dma_wait3A_121 : memref<10000x128xf32, #tpu.memory_space<vmem_shared>>)
    %dma_wait3A_122 = arith.constant 0 : i32
    %dma_wait3A_123 = arith.constant 0 : i32
    %dma_wait3A_124 = tpu.memref_slice %arg15[%dma_wait3A_122, %dma_wait3A_123] : memref<10000x128xf32, #tpu.memory_space<vmem_shared>> -> memref<10000x128xf32, #tpu.memory_space<vmem_shared>>
    tpu.wait_indirect_dma semaphore(%arg21 : memref<!tpu.dma_semaphore, #tpu.memory_space<semaphore_mem>>) src(%arg14 : memref<128x128xf32, #tpu.memory_space<vmem>>) dst(%dma_wait3A_124 : memref<10000x128xf32, #tpu.memory_space<vmem_shared>>)
    %barrier3A_125 = arith.constant 0 : index
    tpu.barrier barrier_id(%barrier3A_125)
    %mul3A_126 = arith.constant 10000 : i32
    %mul3A_127 = arith.muli %arg0, %mul3A_126 : i32
    %add3A_128 = arith.addi %mul3A_127, %mul3A_10 : i32
    "tpu.region"() ({
      %run_scoped3A = tpu.sem_alloc : memref<!tpu.dma_semaphore, #tpu.memory_space<semaphore_mem>>
      %dma_start3A_134 = arith.constant 0 : i32
      %dma_start3A_135 = tpu.memref_slice %arg5[%add3A_128, %dma_start3A_134] : memref<20000x128xf32, #tpu.memory_space<hbm>> -> memref<624x128xf32, #tpu.memory_space<hbm>>
      %dma_start3A_136 = arith.constant 0 : i32
      %dma_start3A_137 = tpu.memref_slice %arg15[%mul3A_10, %dma_start3A_136] : memref<10000x128xf32, #tpu.memory_space<vmem_shared>> -> memref<624x128xf32, #tpu.memory_space<vmem_shared>>
      tpu.enqueue_dma source(%dma_start3A_137 : memref<624x128xf32, #tpu.memory_space<vmem_shared>>) target(%dma_start3A_135 : memref<624x128xf32, #tpu.memory_space<hbm>>) target_semaphore(%run_scoped3A : memref<!tpu.dma_semaphore, #tpu.memory_space<semaphore_mem>>)
      %dma_wait3A_138 = arith.constant 0 : i32
      %dma_wait3A_139 = tpu.memref_slice %arg5[%add3A_128, %dma_wait3A_138] : memref<20000x128xf32, #tpu.memory_space<hbm>> -> memref<624x128xf32, #tpu.memory_space<hbm>>
      %dma_wait3A_140 = arith.constant 0 : i32
      %dma_wait3A_141 = tpu.memref_slice %arg15[%mul3A_10, %dma_wait3A_140] : memref<10000x128xf32, #tpu.memory_space<vmem_shared>> -> memref<624x128xf32, #tpu.memory_space<vmem_shared>>
      tpu.wait_dma2 semaphore(%run_scoped3A : memref<!tpu.dma_semaphore, #tpu.memory_space<semaphore_mem>>) src(%dma_wait3A_141 : memref<624x128xf32, #tpu.memory_space<vmem_shared>>) dst(%dma_wait3A_139 : memref<624x128xf32, #tpu.memory_space<hbm>>)
      tpu.yield
    }) : () -> ()
    %eq3A_129 = arith.constant 0 : i32
    %eq3A_130 = arith.cmpi eq, %arg1, %eq3A_129 : i32
    %convert_element_type3A_131 = arith.extui %eq3A_130 : i1 to i32
    %cond3A_132 = arith.constant 0 : i32
    %cond3A_133 = arith.cmpi ne, %convert_element_type3A_131, %cond3A_132 : i32
    scf.if %cond3A_133 {
      %mul3A_134 = arith.constant 10000 : i32
      %mul3A_135 = arith.muli %arg0, %mul3A_134 : i32
      %add3A_136 = arith.constant 9984 : i32
      %add3A_137 = arith.addi %mul3A_135, %add3A_136 : i32
      "tpu.region"() ({
        %run_scoped3A = tpu.sem_alloc : memref<!tpu.dma_semaphore, #tpu.memory_space<semaphore_mem>>
        %dma_start3A_138 = arith.constant 0 : i32
        %dma_start3A_139 = tpu.memref_slice %arg5[%add3A_137, %dma_start3A_138] : memref<20000x128xf32, #tpu.memory_space<hbm>> -> memref<16x128xf32, #tpu.memory_space<hbm>>
        %dma_start3A_140 = arith.constant 9984 : i32
        %dma_start3A_141 = arith.constant 0 : i32
        %dma_start3A_142 = tpu.memref_slice %arg15[%dma_start3A_140, %dma_start3A_141] : memref<10000x128xf32, #tpu.memory_space<vmem_shared>> -> memref<16x128xf32, #tpu.memory_space<vmem_shared>>
        tpu.enqueue_dma source(%dma_start3A_142 : memref<16x128xf32, #tpu.memory_space<vmem_shared>>) target(%dma_start3A_139 : memref<16x128xf32, #tpu.memory_space<hbm>>) target_semaphore(%run_scoped3A : memref<!tpu.dma_semaphore, #tpu.memory_space<semaphore_mem>>)
        %dma_wait3A_143 = arith.constant 0 : i32
        %dma_wait3A_144 = tpu.memref_slice %arg5[%add3A_137, %dma_wait3A_143] : memref<20000x128xf32, #tpu.memory_space<hbm>> -> memref<16x128xf32, #tpu.memory_space<hbm>>
        %dma_wait3A_145 = arith.constant 9984 : i32
        %dma_wait3A_146 = arith.constant 0 : i32
        %dma_wait3A_147 = tpu.memref_slice %arg15[%dma_wait3A_145, %dma_wait3A_146] : memref<10000x128xf32, #tpu.memory_space<vmem_shared>> -> memref<16x128xf32, #tpu.memory_space<vmem_shared>>
        tpu.wait_dma2 semaphore(%run_scoped3A : memref<!tpu.dma_semaphore, #tpu.memory_space<semaphore_mem>>) src(%dma_wait3A_147 : memref<16x128xf32, #tpu.memory_space<vmem_shared>>) dst(%dma_wait3A_144 : memref<16x128xf32, #tpu.memory_space<hbm>>)
        tpu.yield
      }) : () -> ()
    } else {
    }
    return
  }
}

#map = affine_map<(d0, d1) -> (0, 0)>
#map1 = affine_map<(d0, d1) -> (0, 0, 0)>
module attributes {stable_mosaic.version = 14 : i64} {
  func.func @k(%arg0: i32, %arg1: i32, %arg2: memref<10064x128xf32, #tpu.memory_space<hbm>>, %arg3: memref<2x2500x128xi32, #tpu.memory_space<hbm>>, %arg4: memref<2x80x128xi32, #tpu.memory_space<hbm>>, %arg5: memref<20000x128xf32, #tpu.memory_space<hbm>>, %arg6: memref<128xi32, #tpu.memory_space<vmem>>, %arg7: memref<128xi32, #tpu.memory_space<vmem>>, %arg8: memref<128xi32, #tpu.memory_space<vmem>>, %arg9: memref<128xi32, #tpu.memory_space<vmem>>, %arg10: memref<128xi32, #tpu.memory_space<vmem>>, %arg11: memref<128xi32, #tpu.memory_space<vmem>>, %arg12: memref<128x128xf32, #tpu.memory_space<vmem>>, %arg13: memref<128x128xf32, #tpu.memory_space<vmem>>, %arg14: memref<128x128xf32, #tpu.memory_space<vmem>>, %arg15: memref<10000x128xf32, #tpu.memory_space<vmem_shared>>, %arg16: memref<!tpu.dma_semaphore, #tpu.memory_space<semaphore_mem>>, %arg17: memref<!tpu.dma_semaphore, #tpu.memory_space<semaphore_mem>>, %arg18: memref<!tpu.dma_semaphore, #tpu.memory_space<semaphore_mem>>, %arg19: memref<!tpu.dma_semaphore, #tpu.memory_space<semaphore_mem>>, %arg20: memref<!tpu.dma_semaphore, #tpu.memory_space<semaphore_mem>>, %arg21: memref<!tpu.dma_semaphore, #tpu.memory_space<semaphore_mem>>, %arg22: memref<!tpu.dma_semaphore, #tpu.memory_space<semaphore_mem>>, %arg23: memref<!tpu.dma_semaphore, #tpu.memory_space<semaphore_mem>>, %arg24: memref<!tpu.dma_semaphore, #tpu.memory_space<semaphore_mem>>, %arg25: memref<!tpu.dma_semaphore, #tpu.memory_space<semaphore_mem>>, %arg26: memref<!tpu.dma_semaphore, #tpu.memory_space<semaphore_mem>>, %arg27: memref<!tpu.dma_semaphore, #tpu.memory_space<semaphore_mem>>) attributes {dimension_semantics = [#tpu.dimension_semantics<core_parallel>, #tpu.dimension_semantics<subcore_parallel>], iteration_bounds = array<i64: 2, 16>, scalar_prefetch = 0 : i64, scratch_operands = 22 : i64, tpu.core_type = #tpu.core_type<sc_vector_subcore>, window_params = [{transform_indices = #map}, {transform_indices = #map1}, {transform_indices = #map1}, {transform_indices = #map}]} {
    %mul3A = arith.constant 16 : i32
    %mul3A_0 = arith.muli %arg0, %mul3A : i32
    %add3A = arith.addi %mul3A_0, %arg1 : i32
    %mul3A_1 = arith.constant 80 : i32
    %mul3A_2 = arith.muli %add3A, %mul3A_1 : i32
    %broadcast_in_dim3A = arith.constant 0.000000e+00 : f32
    %broadcast_in_dim3A_3 = vector.broadcast %broadcast_in_dim3A : f32 to vector<16xf32>
    %scan3A = arith.constant 0 : i32
    %scan3A_4 = arith.constant 0 : i32
    %scan3A_5 = arith.constant 128 : i32
    %scan3A_6 = arith.addi %scan3A_4, %scan3A_5 : i32
    %scan3A_7 = arith.constant 1 : i32
    scf.for %scan3A_134 = %scan3A_4 to %scan3A_6 step %scan3A_7  : i32 {
      %swap3A = arith.index_cast %scan3A_134 : i32 to index
      %swap3A_135 = arith.constant 0 : index
      %swap3A_136 = tpu.vector_load %arg12[%swap3A, %swap3A_135] {strides = array<i32>} : memref<128x128xf32, #tpu.memory_space<vmem>>, vector<1x16xf32>,
      %swap3A_137 = vector.shape_cast %swap3A_136 : vector<1x16xf32> to vector<16xf32>
      %swap3A_138 = vector.shape_cast %broadcast_in_dim3A_3 : vector<16xf32> to vector<1x16xf32>
      tpu.vector_store %arg12[%swap3A, %swap3A_135], %swap3A_138 {strides = array<i32>} : memref<128x128xf32, #tpu.memory_space<vmem>>, vector<1x16xf32>,
      %swap3A_139 = arith.index_cast %scan3A_134 : i32 to index
      %swap3A_140 = arith.constant 16 : index
      %swap3A_141 = tpu.vector_load %arg12[%swap3A_139, %swap3A_140] {strides = array<i32>} : memref<128x128xf32, #tpu.memory_space<vmem>>, vector<1x16xf32>,
      %swap3A_142 = vector.shape_cast %swap3A_141 : vector<1x16xf32> to vector<16xf32>
      %swap3A_143 = vector.shape_cast %broadcast_in_dim3A_3 : vector<16xf32> to vector<1x16xf32>
      tpu.vector_store %arg12[%swap3A_139, %swap3A_140], %swap3A_143 {strides = array<i32>} : memref<128x128xf32, #tpu.memory_space<vmem>>, vector<1x16xf32>,
      %swap3A_144 = arith.index_cast %scan3A_134 : i32 to index
      %swap3A_145 = arith.constant 32 : index
      %swap3A_146 = tpu.vector_load %arg12[%swap3A_144, %swap3A_145] {strides = array<i32>} : memref<128x128xf32, #tpu.memory_space<vmem>>, vector<1x16xf32>,
      %swap3A_147 = vector.shape_cast %swap3A_146 : vector<1x16xf32> to vector<16xf32>
      %swap3A_148 = vector.shape_cast %broadcast_in_dim3A_3 : vector<16xf32> to vector<1x16xf32>
      tpu.vector_store %arg12[%swap3A_144, %swap3A_145], %swap3A_148 {strides = array<i32>} : memref<128x128xf32, #tpu.memory_space<vmem>>, vector<1x16xf32>,
      %swap3A_149 = arith.index_cast %scan3A_134 : i32 to index
      %swap3A_150 = arith.constant 48 : index
      %swap3A_151 = tpu.vector_load %arg12[%swap3A_149, %swap3A_150] {strides = array<i32>} : memref<128x128xf32, #tpu.memory_space<vmem>>, vector<1x16xf32>,
      %swap3A_152 = vector.shape_cast %swap3A_151 : vector<1x16xf32> to vector<16xf32>
      %swap3A_153 = vector.shape_cast %broadcast_in_dim3A_3 : vector<16xf32> to vector<1x16xf32>
      tpu.vector_store %arg12[%swap3A_149, %swap3A_150], %swap3A_153 {strides = array<i32>} : memref<128x128xf32, #tpu.memory_space<vmem>>, vector<1x16xf32>,
      %swap3A_154 = arith.index_cast %scan3A_134 : i32 to index
      %swap3A_155 = arith.constant 64 : index
      %swap3A_156 = tpu.vector_load %arg12[%swap3A_154, %swap3A_155] {strides = array<i32>} : memref<128x128xf32, #tpu.memory_space<vmem>>, vector<1x16xf32>,
      %swap3A_157 = vector.shape_cast %swap3A_156 : vector<1x16xf32> to vector<16xf32>
      %swap3A_158 = vector.shape_cast %broadcast_in_dim3A_3 : vector<16xf32> to vector<1x16xf32>
      tpu.vector_store %arg12[%swap3A_154, %swap3A_155], %swap3A_158 {strides = array<i32>} : memref<128x128xf32, #tpu.memory_space<vmem>>, vector<1x16xf32>,
      %swap3A_159 = arith.index_cast %scan3A_134 : i32 to index
      %swap3A_160 = arith.constant 80 : index
      %swap3A_161 = tpu.vector_load %arg12[%swap3A_159, %swap3A_160] {strides = array<i32>} : memref<128x128xf32, #tpu.memory_space<vmem>>, vector<1x16xf32>,
      %swap3A_162 = vector.shape_cast %swap3A_161 : vector<1x16xf32> to vector<16xf32>
      %swap3A_163 = vector.shape_cast %broadcast_in_dim3A_3 : vector<16xf32> to vector<1x16xf32>
      tpu.vector_store %arg12[%swap3A_159, %swap3A_160], %swap3A_163 {strides = array<i32>} : memref<128x128xf32, #tpu.memory_space<vmem>>, vector<1x16xf32>,
      %swap3A_164 = arith.index_cast %scan3A_134 : i32 to index
      %swap3A_165 = arith.constant 96 : index
      %swap3A_166 = tpu.vector_load %arg12[%swap3A_164, %swap3A_165] {strides = array<i32>} : memref<128x128xf32, #tpu.memory_space<vmem>>, vector<1x16xf32>,
      %swap3A_167 = vector.shape_cast %swap3A_166 : vector<1x16xf32> to vector<16xf32>
      %swap3A_168 = vector.shape_cast %broadcast_in_dim3A_3 : vector<16xf32> to vector<1x16xf32>
      tpu.vector_store %arg12[%swap3A_164, %swap3A_165], %swap3A_168 {strides = array<i32>} : memref<128x128xf32, #tpu.memory_space<vmem>>, vector<1x16xf32>,
      %swap3A_169 = arith.index_cast %scan3A_134 : i32 to index
      %swap3A_170 = arith.constant 112 : index
      %swap3A_171 = tpu.vector_load %arg12[%swap3A_169, %swap3A_170] {strides = array<i32>} : memref<128x128xf32, #tpu.memory_space<vmem>>, vector<1x16xf32>,
      %swap3A_172 = vector.shape_cast %swap3A_171 : vector<1x16xf32> to vector<16xf32>
      %swap3A_173 = vector.shape_cast %broadcast_in_dim3A_3 : vector<16xf32> to vector<1x16xf32>
      tpu.vector_store %arg12[%swap3A_169, %swap3A_170], %swap3A_173 {strides = array<i32>} : memref<128x128xf32, #tpu.memory_space<vmem>>, vector<1x16xf32>,
    }
    %scan3A_8 = arith.constant 128 : i32
    %mul3A_9 = arith.constant 624 : i32
    %mul3A_10 = arith.muli %arg1, %mul3A_9 : i32
    %add3A_11 = arith.constant 0 : i32
    %add3A_12 = arith.addi %mul3A_10, %add3A_11 : i32
    "tpu.region"() ({
      %run_scoped3A = tpu.sem_alloc : memref<!tpu.dma_semaphore, #tpu.memory_space<semaphore_mem>>
      %dma_start3A_134 = arith.constant 0 : i32
      %dma_start3A_135 = tpu.memref_slice %arg15[%add3A_12, %dma_start3A_134] : memref<10000x128xf32, #tpu.memory_space<vmem_shared>> -> memref<128x128xf32, #tpu.memory_space<vmem_shared>>
      %dma_start3A_136 = arith.constant 0 : i32
      %dma_start3A_137 = tpu.memref_slice %arg15[%add3A_12, %dma_start3A_136] : memref<10000x128xf32, #tpu.memory_space<vmem_shared>> -> memref<128x128xf32, #tpu.memory_space<vmem_shared>>
      tpu.enqueue_dma source(%arg12 : memref<128x128xf32, #tpu.memory_space<vmem>>) target(%dma_start3A_137 : memref<128x128xf32, #tpu.memory_space<vmem_shared>>) target_semaphore(%run_scoped3A : memref<!tpu.dma_semaphore, #tpu.memory_space<semaphore_mem>>)
      %dma_wait3A_138 = arith.constant 0 : i32
      %dma_wait3A_139 = tpu.memref_slice %arg15[%add3A_12, %dma_wait3A_138] : memref<10000x128xf32, #tpu.memory_space<vmem_shared>> -> memref<128x128xf32, #tpu.memory_space<vmem_shared>>
      %dma_wait3A_140 = arith.constant 0 : i32
      %dma_wait3A_141 = tpu.memref_slice %arg15[%add3A_12, %dma_wait3A_140] : memref<10000x128xf32, #tpu.memory_space<vmem_shared>> -> memref<128x128xf32, #tpu.memory_space<vmem_shared>>
      tpu.wait_dma2 semaphore(%run_scoped3A : memref<!tpu.dma_semaphore, #tpu.memory_space<semaphore_mem>>) src(%arg12 : memref<128x128xf32, #tpu.memory_space<vmem>>) dst(%dma_wait3A_141 : memref<128x128xf32, #tpu.memory_space<vmem_shared>>)
      tpu.yield
    }) : () -> ()
    %add3A_13 = arith.constant 128 : i32
    %add3A_14 = arith.addi %mul3A_10, %add3A_13 : i32
    "tpu.region"() ({
      %run_scoped3A = tpu.sem_alloc : memref<!tpu.dma_semaphore, #tpu.memory_space<semaphore_mem>>
      %dma_start3A_134 = arith.constant 0 : i32
      %dma_start3A_135 = tpu.memref_slice %arg15[%add3A_14, %dma_start3A_134] : memref<10000x128xf32, #tpu.memory_space<vmem_shared>> -> memref<128x128xf32, #tpu.memory_space<vmem_shared>>
      %dma_start3A_136 = arith.constant 0 : i32
      %dma_start3A_137 = tpu.memref_slice %arg15[%add3A_14, %dma_start3A_136] : memref<10000x128xf32, #tpu.memory_space<vmem_shared>> -> memref<128x128xf32, #tpu.memory_space<vmem_shared>>
      tpu.enqueue_dma source(%arg12 : memref<128x128xf32, #tpu.memory_space<vmem>>) target(%dma_start3A_137 : memref<128x128xf32, #tpu.memory_space<vmem_shared>>) target_semaphore(%run_scoped3A : memref<!tpu.dma_semaphore, #tpu.memory_space<semaphore_mem>>)
      %dma_wait3A_138 = arith.constant 0 : i32
      %dma_wait3A_139 = tpu.memref_slice %arg15[%add3A_14, %dma_wait3A_138] : memref<10000x128xf32, #tpu.memory_space<vmem_shared>> -> memref<128x128xf32, #tpu.memory_space<vmem_shared>>
      %dma_wait3A_140 = arith.constant 0 : i32
      %dma_wait3A_141 = tpu.memref_slice %arg15[%add3A_14, %dma_wait3A_140] : memref<10000x128xf32, #tpu.memory_space<vmem_shared>> -> memref<128x128xf32, #tpu.memory_space<vmem_shared>>
      tpu.wait_dma2 semaphore(%run_scoped3A : memref<!tpu.dma_semaphore, #tpu.memory_space<semaphore_mem>>) src(%arg12 : memref<128x128xf32, #tpu.memory_space<vmem>>) dst(%dma_wait3A_141 : memref<128x128xf32, #tpu.memory_space<vmem_shared>>)
      tpu.yield
    }) : () -> ()
    %add3A_15 = arith.constant 256 : i32
    %add3A_16 = arith.addi %mul3A_10, %add3A_15 : i32
    "tpu.region"() ({
      %run_scoped3A = tpu.sem_alloc : memref<!tpu.dma_semaphore, #tpu.memory_space<semaphore_mem>>
      %dma_start3A_134 = arith.constant 0 : i32
      %dma_start3A_135 = tpu.memref_slice %arg15[%add3A_16, %dma_start3A_134] : memref<10000x128xf32, #tpu.memory_space<vmem_shared>> -> memref<128x128xf32, #tpu.memory_space<vmem_shared>>
      %dma_start3A_136 = arith.constant 0 : i32
      %dma_start3A_137 = tpu.memref_slice %arg15[%add3A_16, %dma_start3A_136] : memref<10000x128xf32, #tpu.memory_space<vmem_shared>> -> memref<128x128xf32, #tpu.memory_space<vmem_shared>>
      tpu.enqueue_dma source(%arg12 : memref<128x128xf32, #tpu.memory_space<vmem>>) target(%dma_start3A_137 : memref<128x128xf32, #tpu.memory_space<vmem_shared>>) target_semaphore(%run_scoped3A : memref<!tpu.dma_semaphore, #tpu.memory_space<semaphore_mem>>)
      %dma_wait3A_138 = arith.constant 0 : i32
      %dma_wait3A_139 = tpu.memref_slice %arg15[%add3A_16, %dma_wait3A_138] : memref<10000x128xf32, #tpu.memory_space<vmem_shared>> -> memref<128x128xf32, #tpu.memory_space<vmem_shared>>
      %dma_wait3A_140 = arith.constant 0 : i32
      %dma_wait3A_141 = tpu.memref_slice %arg15[%add3A_16, %dma_wait3A_140] : memref<10000x128xf32, #tpu.memory_space<vmem_shared>> -> memref<128x128xf32, #tpu.memory_space<vmem_shared>>
      tpu.wait_dma2 semaphore(%run_scoped3A : memref<!tpu.dma_semaphore, #tpu.memory_space<semaphore_mem>>) src(%arg12 : memref<128x128xf32, #tpu.memory_space<vmem>>) dst(%dma_wait3A_141 : memref<128x128xf32, #tpu.memory_space<vmem_shared>>)
      tpu.yield
    }) : () -> ()
    %add3A_17 = arith.constant 384 : i32
    %add3A_18 = arith.addi %mul3A_10, %add3A_17 : i32
    "tpu.region"() ({
      %run_scoped3A = tpu.sem_alloc : memref<!tpu.dma_semaphore, #tpu.memory_space<semaphore_mem>>
      %dma_start3A_134 = arith.constant 0 : i32
      %dma_start3A_135 = tpu.memref_slice %arg15[%add3A_18, %dma_start3A_134] : memref<10000x128xf32, #tpu.memory_space<vmem_shared>> -> memref<128x128xf32, #tpu.memory_space<vmem_shared>>
      %dma_start3A_136 = arith.constant 0 : i32
      %dma_start3A_137 = tpu.memref_slice %arg15[%add3A_18, %dma_start3A_136] : memref<10000x128xf32, #tpu.memory_space<vmem_shared>> -> memref<128x128xf32, #tpu.memory_space<vmem_shared>>
      tpu.enqueue_dma source(%arg12 : memref<128x128xf32, #tpu.memory_space<vmem>>) target(%dma_start3A_137 : memref<128x128xf32, #tpu.memory_space<vmem_shared>>) target_semaphore(%run_scoped3A : memref<!tpu.dma_semaphore, #tpu.memory_space<semaphore_mem>>)
      %dma_wait3A_138 = arith.constant 0 : i32
      %dma_wait3A_139 = tpu.memref_slice %arg15[%add3A_18, %dma_wait3A_138] : memref<10000x128xf32, #tpu.memory_space<vmem_shared>> -> memref<128x128xf32, #tpu.memory_space<vmem_shared>>
      %dma_wait3A_140 = arith.constant 0 : i32
      %dma_wait3A_141 = tpu.memref_slice %arg15[%add3A_18, %dma_wait3A_140] : memref<10000x128xf32, #tpu.memory_space<vmem_shared>> -> memref<128x128xf32, #tpu.memory_space<vmem_shared>>
      tpu.wait_dma2 semaphore(%run_scoped3A : memref<!tpu.dma_semaphore, #tpu.memory_space<semaphore_mem>>) src(%arg12 : memref<128x128xf32, #tpu.memory_space<vmem>>) dst(%dma_wait3A_141 : memref<128x128xf32, #tpu.memory_space<vmem_shared>>)
      tpu.yield
    }) : () -> ()
    %add3A_19 = arith.constant 512 : i32
    %add3A_20 = arith.addi %mul3A_10, %add3A_19 : i32
    "tpu.region"() ({
      %run_scoped3A = tpu.sem_alloc : memref<!tpu.dma_semaphore, #tpu.memory_space<semaphore_mem>>
      %dma_start3A_134 = arith.constant 0 : i32
      %dma_start3A_135 = arith.constant 0 : i32
      %dma_start3A_136 = tpu.memref_slice %arg12[%dma_start3A_134, %dma_start3A_135] : memref<128x128xf32, #tpu.memory_space<vmem>> -> memref<112x128xf32, #tpu.memory_space<vmem>>
      %dma_start3A_137 = arith.constant 0 : i32
      %dma_start3A_138 = tpu.memref_slice %arg15[%add3A_20, %dma_start3A_137] : memref<10000x128xf32, #tpu.memory_space<vmem_shared>> -> memref<112x128xf32, #tpu.memory_space<vmem_shared>>
      %dma_start3A_139 = arith.constant 0 : i32
      %dma_start3A_140 = tpu.memref_slice %arg15[%add3A_20, %dma_start3A_139] : memref<10000x128xf32, #tpu.memory_space<vmem_shared>> -> memref<112x128xf32, #tpu.memory_space<vmem_shared>>
      %dma_start3A_141 = arith.constant 0 : i32
      %dma_start3A_142 = arith.constant 0 : i32
      %dma_start3A_143 = tpu.memref_slice %arg12[%dma_start3A_141, %dma_start3A_142] : memref<128x128xf32, #tpu.memory_space<vmem>> -> memref<112x128xf32, #tpu.memory_space<vmem>>
      tpu.enqueue_dma source(%dma_start3A_143 : memref<112x128xf32, #tpu.memory_space<vmem>>) target(%dma_start3A_140 : memref<112x128xf32, #tpu.memory_space<vmem_shared>>) target_semaphore(%run_scoped3A : memref<!tpu.dma_semaphore, #tpu.memory_space<semaphore_mem>>)
      %dma_wait3A_144 = arith.constant 0 : i32
      %dma_wait3A_145 = arith.constant 0 : i32
      %dma_wait3A_146 = tpu.memref_slice %arg12[%dma_wait3A_144, %dma_wait3A_145] : memref<128x128xf32, #tpu.memory_space<vmem>> -> memref<112x128xf32, #tpu.memory_space<vmem>>
      %dma_wait3A_147 = arith.constant 0 : i32
      %dma_wait3A_148 = tpu.memref_slice %arg15[%add3A_20, %dma_wait3A_147] : memref<10000x128xf32, #tpu.memory_space<vmem_shared>> -> memref<112x128xf32, #tpu.memory_space<vmem_shared>>
      %dma_wait3A_149 = arith.constant 0 : i32
      %dma_wait3A_150 = tpu.memref_slice %arg15[%add3A_20, %dma_wait3A_149] : memref<10000x128xf32, #tpu.memory_space<vmem_shared>> -> memref<112x128xf32, #tpu.memory_space<vmem_shared>>
      %dma_wait3A_151 = arith.constant 0 : i32
      %dma_wait3A_152 = arith.constant 0 : i32
      %dma_wait3A_153 = tpu.memref_slice %arg12[%dma_wait3A_151, %dma_wait3A_152] : memref<128x128xf32, #tpu.memory_space<vmem>> -> memref<112x128xf32, #tpu.memory_space<vmem>>
      tpu.wait_dma2 semaphore(%run_scoped3A : memref<!tpu.dma_semaphore, #tpu.memory_space<semaphore_mem>>) src(%dma_wait3A_153 : memref<112x128xf32, #tpu.memory_space<vmem>>) dst(%dma_wait3A_150 : memref<112x128xf32, #tpu.memory_space<vmem_shared>>)
      tpu.yield
    }) : () -> ()
    %eq3A = arith.constant 0 : i32
    %eq3A_21 = arith.cmpi eq, %arg1, %eq3A : i32
    %convert_element_type3A = arith.extui %eq3A_21 : i1 to i32
    %cond3A = arith.constant 0 : i32
    %cond3A_22 = arith.cmpi ne, %convert_element_type3A, %cond3A : i32
    scf.if %cond3A_22 {
      "tpu.region"() ({
        %run_scoped3A = tpu.sem_alloc : memref<!tpu.dma_semaphore, #tpu.memory_space<semaphore_mem>>
        %dma_start3A_134 = arith.constant 0 : i32
        %dma_start3A_135 = arith.constant 0 : i32
        %dma_start3A_136 = tpu.memref_slice %arg12[%dma_start3A_134, %dma_start3A_135] : memref<128x128xf32, #tpu.memory_space<vmem>> -> memref<16x128xf32, #tpu.memory_space<vmem>>
        %dma_start3A_137 = arith.constant 9984 : i32
        %dma_start3A_138 = arith.constant 0 : i32
        %dma_start3A_139 = tpu.memref_slice %arg15[%dma_start3A_137, %dma_start3A_138] : memref<10000x128xf32, #tpu.memory_space<vmem_shared>> -> memref<16x128xf32, #tpu.memory_space<vmem_shared>>
        %dma_start3A_140 = arith.constant 9984 : i32
        %dma_start3A_141 = arith.constant 0 : i32
        %dma_start3A_142 = tpu.memref_slice %arg15[%dma_start3A_140, %dma_start3A_141] : memref<10000x128xf32, #tpu.memory_space<vmem_shared>> -> memref<16x128xf32, #tpu.memory_space<vmem_shared>>
        %dma_start3A_143 = arith.constant 0 : i32
        %dma_start3A_144 = arith.constant 0 : i32
        %dma_start3A_145 = tpu.memref_slice %arg12[%dma_start3A_143, %dma_start3A_144] : memref<128x128xf32, #tpu.memory_space<vmem>> -> memref<16x128xf32, #tpu.memory_space<vmem>>
        tpu.enqueue_dma source(%dma_start3A_145 : memref<16x128xf32, #tpu.memory_space<vmem>>) target(%dma_start3A_142 : memref<16x128xf32, #tpu.memory_space<vmem_shared>>) target_semaphore(%run_scoped3A : memref<!tpu.dma_semaphore, #tpu.memory_space<semaphore_mem>>)
        %dma_wait3A_146 = arith.constant 0 : i32
        %dma_wait3A_147 = arith.constant 0 : i32
        %dma_wait3A_148 = tpu.memref_slice %arg12[%dma_wait3A_146, %dma_wait3A_147] : memref<128x128xf32, #tpu.memory_space<vmem>> -> memref<16x128xf32, #tpu.memory_space<vmem>>
        %dma_wait3A_149 = arith.constant 9984 : i32
        %dma_wait3A_150 = arith.constant 0 : i32
        %dma_wait3A_151 = tpu.memref_slice %arg15[%dma_wait3A_149, %dma_wait3A_150] : memref<10000x128xf32, #tpu.memory_space<vmem_shared>> -> memref<16x128xf32, #tpu.memory_space<vmem_shared>>
        %dma_wait3A_152 = arith.constant 9984 : i32
        %dma_wait3A_153 = arith.constant 0 : i32
        %dma_wait3A_154 = tpu.memref_slice %arg15[%dma_wait3A_152, %dma_wait3A_153] : memref<10000x128xf32, #tpu.memory_space<vmem_shared>> -> memref<16x128xf32, #tpu.memory_space<vmem_shared>>
        %dma_wait3A_155 = arith.constant 0 : i32
        %dma_wait3A_156 = arith.constant 0 : i32
        %dma_wait3A_157 = tpu.memref_slice %arg12[%dma_wait3A_155, %dma_wait3A_156] : memref<128x128xf32, #tpu.memory_space<vmem>> -> memref<16x128xf32, #tpu.memory_space<vmem>>
        tpu.wait_dma2 semaphore(%run_scoped3A : memref<!tpu.dma_semaphore, #tpu.memory_space<semaphore_mem>>) src(%dma_wait3A_157 : memref<16x128xf32, #tpu.memory_space<vmem>>) dst(%dma_wait3A_154 : memref<16x128xf32, #tpu.memory_space<vmem_shared>>)
        tpu.yield
      }) : () -> ()
    } else {
    }
    %lt3A = arith.constant 31 : i32
    %lt3A_23 = arith.cmpi slt, %add3A, %lt3A : i32
    %convert_element_type3A_24 = arith.extui %lt3A_23 : i1 to i32
    %cond3A_25 = arith.constant 0 : i32
    %cond3A_26 = arith.cmpi ne, %convert_element_type3A_24, %cond3A_25 : i32
    scf.if %cond3A_26 {
      %add3A_134 = arith.constant 0 : i32
      %add3A_135 = arith.addi %mul3A_2, %add3A_134 : i32
      %dma_start3A_136 = arith.constant 0 : i32
      %dma_start3A_137 = arith.constant 0 : i32
      %dma_start3A_138 = tpu.memref_slice %arg3[%dma_start3A_136, %add3A_135, %dma_start3A_137] : memref<2x2500x128xi32, #tpu.memory_space<hbm>> -> memref<1x1x128xi32, #tpu.memory_space<hbm>>
      %dma_start3A_139 = tpu.memref_squeeze %dma_start3A_138 : memref<1x1x128xi32, #tpu.memory_space<hbm>> -> memref<128xi32, #tpu.memory_space<hbm>>
      %dma_start3A_140 = arith.constant 0 : i32
      %dma_start3A_141 = tpu.memref_slice %arg3[%dma_start3A_136, %add3A_135, %dma_start3A_140] : memref<2x2500x128xi32, #tpu.memory_space<hbm>> -> memref<1x1x128xi32, #tpu.memory_space<hbm>>
      %dma_start3A_142 = tpu.memref_squeeze %dma_start3A_141 : memref<1x1x128xi32, #tpu.memory_space<hbm>> -> memref<128xi32, #tpu.memory_space<hbm>>
      tpu.enqueue_dma source(%dma_start3A_142 : memref<128xi32, #tpu.memory_space<hbm>>) target(%arg6 : memref<128xi32, #tpu.memory_space<vmem>>) target_semaphore(%arg22 : memref<!tpu.dma_semaphore, #tpu.memory_space<semaphore_mem>>)
    } else {
    }
    %eq3A_27 = arith.constant 31 : i32
    %eq3A_28 = arith.cmpi eq, %add3A, %eq3A_27 : i32
    %convert_element_type3A_29 = arith.extui %eq3A_28 : i1 to i32
    %cond3A_30 = arith.constant 0 : i32
    %cond3A_31 = arith.cmpi ne, %convert_element_type3A_29, %cond3A_30 : i32
    scf.if %cond3A_31 {
      %dma_start3A_134 = arith.constant 0 : i32
      %dma_start3A_135 = arith.constant 0 : i32
      %dma_start3A_136 = arith.constant 0 : i32
      %dma_start3A_137 = tpu.memref_slice %arg4[%dma_start3A_134, %dma_start3A_135, %dma_start3A_136] : memref<2x80x128xi32, #tpu.memory_space<hbm>> -> memref<1x1x128xi32, #tpu.memory_space<hbm>>
      %dma_start3A_138 = tpu.memref_squeeze %dma_start3A_137 : memref<1x1x128xi32, #tpu.memory_space<hbm>> -> memref<128xi32, #tpu.memory_space<hbm>>
      %dma_start3A_139 = arith.constant 0 : i32
      %dma_start3A_140 = tpu.memref_slice %arg4[%dma_start3A_134, %dma_start3A_135, %dma_start3A_139] : memref<2x80x128xi32, #tpu.memory_space<hbm>> -> memref<1x1x128xi32, #tpu.memory_space<hbm>>
      %dma_start3A_141 = tpu.memref_squeeze %dma_start3A_140 : memref<1x1x128xi32, #tpu.memory_space<hbm>> -> memref<128xi32, #tpu.memory_space<hbm>>
      tpu.enqueue_dma source(%dma_start3A_141 : memref<128xi32, #tpu.memory_space<hbm>>) target(%arg6 : memref<128xi32, #tpu.memory_space<vmem>>) target_semaphore(%arg22 : memref<!tpu.dma_semaphore, #tpu.memory_space<semaphore_mem>>)
    } else {
    }
    %lt3A_32 = arith.constant 31 : i32
    %lt3A_33 = arith.cmpi slt, %add3A, %lt3A_32 : i32
    %convert_element_type3A_34 = arith.extui %lt3A_33 : i1 to i32
    %cond3A_35 = arith.constant 0 : i32
    %cond3A_36 = arith.cmpi ne, %convert_element_type3A_34, %cond3A_35 : i32
    scf.if %cond3A_36 {
      %add3A_134 = arith.constant 0 : i32
      %add3A_135 = arith.addi %mul3A_2, %add3A_134 : i32
      %dma_start3A_136 = arith.constant 1 : i32
      %dma_start3A_137 = arith.constant 0 : i32
      %dma_start3A_138 = tpu.memref_slice %arg3[%dma_start3A_136, %add3A_135, %dma_start3A_137] : memref<2x2500x128xi32, #tpu.memory_space<hbm>> -> memref<1x1x128xi32, #tpu.memory_space<hbm>>
      %dma_start3A_139 = tpu.memref_squeeze %dma_start3A_138 : memref<1x1x128xi32, #tpu.memory_space<hbm>> -> memref<128xi32, #tpu.memory_space<hbm>>
      %dma_start3A_140 = arith.constant 0 : i32
      %dma_start3A_141 = tpu.memref_slice %arg3[%dma_start3A_136, %add3A_135, %dma_start3A_140] : memref<2x2500x128xi32, #tpu.memory_space<hbm>> -> memref<1x1x128xi32, #tpu.memory_space<hbm>>
      %dma_start3A_142 = tpu.memref_squeeze %dma_start3A_141 : memref<1x1x128xi32, #tpu.memory_space<hbm>> -> memref<128xi32, #tpu.memory_space<hbm>>
      tpu.enqueue_dma source(%dma_start3A_142 : memref<128xi32, #tpu.memory_space<hbm>>) target(%arg9 : memref<128xi32, #tpu.memory_space<vmem>>) target_semaphore(%arg25 : memref<!tpu.dma_semaphore, #tpu.memory_space<semaphore_mem>>)
    } else {
    }
    %eq3A_37 = arith.constant 31 : i32
    %eq3A_38 = arith.cmpi eq, %add3A, %eq3A_37 : i32
    %convert_element_type3A_39 = arith.extui %eq3A_38 : i1 to i32
    %cond3A_40 = arith.constant 0 : i32
    %cond3A_41 = arith.cmpi ne, %convert_element_type3A_39, %cond3A_40 : i32
    scf.if %cond3A_41 {
      %dma_start3A_134 = arith.constant 1 : i32
      %dma_start3A_135 = arith.constant 0 : i32
      %dma_start3A_136 = arith.constant 0 : i32
      %dma_start3A_137 = tpu.memref_slice %arg4[%dma_start3A_134, %dma_start3A_135, %dma_start3A_136] : memref<2x80x128xi32, #tpu.memory_space<hbm>> -> memref<1x1x128xi32, #tpu.memory_space<hbm>>
      %dma_start3A_138 = tpu.memref_squeeze %dma_start3A_137 : memref<1x1x128xi32, #tpu.memory_space<hbm>> -> memref<128xi32, #tpu.memory_space<hbm>>
      %dma_start3A_139 = arith.constant 0 : i32
      %dma_start3A_140 = tpu.memref_slice %arg4[%dma_start3A_134, %dma_start3A_135, %dma_start3A_139] : memref<2x80x128xi32, #tpu.memory_space<hbm>> -> memref<1x1x128xi32, #tpu.memory_space<hbm>>
      %dma_start3A_141 = tpu.memref_squeeze %dma_start3A_140 : memref<1x1x128xi32, #tpu.memory_space<hbm>> -> memref<128xi32, #tpu.memory_space<hbm>>
      tpu.enqueue_dma source(%dma_start3A_141 : memref<128xi32, #tpu.memory_space<hbm>>) target(%arg9 : memref<128xi32, #tpu.memory_space<vmem>>) target_semaphore(%arg25 : memref<!tpu.dma_semaphore, #tpu.memory_space<semaphore_mem>>)
    } else {
    }
    %lt3A_42 = arith.constant 31 : i32
    %lt3A_43 = arith.cmpi slt, %add3A, %lt3A_42 : i32
    %convert_element_type3A_44 = arith.extui %lt3A_43 : i1 to i32
    %cond3A_45 = arith.constant 0 : i32
    %cond3A_46 = arith.cmpi ne, %convert_element_type3A_44, %cond3A_45 : i32
    scf.if %cond3A_46 {
      %add3A_134 = arith.constant 1 : i32
      %add3A_135 = arith.addi %mul3A_2, %add3A_134 : i32
      %dma_start3A_136 = arith.constant 0 : i32
      %dma_start3A_137 = arith.constant 0 : i32
      %dma_start3A_138 = tpu.memref_slice %arg3[%dma_start3A_136, %add3A_135, %dma_start3A_137] : memref<2x2500x128xi32, #tpu.memory_space<hbm>> -> memref<1x1x128xi32, #tpu.memory_space<hbm>>
      %dma_start3A_139 = tpu.memref_squeeze %dma_start3A_138 : memref<1x1x128xi32, #tpu.memory_space<hbm>> -> memref<128xi32, #tpu.memory_space<hbm>>
      %dma_start3A_140 = arith.constant 0 : i32
      %dma_start3A_141 = tpu.memref_slice %arg3[%dma_start3A_136, %add3A_135, %dma_start3A_140] : memref<2x2500x128xi32, #tpu.memory_space<hbm>> -> memref<1x1x128xi32, #tpu.memory_space<hbm>>
      %dma_start3A_142 = tpu.memref_squeeze %dma_start3A_141 : memref<1x1x128xi32, #tpu.memory_space<hbm>> -> memref<128xi32, #tpu.memory_space<hbm>>
      tpu.enqueue_dma source(%dma_start3A_142 : memref<128xi32, #tpu.memory_space<hbm>>) target(%arg7 : memref<128xi32, #tpu.memory_space<vmem>>) target_semaphore(%arg23 : memref<!tpu.dma_semaphore, #tpu.memory_space<semaphore_mem>>)
    } else {
    }
    %eq3A_47 = arith.constant 31 : i32
    %eq3A_48 = arith.cmpi eq, %add3A, %eq3A_47 : i32
    %convert_element_type3A_49 = arith.extui %eq3A_48 : i1 to i32
    %cond3A_50 = arith.constant 0 : i32
    %cond3A_51 = arith.cmpi ne, %convert_element_type3A_49, %cond3A_50 : i32
    scf.if %cond3A_51 {
      %dma_start3A_134 = arith.constant 0 : i32
      %dma_start3A_135 = arith.constant 1 : i32
      %dma_start3A_136 = arith.constant 0 : i32
      %dma_start3A_137 = tpu.memref_slice %arg4[%dma_start3A_134, %dma_start3A_135, %dma_start3A_136] : memref<2x80x128xi32, #tpu.memory_space<hbm>> -> memref<1x1x128xi32, #tpu.memory_space<hbm>>
      %dma_start3A_138 = tpu.memref_squeeze %dma_start3A_137 : memref<1x1x128xi32, #tpu.memory_space<hbm>> -> memref<128xi32, #tpu.memory_space<hbm>>
      %dma_start3A_139 = arith.constant 0 : i32
      %dma_start3A_140 = tpu.memref_slice %arg4[%dma_start3A_134, %dma_start3A_135, %dma_start3A_139] : memref<2x80x128xi32, #tpu.memory_space<hbm>> -> memref<1x1x128xi32, #tpu.memory_space<hbm>>
      %dma_start3A_141 = tpu.memref_squeeze %dma_start3A_140 : memref<1x1x128xi32, #tpu.memory_space<hbm>> -> memref<128xi32, #tpu.memory_space<hbm>>
      tpu.enqueue_dma source(%dma_start3A_141 : memref<128xi32, #tpu.memory_space<hbm>>) target(%arg7 : memref<128xi32, #tpu.memory_space<vmem>>) target_semaphore(%arg23 : memref<!tpu.dma_semaphore, #tpu.memory_space<semaphore_mem>>)
    } else {
    }
    %lt3A_52 = arith.constant 31 : i32
    %lt3A_53 = arith.cmpi slt, %add3A, %lt3A_52 : i32
    %convert_element_type3A_54 = arith.extui %lt3A_53 : i1 to i32
    %cond3A_55 = arith.constant 0 : i32
    %cond3A_56 = arith.cmpi ne, %convert_element_type3A_54, %cond3A_55 : i32
    scf.if %cond3A_56 {
      %add3A_134 = arith.constant 1 : i32
      %add3A_135 = arith.addi %mul3A_2, %add3A_134 : i32
      %dma_start3A_136 = arith.constant 1 : i32
      %dma_start3A_137 = arith.constant 0 : i32
      %dma_start3A_138 = tpu.memref_slice %arg3[%dma_start3A_136, %add3A_135, %dma_start3A_137] : memref<2x2500x128xi32, #tpu.memory_space<hbm>> -> memref<1x1x128xi32, #tpu.memory_space<hbm>>
      %dma_start3A_139 = tpu.memref_squeeze %dma_start3A_138 : memref<1x1x128xi32, #tpu.memory_space<hbm>> -> memref<128xi32, #tpu.memory_space<hbm>>
      %dma_start3A_140 = arith.constant 0 : i32
      %dma_start3A_141 = tpu.memref_slice %arg3[%dma_start3A_136, %add3A_135, %dma_start3A_140] : memref<2x2500x128xi32, #tpu.memory_space<hbm>> -> memref<1x1x128xi32, #tpu.memory_space<hbm>>
      %dma_start3A_142 = tpu.memref_squeeze %dma_start3A_141 : memref<1x1x128xi32, #tpu.memory_space<hbm>> -> memref<128xi32, #tpu.memory_space<hbm>>
      tpu.enqueue_dma source(%dma_start3A_142 : memref<128xi32, #tpu.memory_space<hbm>>) target(%arg10 : memref<128xi32, #tpu.memory_space<vmem>>) target_semaphore(%arg26 : memref<!tpu.dma_semaphore, #tpu.memory_space<semaphore_mem>>)
    } else {
    }
    %eq3A_57 = arith.constant 31 : i32
    %eq3A_58 = arith.cmpi eq, %add3A, %eq3A_57 : i32
    %convert_element_type3A_59 = arith.extui %eq3A_58 : i1 to i32
    %cond3A_60 = arith.constant 0 : i32
    %cond3A_61 = arith.cmpi ne, %convert_element_type3A_59, %cond3A_60 : i32
    scf.if %cond3A_61 {
      %dma_start3A_134 = arith.constant 1 : i32
      %dma_start3A_135 = arith.constant 1 : i32
      %dma_start3A_136 = arith.constant 0 : i32
      %dma_start3A_137 = tpu.memref_slice %arg4[%dma_start3A_134, %dma_start3A_135, %dma_start3A_136] : memref<2x80x128xi32, #tpu.memory_space<hbm>> -> memref<1x1x128xi32, #tpu.memory_space<hbm>>
      %dma_start3A_138 = tpu.memref_squeeze %dma_start3A_137 : memref<1x1x128xi32, #tpu.memory_space<hbm>> -> memref<128xi32, #tpu.memory_space<hbm>>
      %dma_start3A_139 = arith.constant 0 : i32
      %dma_start3A_140 = tpu.memref_slice %arg4[%dma_start3A_134, %dma_start3A_135, %dma_start3A_139] : memref<2x80x128xi32, #tpu.memory_space<hbm>> -> memref<1x1x128xi32, #tpu.memory_space<hbm>>
      %dma_start3A_141 = tpu.memref_squeeze %dma_start3A_140 : memref<1x1x128xi32, #tpu.memory_space<hbm>> -> memref<128xi32, #tpu.memory_space<hbm>>
      tpu.enqueue_dma source(%dma_start3A_141 : memref<128xi32, #tpu.memory_space<hbm>>) target(%arg10 : memref<128xi32, #tpu.memory_space<vmem>>) target_semaphore(%arg26 : memref<!tpu.dma_semaphore, #tpu.memory_space<semaphore_mem>>)
    } else {
    }
    %lt3A_62 = arith.constant 31 : i32
    %lt3A_63 = arith.cmpi slt, %add3A, %lt3A_62 : i32
    %convert_element_type3A_64 = arith.extui %lt3A_63 : i1 to i32
    %cond3A_65 = arith.constant 0 : i32
    %cond3A_66 = arith.cmpi ne, %convert_element_type3A_64, %cond3A_65 : i32
    scf.if %cond3A_66 {
      %add3A_134 = arith.constant 2 : i32
      %add3A_135 = arith.addi %mul3A_2, %add3A_134 : i32
      %dma_start3A_136 = arith.constant 0 : i32
      %dma_start3A_137 = arith.constant 0 : i32
      %dma_start3A_138 = tpu.memref_slice %arg3[%dma_start3A_136, %add3A_135, %dma_start3A_137] : memref<2x2500x128xi32, #tpu.memory_space<hbm>> -> memref<1x1x128xi32, #tpu.memory_space<hbm>>
      %dma_start3A_139 = tpu.memref_squeeze %dma_start3A_138 : memref<1x1x128xi32, #tpu.memory_space<hbm>> -> memref<128xi32, #tpu.memory_space<hbm>>
      %dma_start3A_140 = arith.constant 0 : i32
      %dma_start3A_141 = tpu.memref_slice %arg3[%dma_start3A_136, %add3A_135, %dma_start3A_140] : memref<2x2500x128xi32, #tpu.memory_space<hbm>> -> memref<1x1x128xi32, #tpu.memory_space<hbm>>
      %dma_start3A_142 = tpu.memref_squeeze %dma_start3A_141 : memref<1x1x128xi32, #tpu.memory_space<hbm>> -> memref<128xi32, #tpu.memory_space<hbm>>
      tpu.enqueue_dma source(%dma_start3A_142 : memref<128xi32, #tpu.memory_space<hbm>>) target(%arg8 : memref<128xi32, #tpu.memory_space<vmem>>) target_semaphore(%arg24 : memref<!tpu.dma_semaphore, #tpu.memory_space<semaphore_mem>>)
    } else {
    }
    %eq3A_67 = arith.constant 31 : i32
    %eq3A_68 = arith.cmpi eq, %add3A, %eq3A_67 : i32
    %convert_element_type3A_69 = arith.extui %eq3A_68 : i1 to i32
    %cond3A_70 = arith.constant 0 : i32
    %cond3A_71 = arith.cmpi ne, %convert_element_type3A_69, %cond3A_70 : i32
    scf.if %cond3A_71 {
      %dma_start3A_134 = arith.constant 0 : i32
      %dma_start3A_135 = arith.constant 2 : i32
      %dma_start3A_136 = arith.constant 0 : i32
      %dma_start3A_137 = tpu.memref_slice %arg4[%dma_start3A_134, %dma_start3A_135, %dma_start3A_136] : memref<2x80x128xi32, #tpu.memory_space<hbm>> -> memref<1x1x128xi32, #tpu.memory_space<hbm>>
      %dma_start3A_138 = tpu.memref_squeeze %dma_start3A_137 : memref<1x1x128xi32, #tpu.memory_space<hbm>> -> memref<128xi32, #tpu.memory_space<hbm>>
      %dma_start3A_139 = arith.constant 0 : i32
      %dma_start3A_140 = tpu.memref_slice %arg4[%dma_start3A_134, %dma_start3A_135, %dma_start3A_139] : memref<2x80x128xi32, #tpu.memory_space<hbm>> -> memref<1x1x128xi32, #tpu.memory_space<hbm>>
      %dma_start3A_141 = tpu.memref_squeeze %dma_start3A_140 : memref<1x1x128xi32, #tpu.memory_space<hbm>> -> memref<128xi32, #tpu.memory_space<hbm>>
      tpu.enqueue_dma source(%dma_start3A_141 : memref<128xi32, #tpu.memory_space<hbm>>) target(%arg8 : memref<128xi32, #tpu.memory_space<vmem>>) target_semaphore(%arg24 : memref<!tpu.dma_semaphore, #tpu.memory_space<semaphore_mem>>)
    } else {
    }
    %lt3A_72 = arith.constant 31 : i32
    %lt3A_73 = arith.cmpi slt, %add3A, %lt3A_72 : i32
    %convert_element_type3A_74 = arith.extui %lt3A_73 : i1 to i32
    %cond3A_75 = arith.constant 0 : i32
    %cond3A_76 = arith.cmpi ne, %convert_element_type3A_74, %cond3A_75 : i32
    scf.if %cond3A_76 {
      %add3A_134 = arith.constant 2 : i32
      %add3A_135 = arith.addi %mul3A_2, %add3A_134 : i32
      %dma_start3A_136 = arith.constant 1 : i32
      %dma_start3A_137 = arith.constant 0 : i32
      %dma_start3A_138 = tpu.memref_slice %arg3[%dma_start3A_136, %add3A_135, %dma_start3A_137] : memref<2x2500x128xi32, #tpu.memory_space<hbm>> -> memref<1x1x128xi32, #tpu.memory_space<hbm>>
      %dma_start3A_139 = tpu.memref_squeeze %dma_start3A_138 : memref<1x1x128xi32, #tpu.memory_space<hbm>> -> memref<128xi32, #tpu.memory_space<hbm>>
      %dma_start3A_140 = arith.constant 0 : i32
      %dma_start3A_141 = tpu.memref_slice %arg3[%dma_start3A_136, %add3A_135, %dma_start3A_140] : memref<2x2500x128xi32, #tpu.memory_space<hbm>> -> memref<1x1x128xi32, #tpu.memory_space<hbm>>
      %dma_start3A_142 = tpu.memref_squeeze %dma_start3A_141 : memref<1x1x128xi32, #tpu.memory_space<hbm>> -> memref<128xi32, #tpu.memory_space<hbm>>
      tpu.enqueue_dma source(%dma_start3A_142 : memref<128xi32, #tpu.memory_space<hbm>>) target(%arg11 : memref<128xi32, #tpu.memory_space<vmem>>) target_semaphore(%arg27 : memref<!tpu.dma_semaphore, #tpu.memory_space<semaphore_mem>>)
    } else {
    }
    %eq3A_77 = arith.constant 31 : i32
    %eq3A_78 = arith.cmpi eq, %add3A, %eq3A_77 : i32
    %convert_element_type3A_79 = arith.extui %eq3A_78 : i1 to i32
    %cond3A_80 = arith.constant 0 : i32
    %cond3A_81 = arith.cmpi ne, %convert_element_type3A_79, %cond3A_80 : i32
    scf.if %cond3A_81 {
      %dma_start3A_134 = arith.constant 1 : i32
      %dma_start3A_135 = arith.constant 2 : i32
      %dma_start3A_136 = arith.constant 0 : i32
      %dma_start3A_137 = tpu.memref_slice %arg4[%dma_start3A_134, %dma_start3A_135, %dma_start3A_136] : memref<2x80x128xi32, #tpu.memory_space<hbm>> -> memref<1x1x128xi32, #tpu.memory_space<hbm>>
      %dma_start3A_138 = tpu.memref_squeeze %dma_start3A_137 : memref<1x1x128xi32, #tpu.memory_space<hbm>> -> memref<128xi32, #tpu.memory_space<hbm>>
      %dma_start3A_139 = arith.constant 0 : i32
      %dma_start3A_140 = tpu.memref_slice %arg4[%dma_start3A_134, %dma_start3A_135, %dma_start3A_139] : memref<2x80x128xi32, #tpu.memory_space<hbm>> -> memref<1x1x128xi32, #tpu.memory_space<hbm>>
      %dma_start3A_141 = tpu.memref_squeeze %dma_start3A_140 : memref<1x1x128xi32, #tpu.memory_space<hbm>> -> memref<128xi32, #tpu.memory_space<hbm>>
      tpu.enqueue_dma source(%dma_start3A_141 : memref<128xi32, #tpu.memory_space<hbm>>) target(%arg11 : memref<128xi32, #tpu.memory_space<vmem>>) target_semaphore(%arg27 : memref<!tpu.dma_semaphore, #tpu.memory_space<semaphore_mem>>)
    } else {
    }
    %dma_wait3A = arith.constant 0 : i32
    %dma_wait3A_82 = arith.constant 0 : i32
    %dma_wait3A_83 = tpu.memref_slice %arg3[%dma_wait3A, %mul3A_2, %dma_wait3A_82] : memref<2x2500x128xi32, #tpu.memory_space<hbm>> -> memref<1x1x128xi32, #tpu.memory_space<hbm>>
    %dma_wait3A_84 = tpu.memref_squeeze %dma_wait3A_83 : memref<1x1x128xi32, #tpu.memory_space<hbm>> -> memref<128xi32, #tpu.memory_space<hbm>>
    %dma_wait3A_85 = arith.constant 0 : i32
    %dma_wait3A_86 = tpu.memref_slice %arg3[%dma_wait3A, %mul3A_2, %dma_wait3A_85] : memref<2x2500x128xi32, #tpu.memory_space<hbm>> -> memref<1x1x128xi32, #tpu.memory_space<hbm>>
    %dma_wait3A_87 = tpu.memref_squeeze %dma_wait3A_86 : memref<1x1x128xi32, #tpu.memory_space<hbm>> -> memref<128xi32, #tpu.memory_space<hbm>>
    tpu.wait_dma2 semaphore(%arg22 : memref<!tpu.dma_semaphore, #tpu.memory_space<semaphore_mem>>) src(%dma_wait3A_87 : memref<128xi32, #tpu.memory_space<hbm>>) dst(%arg6 : memref<128xi32, #tpu.memory_space<vmem>>)
    %dma_start3A = arith.constant 0 : i32
    %dma_start3A_88 = arith.constant 0 : i32
    %dma_start3A_89 = tpu.memref_slice %arg2[%dma_start3A, %dma_start3A_88] : memref<10064x128xf32, #tpu.memory_space<hbm>> -> memref<10064x128xf32, #tpu.memory_space<hbm>>
    tpu.enqueue_indirect_dma source(%dma_start3A_89 : memref<10064x128xf32, #tpu.memory_space<hbm>>) target(%arg12 : memref<128x128xf32, #tpu.memory_space<vmem>>) offsets(%arg6 : memref<128xi32, #tpu.memory_space<vmem>>) semaphore(%arg16 : memref<!tpu.dma_semaphore, #tpu.memory_space<semaphore_mem>>)
    %dma_wait3A_90 = arith.constant 0 : i32
    %dma_wait3A_91 = arith.constant 0 : i32
    %dma_wait3A_92 = tpu.memref_slice %arg3[%dma_wait3A_90, %mul3A_2, %dma_wait3A_91] : memref<2x2500x128xi32, #tpu.memory_space<hbm>> -> memref<1x1x128xi32, #tpu.memory_space<hbm>>
    %dma_wait3A_93 = tpu.memref_squeeze %dma_wait3A_92 : memref<1x1x128xi32, #tpu.memory_space<hbm>> -> memref<128xi32, #tpu.memory_space<hbm>>
    %dma_wait3A_94 = arith.constant 0 : i32
    %dma_wait3A_95 = tpu.memref_slice %arg3[%dma_wait3A_90, %mul3A_2, %dma_wait3A_94] : memref<2x2500x128xi32, #tpu.memory_space<hbm>> -> memref<1x1x128xi32, #tpu.memory_space<hbm>>
    %dma_wait3A_96 = tpu.memref_squeeze %dma_wait3A_95 : memref<1x1x128xi32, #tpu.memory_space<hbm>> -> memref<128xi32, #tpu.memory_space<hbm>>
    tpu.wait_dma2 semaphore(%arg23 : memref<!tpu.dma_semaphore, #tpu.memory_space<semaphore_mem>>) src(%dma_wait3A_96 : memref<128xi32, #tpu.memory_space<hbm>>) dst(%arg7 : memref<128xi32, #tpu.memory_space<vmem>>)
    %dma_start3A_97 = arith.constant 0 : i32
    %dma_start3A_98 = arith.constant 0 : i32
    %dma_start3A_99 = tpu.memref_slice %arg2[%dma_start3A_97, %dma_start3A_98] : memref<10064x128xf32, #tpu.memory_space<hbm>> -> memref<10064x128xf32, #tpu.memory_space<hbm>>
    tpu.enqueue_indirect_dma source(%dma_start3A_99 : memref<10064x128xf32, #tpu.memory_space<hbm>>) target(%arg13 : memref<128x128xf32, #tpu.memory_space<vmem>>) offsets(%arg7 : memref<128xi32, #tpu.memory_space<vmem>>) semaphore(%arg17 : memref<!tpu.dma_semaphore, #tpu.memory_space<semaphore_mem>>)
    %dma_wait3A_100 = arith.constant 0 : i32
    %dma_wait3A_101 = arith.constant 0 : i32
    %dma_wait3A_102 = tpu.memref_slice %arg3[%dma_wait3A_100, %mul3A_2, %dma_wait3A_101] : memref<2x2500x128xi32, #tpu.memory_space<hbm>> -> memref<1x1x128xi32, #tpu.memory_space<hbm>>
    %dma_wait3A_103 = tpu.memref_squeeze %dma_wait3A_102 : memref<1x1x128xi32, #tpu.memory_space<hbm>> -> memref<128xi32, #tpu.memory_space<hbm>>
    %dma_wait3A_104 = arith.constant 0 : i32
    %dma_wait3A_105 = tpu.memref_slice %arg3[%dma_wait3A_100, %mul3A_2, %dma_wait3A_104] : memref<2x2500x128xi32, #tpu.memory_space<hbm>> -> memref<1x1x128xi32, #tpu.memory_space<hbm>>
    %dma_wait3A_106 = tpu.memref_squeeze %dma_wait3A_105 : memref<1x1x128xi32, #tpu.memory_space<hbm>> -> memref<128xi32, #tpu.memory_space<hbm>>
    tpu.wait_dma2 semaphore(%arg24 : memref<!tpu.dma_semaphore, #tpu.memory_space<semaphore_mem>>) src(%dma_wait3A_106 : memref<128xi32, #tpu.memory_space<hbm>>) dst(%arg8 : memref<128xi32, #tpu.memory_space<vmem>>)
    %dma_start3A_107 = arith.constant 0 : i32
    %dma_start3A_108 = arith.constant 0 : i32
    %dma_start3A_109 = tpu.memref_slice %arg2[%dma_start3A_107, %dma_start3A_108] : memref<10064x128xf32, #tpu.memory_space<hbm>> -> memref<10064x128xf32, #tpu.memory_space<hbm>>
    tpu.enqueue_indirect_dma source(%dma_start3A_109 : memref<10064x128xf32, #tpu.memory_space<hbm>>) target(%arg14 : memref<128x128xf32, #tpu.memory_space<vmem>>) offsets(%arg8 : memref<128xi32, #tpu.memory_space<vmem>>) semaphore(%arg18 : memref<!tpu.dma_semaphore, #tpu.memory_space<semaphore_mem>>)
    %barrier3A = arith.constant 0 : index
    tpu.barrier barrier_id(%barrier3A)
    %scan3A_110 = arith.constant 0 : i32
    %scan3A_111 = arith.constant 0 : i32
    %scan3A_112 = arith.constant 27 : i32
    %scan3A_113 = arith.addi %scan3A_111, %scan3A_112 : i32
    %scan3A_114 = arith.constant 1 : i32
    scf.for %scan3A_134 = %scan3A_111 to %scan3A_113 step %scan3A_114  : i32 {
      %mul3A_135 = arith.constant 3 : i32
      %mul3A_136 = arith.muli %mul3A_135, %scan3A_134 : i32
      %add3A_137 = arith.constant 0 : i32
      %add3A_138 = arith.addi %mul3A_136, %add3A_137 : i32
      %lt3A_139 = arith.constant 80 : i32
      %lt3A_140 = arith.cmpi slt, %add3A_138, %lt3A_139 : i32
      %convert_element_type3A_141 = arith.extui %lt3A_140 : i1 to i32
      %cond3A_142 = arith.constant 0 : i32
      %cond3A_143 = arith.cmpi ne, %convert_element_type3A_141, %cond3A_142 : i32
      scf.if %cond3A_143 {
        %dma_wait3A_219 = arith.constant 0 : i32
        %dma_wait3A_220 = arith.constant 0 : i32
        %dma_wait3A_221 = tpu.memref_slice %arg2[%dma_wait3A_219, %dma_wait3A_220] : memref<10064x128xf32, #tpu.memory_space<hbm>> -> memref<10064x128xf32, #tpu.memory_space<hbm>>
        tpu.wait_indirect_dma semaphore(%arg16 : memref<!tpu.dma_semaphore, #tpu.memory_space<semaphore_mem>>) src(%dma_wait3A_221 : memref<10064x128xf32, #tpu.memory_space<hbm>>) dst(%arg12 : memref<128x128xf32, #tpu.memory_space<vmem>>)
      } else {
      }
      %add3A_144 = arith.constant 3 : i32
      %add3A_145 = arith.addi %add3A_138, %add3A_144 : i32
      %lt3A_146 = arith.constant 80 : i32
      %lt3A_147 = arith.cmpi slt, %add3A_145, %lt3A_146 : i32
      %convert_element_type3A_148 = arith.extui %lt3A_147 : i1 to i32
      %cond3A_149 = arith.constant 0 : i32
      %cond3A_150 = arith.cmpi ne, %convert_element_type3A_148, %cond3A_149 : i32
      scf.if %cond3A_150 {
        %add3A_219 = arith.constant 3 : i32
        %add3A_220 = arith.addi %add3A_138, %add3A_219 : i32
        %lt3A_221 = arith.constant 31 : i32
        %lt3A_222 = arith.cmpi slt, %add3A, %lt3A_221 : i32
        %convert_element_type3A_223 = arith.extui %lt3A_222 : i1 to i32
        %cond3A_224 = arith.constant 0 : i32
        %cond3A_225 = arith.cmpi ne, %convert_element_type3A_223, %cond3A_224 : i32
        scf.if %cond3A_225 {
          %add3A_231 = arith.addi %mul3A_2, %add3A_220 : i32
          %dma_start3A_232 = arith.constant 0 : i32
          %dma_start3A_233 = arith.constant 0 : i32
          %dma_start3A_234 = tpu.memref_slice %arg3[%dma_start3A_232, %add3A_231, %dma_start3A_233] : memref<2x2500x128xi32, #tpu.memory_space<hbm>> -> memref<1x1x128xi32, #tpu.memory_space<hbm>>
          %dma_start3A_235 = tpu.memref_squeeze %dma_start3A_234 : memref<1x1x128xi32, #tpu.memory_space<hbm>> -> memref<128xi32, #tpu.memory_space<hbm>>
          %dma_start3A_236 = arith.constant 0 : i32
          %dma_start3A_237 = tpu.memref_slice %arg3[%dma_start3A_232, %add3A_231, %dma_start3A_236] : memref<2x2500x128xi32, #tpu.memory_space<hbm>> -> memref<1x1x128xi32, #tpu.memory_space<hbm>>
          %dma_start3A_238 = tpu.memref_squeeze %dma_start3A_237 : memref<1x1x128xi32, #tpu.memory_space<hbm>> -> memref<128xi32, #tpu.memory_space<hbm>>
          tpu.enqueue_dma source(%dma_start3A_238 : memref<128xi32, #tpu.memory_space<hbm>>) target(%arg6 : memref<128xi32, #tpu.memory_space<vmem>>) target_semaphore(%arg22 : memref<!tpu.dma_semaphore, #tpu.memory_space<semaphore_mem>>)
        } else {
        }
        %eq3A_226 = arith.constant 31 : i32
        %eq3A_227 = arith.cmpi eq, %add3A, %eq3A_226 : i32
        %convert_element_type3A_228 = arith.extui %eq3A_227 : i1 to i32
        %cond3A_229 = arith.constant 0 : i32
        %cond3A_230 = arith.cmpi ne, %convert_element_type3A_228, %cond3A_229 : i32
        scf.if %cond3A_230 {
          %dma_start3A_231 = arith.constant 0 : i32
          %dma_start3A_232 = arith.constant 0 : i32
          %dma_start3A_233 = tpu.memref_slice %arg4[%dma_start3A_231, %add3A_220, %dma_start3A_232] : memref<2x80x128xi32, #tpu.memory_space<hbm>> -> memref<1x1x128xi32, #tpu.memory_space<hbm>>
          %dma_start3A_234 = tpu.memref_squeeze %dma_start3A_233 : memref<1x1x128xi32, #tpu.memory_space<hbm>> -> memref<128xi32, #tpu.memory_space<hbm>>
          %dma_start3A_235 = arith.constant 0 : i32
          %dma_start3A_236 = tpu.memref_slice %arg4[%dma_start3A_231, %add3A_220, %dma_start3A_235] : memref<2x80x128xi32, #tpu.memory_space<hbm>> -> memref<1x1x128xi32, #tpu.memory_space<hbm>>
          %dma_start3A_237 = tpu.memref_squeeze %dma_start3A_236 : memref<1x1x128xi32, #tpu.memory_space<hbm>> -> memref<128xi32, #tpu.memory_space<hbm>>
          tpu.enqueue_dma source(%dma_start3A_237 : memref<128xi32, #tpu.memory_space<hbm>>) target(%arg6 : memref<128xi32, #tpu.memory_space<vmem>>) target_semaphore(%arg22 : memref<!tpu.dma_semaphore, #tpu.memory_space<semaphore_mem>>)
        } else {
        }
      } else {
      }
      %lt3A_151 = arith.constant 80 : i32
      %lt3A_152 = arith.cmpi slt, %add3A_138, %lt3A_151 : i32
      %convert_element_type3A_153 = arith.extui %lt3A_152 : i1 to i32
      %cond3A_154 = arith.constant 0 : i32
      %cond3A_155 = arith.cmpi ne, %convert_element_type3A_153, %cond3A_154 : i32
      scf.if %cond3A_155 {
        %dma_wait3A_219 = arith.constant 0 : i32
        %dma_wait3A_220 = arith.constant 0 : i32
        %dma_wait3A_221 = tpu.memref_slice %arg3[%dma_wait3A_219, %mul3A_2, %dma_wait3A_220] : memref<2x2500x128xi32, #tpu.memory_space<hbm>> -> memref<1x1x128xi32, #tpu.memory_space<hbm>>
        %dma_wait3A_222 = tpu.memref_squeeze %dma_wait3A_221 : memref<1x1x128xi32, #tpu.memory_space<hbm>> -> memref<128xi32, #tpu.memory_space<hbm>>
        %dma_wait3A_223 = arith.constant 0 : i32
        %dma_wait3A_224 = tpu.memref_slice %arg3[%dma_wait3A_219, %mul3A_2, %dma_wait3A_223] : memref<2x2500x128xi32, #tpu.memory_space<hbm>> -> memref<1x1x128xi32, #tpu.memory_space<hbm>>
        %dma_wait3A_225 = tpu.memref_squeeze %dma_wait3A_224 : memref<1x1x128xi32, #tpu.memory_space<hbm>> -> memref<128xi32, #tpu.memory_space<hbm>>
        tpu.wait_dma2 semaphore(%arg25 : memref<!tpu.dma_semaphore, #tpu.memory_space<semaphore_mem>>) src(%dma_wait3A_225 : memref<128xi32, #tpu.memory_space<hbm>>) dst(%arg9 : memref<128xi32, #tpu.memory_space<vmem>>)
        %dma_start3A_226 = arith.constant 0 : i32
        %dma_start3A_227 = arith.constant 0 : i32
        %dma_start3A_228 = tpu.memref_slice %arg15[%dma_start3A_226, %dma_start3A_227] : memref<10000x128xf32, #tpu.memory_space<vmem_shared>> -> memref<10000x128xf32, #tpu.memory_space<vmem_shared>>
        tpu.enqueue_indirect_dma source(%arg12 : memref<128x128xf32, #tpu.memory_space<vmem>>) target(%dma_start3A_228 : memref<10000x128xf32, #tpu.memory_space<vmem_shared>>) offsets(%arg9 : memref<128xi32, #tpu.memory_space<vmem>>) semaphore(%arg19 : memref<!tpu.dma_semaphore, #tpu.memory_space<semaphore_mem>>) {add = true}
      } else {
      }
      %add3A_156 = arith.constant 3 : i32
      %add3A_157 = arith.addi %add3A_138, %add3A_156 : i32
      %lt3A_158 = arith.constant 80 : i32
      %lt3A_159 = arith.cmpi slt, %add3A_157, %lt3A_158 : i32
      %convert_element_type3A_160 = arith.extui %lt3A_159 : i1 to i32
      %cond3A_161 = arith.constant 0 : i32
      %cond3A_162 = arith.cmpi ne, %convert_element_type3A_160, %cond3A_161 : i32
      scf.if %cond3A_162 {
        %dma_wait3A_219 = arith.constant 0 : i32
        %dma_wait3A_220 = arith.constant 0 : i32
        %dma_wait3A_221 = tpu.memref_slice %arg15[%dma_wait3A_219, %dma_wait3A_220] : memref<10000x128xf32, #tpu.memory_space<vmem_shared>> -> memref<10000x128xf32, #tpu.memory_space<vmem_shared>>
        tpu.wait_indirect_dma semaphore(%arg19 : memref<!tpu.dma_semaphore, #tpu.memory_space<semaphore_mem>>) src(%arg12 : memref<128x128xf32, #tpu.memory_space<vmem>>) dst(%dma_wait3A_221 : memref<10000x128xf32, #tpu.memory_space<vmem_shared>>)
        %add3A_222 = arith.constant 3 : i32
        %add3A_223 = arith.addi %add3A_138, %add3A_222 : i32
        %lt3A_224 = arith.constant 31 : i32
        %lt3A_225 = arith.cmpi slt, %add3A, %lt3A_224 : i32
        %convert_element_type3A_226 = arith.extui %lt3A_225 : i1 to i32
        %cond3A_227 = arith.constant 0 : i32
        %cond3A_228 = arith.cmpi ne, %convert_element_type3A_226, %cond3A_227 : i32
        scf.if %cond3A_228 {
          %add3A_244 = arith.addi %mul3A_2, %add3A_223 : i32
          %dma_start3A_245 = arith.constant 1 : i32
          %dma_start3A_246 = arith.constant 0 : i32
          %dma_start3A_247 = tpu.memref_slice %arg3[%dma_start3A_245, %add3A_244, %dma_start3A_246] : memref<2x2500x128xi32, #tpu.memory_space<hbm>> -> memref<1x1x128xi32, #tpu.memory_space<hbm>>
          %dma_start3A_248 = tpu.memref_squeeze %dma_start3A_247 : memref<1x1x128xi32, #tpu.memory_space<hbm>> -> memref<128xi32, #tpu.memory_space<hbm>>
          %dma_start3A_249 = arith.constant 0 : i32
          %dma_start3A_250 = tpu.memref_slice %arg3[%dma_start3A_245, %add3A_244, %dma_start3A_249] : memref<2x2500x128xi32, #tpu.memory_space<hbm>> -> memref<1x1x128xi32, #tpu.memory_space<hbm>>
          %dma_start3A_251 = tpu.memref_squeeze %dma_start3A_250 : memref<1x1x128xi32, #tpu.memory_space<hbm>> -> memref<128xi32, #tpu.memory_space<hbm>>
          tpu.enqueue_dma source(%dma_start3A_251 : memref<128xi32, #tpu.memory_space<hbm>>) target(%arg9 : memref<128xi32, #tpu.memory_space<vmem>>) target_semaphore(%arg25 : memref<!tpu.dma_semaphore, #tpu.memory_space<semaphore_mem>>)
        } else {
        }
        %eq3A_229 = arith.constant 31 : i32
        %eq3A_230 = arith.cmpi eq, %add3A, %eq3A_229 : i32
        %convert_element_type3A_231 = arith.extui %eq3A_230 : i1 to i32
        %cond3A_232 = arith.constant 0 : i32
        %cond3A_233 = arith.cmpi ne, %convert_element_type3A_231, %cond3A_232 : i32
        scf.if %cond3A_233 {
          %dma_start3A_244 = arith.constant 1 : i32
          %dma_start3A_245 = arith.constant 0 : i32
          %dma_start3A_246 = tpu.memref_slice %arg4[%dma_start3A_244, %add3A_223, %dma_start3A_245] : memref<2x80x128xi32, #tpu.memory_space<hbm>> -> memref<1x1x128xi32, #tpu.memory_space<hbm>>
          %dma_start3A_247 = tpu.memref_squeeze %dma_start3A_246 : memref<1x1x128xi32, #tpu.memory_space<hbm>> -> memref<128xi32, #tpu.memory_space<hbm>>
          %dma_start3A_248 = arith.constant 0 : i32
          %dma_start3A_249 = tpu.memref_slice %arg4[%dma_start3A_244, %add3A_223, %dma_start3A_248] : memref<2x80x128xi32, #tpu.memory_space<hbm>> -> memref<1x1x128xi32, #tpu.memory_space<hbm>>
          %dma_start3A_250 = tpu.memref_squeeze %dma_start3A_249 : memref<1x1x128xi32, #tpu.memory_space<hbm>> -> memref<128xi32, #tpu.memory_space<hbm>>
          tpu.enqueue_dma source(%dma_start3A_250 : memref<128xi32, #tpu.memory_space<hbm>>) target(%arg9 : memref<128xi32, #tpu.memory_space<vmem>>) target_semaphore(%arg25 : memref<!tpu.dma_semaphore, #tpu.memory_space<semaphore_mem>>)
        } else {
        }
        %dma_wait3A_234 = arith.constant 0 : i32
        %dma_wait3A_235 = arith.constant 0 : i32
        %dma_wait3A_236 = tpu.memref_slice %arg3[%dma_wait3A_234, %mul3A_2, %dma_wait3A_235] : memref<2x2500x128xi32, #tpu.memory_space<hbm>> -> memref<1x1x128xi32, #tpu.memory_space<hbm>>
        %dma_wait3A_237 = tpu.memref_squeeze %dma_wait3A_236 : memref<1x1x128xi32, #tpu.memory_space<hbm>> -> memref<128xi32, #tpu.memory_space<hbm>>
        %dma_wait3A_238 = arith.constant 0 : i32
        %dma_wait3A_239 = tpu.memref_slice %arg3[%dma_wait3A_234, %mul3A_2, %dma_wait3A_238] : memref<2x2500x128xi32, #tpu.memory_space<hbm>> -> memref<1x1x128xi32, #tpu.memory_space<hbm>>
        %dma_wait3A_240 = tpu.memref_squeeze %dma_wait3A_239 : memref<1x1x128xi32, #tpu.memory_space<hbm>> -> memref<128xi32, #tpu.memory_space<hbm>>
        tpu.wait_dma2 semaphore(%arg22 : memref<!tpu.dma_semaphore, #tpu.memory_space<semaphore_mem>>) src(%dma_wait3A_240 : memref<128xi32, #tpu.memory_space<hbm>>) dst(%arg6 : memref<128xi32, #tpu.memory_space<vmem>>)
        %dma_start3A_241 = arith.constant 0 : i32
        %dma_start3A_242 = arith.constant 0 : i32
        %dma_start3A_243 = tpu.memref_slice %arg2[%dma_start3A_241, %dma_start3A_242] : memref<10064x128xf32, #tpu.memory_space<hbm>> -> memref<10064x128xf32, #tpu.memory_space<hbm>>
        tpu.enqueue_indirect_dma source(%dma_start3A_243 : memref<10064x128xf32, #tpu.memory_space<hbm>>) target(%arg12 : memref<128x128xf32, #tpu.memory_space<vmem>>) offsets(%arg6 : memref<128xi32, #tpu.memory_space<vmem>>) semaphore(%arg16 : memref<!tpu.dma_semaphore, #tpu.memory_space<semaphore_mem>>)
      } else {
      }
      %mul3A_163 = arith.constant 3 : i32
      %mul3A_164 = arith.muli %mul3A_163, %scan3A_134 : i32
      %add3A_165 = arith.constant 1 : i32
      %add3A_166 = arith.addi %mul3A_164, %add3A_165 : i32
      %lt3A_167 = arith.constant 80 : i32
      %lt3A_168 = arith.cmpi slt, %add3A_166, %lt3A_167 : i32
      %convert_element_type3A_169 = arith.extui %lt3A_168 : i1 to i32
      %cond3A_170 = arith.constant 0 : i32
      %cond3A_171 = arith.cmpi ne, %convert_element_type3A_169, %cond3A_170 : i32
      scf.if %cond3A_171 {
        %dma_wait3A_219 = arith.constant 0 : i32
        %dma_wait3A_220 = arith.constant 0 : i32
        %dma_wait3A_221 = tpu.memref_slice %arg2[%dma_wait3A_219, %dma_wait3A_220] : memref<10064x128xf32, #tpu.memory_space<hbm>> -> memref<10064x128xf32, #tpu.memory_space<hbm>>
        tpu.wait_indirect_dma semaphore(%arg17 : memref<!tpu.dma_semaphore, #tpu.memory_space<semaphore_mem>>) src(%dma_wait3A_221 : memref<10064x128xf32, #tpu.memory_space<hbm>>) dst(%arg13 : memref<128x128xf32, #tpu.memory_space<vmem>>)
      } else {
      }
      %add3A_172 = arith.constant 3 : i32
      %add3A_173 = arith.addi %add3A_166, %add3A_172 : i32
      %lt3A_174 = arith.constant 80 : i32
      %lt3A_175 = arith.cmpi slt, %add3A_173, %lt3A_174 : i32
      %convert_element_type3A_176 = arith.extui %lt3A_175 : i1 to i32
      %cond3A_177 = arith.constant 0 : i32
      %cond3A_178 = arith.cmpi ne, %convert_element_type3A_176, %cond3A_177 : i32
      scf.if %cond3A_178 {
        %add3A_219 = arith.constant 3 : i32
        %add3A_220 = arith.addi %add3A_166, %add3A_219 : i32
        %lt3A_221 = arith.constant 31 : i32
        %lt3A_222 = arith.cmpi slt, %add3A, %lt3A_221 : i32
        %convert_element_type3A_223 = arith.extui %lt3A_222 : i1 to i32
        %cond3A_224 = arith.constant 0 : i32
        %cond3A_225 = arith.cmpi ne, %convert_element_type3A_223, %cond3A_224 : i32
        scf.if %cond3A_225 {
          %add3A_231 = arith.addi %mul3A_2, %add3A_220 : i32
          %dma_start3A_232 = arith.constant 0 : i32
          %dma_start3A_233 = arith.constant 0 : i32
          %dma_start3A_234 = tpu.memref_slice %arg3[%dma_start3A_232, %add3A_231, %dma_start3A_233] : memref<2x2500x128xi32, #tpu.memory_space<hbm>> -> memref<1x1x128xi32, #tpu.memory_space<hbm>>
          %dma_start3A_235 = tpu.memref_squeeze %dma_start3A_234 : memref<1x1x128xi32, #tpu.memory_space<hbm>> -> memref<128xi32, #tpu.memory_space<hbm>>
          %dma_start3A_236 = arith.constant 0 : i32
          %dma_start3A_237 = tpu.memref_slice %arg3[%dma_start3A_232, %add3A_231, %dma_start3A_236] : memref<2x2500x128xi32, #tpu.memory_space<hbm>> -> memref<1x1x128xi32, #tpu.memory_space<hbm>>
          %dma_start3A_238 = tpu.memref_squeeze %dma_start3A_237 : memref<1x1x128xi32, #tpu.memory_space<hbm>> -> memref<128xi32, #tpu.memory_space<hbm>>
          tpu.enqueue_dma source(%dma_start3A_238 : memref<128xi32, #tpu.memory_space<hbm>>) target(%arg7 : memref<128xi32, #tpu.memory_space<vmem>>) target_semaphore(%arg23 : memref<!tpu.dma_semaphore, #tpu.memory_space<semaphore_mem>>)
        } else {
        }
        %eq3A_226 = arith.constant 31 : i32
        %eq3A_227 = arith.cmpi eq, %add3A, %eq3A_226 : i32
        %convert_element_type3A_228 = arith.extui %eq3A_227 : i1 to i32
        %cond3A_229 = arith.constant 0 : i32
        %cond3A_230 = arith.cmpi ne, %convert_element_type3A_228, %cond3A_229 : i32
        scf.if %cond3A_230 {
          %dma_start3A_231 = arith.constant 0 : i32
          %dma_start3A_232 = arith.constant 0 : i32
          %dma_start3A_233 = tpu.memref_slice %arg4[%dma_start3A_231, %add3A_220, %dma_start3A_232] : memref<2x80x128xi32, #tpu.memory_space<hbm>> -> memref<1x1x128xi32, #tpu.memory_space<hbm>>
          %dma_start3A_234 = tpu.memref_squeeze %dma_start3A_233 : memref<1x1x128xi32, #tpu.memory_space<hbm>> -> memref<128xi32, #tpu.memory_space<hbm>>
          %dma_start3A_235 = arith.constant 0 : i32
          %dma_start3A_236 = tpu.memref_slice %arg4[%dma_start3A_231, %add3A_220, %dma_start3A_235] : memref<2x80x128xi32, #tpu.memory_space<hbm>> -> memref<1x1x128xi32, #tpu.memory_space<hbm>>
          %dma_start3A_237 = tpu.memref_squeeze %dma_start3A_236 : memref<1x1x128xi32, #tpu.memory_space<hbm>> -> memref<128xi32, #tpu.memory_space<hbm>>
          tpu.enqueue_dma source(%dma_start3A_237 : memref<128xi32, #tpu.memory_space<hbm>>) target(%arg7 : memref<128xi32, #tpu.memory_space<vmem>>) target_semaphore(%arg23 : memref<!tpu.dma_semaphore, #tpu.memory_space<semaphore_mem>>)
        } else {
        }
      } else {
      }
      %lt3A_179 = arith.constant 80 : i32
      %lt3A_180 = arith.cmpi slt, %add3A_166, %lt3A_179 : i32
      %convert_element_type3A_181 = arith.extui %lt3A_180 : i1 to i32
      %cond3A_182 = arith.constant 0 : i32
      %cond3A_183 = arith.cmpi ne, %convert_element_type3A_181, %cond3A_182 : i32
      scf.if %cond3A_183 {
        %dma_wait3A_219 = arith.constant 0 : i32
        %dma_wait3A_220 = arith.constant 0 : i32
        %dma_wait3A_221 = tpu.memref_slice %arg3[%dma_wait3A_219, %mul3A_2, %dma_wait3A_220] : memref<2x2500x128xi32, #tpu.memory_space<hbm>> -> memref<1x1x128xi32, #tpu.memory_space<hbm>>
        %dma_wait3A_222 = tpu.memref_squeeze %dma_wait3A_221 : memref<1x1x128xi32, #tpu.memory_space<hbm>> -> memref<128xi32, #tpu.memory_space<hbm>>
        %dma_wait3A_223 = arith.constant 0 : i32
        %dma_wait3A_224 = tpu.memref_slice %arg3[%dma_wait3A_219, %mul3A_2, %dma_wait3A_223] : memref<2x2500x128xi32, #tpu.memory_space<hbm>> -> memref<1x1x128xi32, #tpu.memory_space<hbm>>
        %dma_wait3A_225 = tpu.memref_squeeze %dma_wait3A_224 : memref<1x1x128xi32, #tpu.memory_space<hbm>> -> memref<128xi32, #tpu.memory_space<hbm>>
        tpu.wait_dma2 semaphore(%arg26 : memref<!tpu.dma_semaphore, #tpu.memory_space<semaphore_mem>>) src(%dma_wait3A_225 : memref<128xi32, #tpu.memory_space<hbm>>) dst(%arg10 : memref<128xi32, #tpu.memory_space<vmem>>)
        %dma_start3A_226 = arith.constant 0 : i32
        %dma_start3A_227 = arith.constant 0 : i32
        %dma_start3A_228 = tpu.memref_slice %arg15[%dma_start3A_226, %dma_start3A_227] : memref<10000x128xf32, #tpu.memory_space<vmem_shared>> -> memref<10000x128xf32, #tpu.memory_space<vmem_shared>>
        tpu.enqueue_indirect_dma source(%arg13 : memref<128x128xf32, #tpu.memory_space<vmem>>) target(%dma_start3A_228 : memref<10000x128xf32, #tpu.memory_space<vmem_shared>>) offsets(%arg10 : memref<128xi32, #tpu.memory_space<vmem>>) semaphore(%arg20 : memref<!tpu.dma_semaphore, #tpu.memory_space<semaphore_mem>>) {add = true}
      } else {
      }
      %add3A_184 = arith.constant 3 : i32
      %add3A_185 = arith.addi %add3A_166, %add3A_184 : i32
      %lt3A_186 = arith.constant 80 : i32
      %lt3A_187 = arith.cmpi slt, %add3A_185, %lt3A_186 : i32
      %convert_element_type3A_188 = arith.extui %lt3A_187 : i1 to i32
      %cond3A_189 = arith.constant 0 : i32
      %cond3A_190 = arith.cmpi ne, %convert_element_type3A_188, %cond3A_189 : i32
      scf.if %cond3A_190 {
        %dma_wait3A_219 = arith.constant 0 : i32
        %dma_wait3A_220 = arith.constant 0 : i32
        %dma_wait3A_221 = tpu.memref_slice %arg15[%dma_wait3A_219, %dma_wait3A_220] : memref<10000x128xf32, #tpu.memory_space<vmem_shared>> -> memref<10000x128xf32, #tpu.memory_space<vmem_shared>>
        tpu.wait_indirect_dma semaphore(%arg20 : memref<!tpu.dma_semaphore, #tpu.memory_space<semaphore_mem>>) src(%arg13 : memref<128x128xf32, #tpu.memory_space<vmem>>) dst(%dma_wait3A_221 : memref<10000x128xf32, #tpu.memory_space<vmem_shared>>)
        %add3A_222 = arith.constant 3 : i32
        %add3A_223 = arith.addi %add3A_166, %add3A_222 : i32
        %lt3A_224 = arith.constant 31 : i32
        %lt3A_225 = arith.cmpi slt, %add3A, %lt3A_224 : i32
        %convert_element_type3A_226 = arith.extui %lt3A_225 : i1 to i32
        %cond3A_227 = arith.constant 0 : i32
        %cond3A_228 = arith.cmpi ne, %convert_element_type3A_226, %cond3A_227 : i32
        scf.if %cond3A_228 {
          %add3A_244 = arith.addi %mul3A_2, %add3A_223 : i32
          %dma_start3A_245 = arith.constant 1 : i32
          %dma_start3A_246 = arith.constant 0 : i32
          %dma_start3A_247 = tpu.memref_slice %arg3[%dma_start3A_245, %add3A_244, %dma_start3A_246] : memref<2x2500x128xi32, #tpu.memory_space<hbm>> -> memref<1x1x128xi32, #tpu.memory_space<hbm>>
          %dma_start3A_248 = tpu.memref_squeeze %dma_start3A_247 : memref<1x1x128xi32, #tpu.memory_space<hbm>> -> memref<128xi32, #tpu.memory_space<hbm>>
          %dma_start3A_249 = arith.constant 0 : i32
          %dma_start3A_250 = tpu.memref_slice %arg3[%dma_start3A_245, %add3A_244, %dma_start3A_249] : memref<2x2500x128xi32, #tpu.memory_space<hbm>> -> memref<1x1x128xi32, #tpu.memory_space<hbm>>
          %dma_start3A_251 = tpu.memref_squeeze %dma_start3A_250 : memref<1x1x128xi32, #tpu.memory_space<hbm>> -> memref<128xi32, #tpu.memory_space<hbm>>
          tpu.enqueue_dma source(%dma_start3A_251 : memref<128xi32, #tpu.memory_space<hbm>>) target(%arg10 : memref<128xi32, #tpu.memory_space<vmem>>) target_semaphore(%arg26 : memref<!tpu.dma_semaphore, #tpu.memory_space<semaphore_mem>>)
        } else {
        }
        %eq3A_229 = arith.constant 31 : i32
        %eq3A_230 = arith.cmpi eq, %add3A, %eq3A_229 : i32
        %convert_element_type3A_231 = arith.extui %eq3A_230 : i1 to i32
        %cond3A_232 = arith.constant 0 : i32
        %cond3A_233 = arith.cmpi ne, %convert_element_type3A_231, %cond3A_232 : i32
        scf.if %cond3A_233 {
          %dma_start3A_244 = arith.constant 1 : i32
          %dma_start3A_245 = arith.constant 0 : i32
          %dma_start3A_246 = tpu.memref_slice %arg4[%dma_start3A_244, %add3A_223, %dma_start3A_245] : memref<2x80x128xi32, #tpu.memory_space<hbm>> -> memref<1x1x128xi32, #tpu.memory_space<hbm>>
          %dma_start3A_247 = tpu.memref_squeeze %dma_start3A_246 : memref<1x1x128xi32, #tpu.memory_space<hbm>> -> memref<128xi32, #tpu.memory_space<hbm>>
          %dma_start3A_248 = arith.constant 0 : i32
          %dma_start3A_249 = tpu.memref_slice %arg4[%dma_start3A_244, %add3A_223, %dma_start3A_248] : memref<2x80x128xi32, #tpu.memory_space<hbm>> -> memref<1x1x128xi32, #tpu.memory_space<hbm>>
          %dma_start3A_250 = tpu.memref_squeeze %dma_start3A_249 : memref<1x1x128xi32, #tpu.memory_space<hbm>> -> memref<128xi32, #tpu.memory_space<hbm>>
          tpu.enqueue_dma source(%dma_start3A_250 : memref<128xi32, #tpu.memory_space<hbm>>) target(%arg10 : memref<128xi32, #tpu.memory_space<vmem>>) target_semaphore(%arg26 : memref<!tpu.dma_semaphore, #tpu.memory_space<semaphore_mem>>)
        } else {
        }
        %dma_wait3A_234 = arith.constant 0 : i32
        %dma_wait3A_235 = arith.constant 0 : i32
        %dma_wait3A_236 = tpu.memref_slice %arg3[%dma_wait3A_234, %mul3A_2, %dma_wait3A_235] : memref<2x2500x128xi32, #tpu.memory_space<hbm>> -> memref<1x1x128xi32, #tpu.memory_space<hbm>>
        %dma_wait3A_237 = tpu.memref_squeeze %dma_wait3A_236 : memref<1x1x128xi32, #tpu.memory_space<hbm>> -> memref<128xi32, #tpu.memory_space<hbm>>
        %dma_wait3A_238 = arith.constant 0 : i32
        %dma_wait3A_239 = tpu.memref_slice %arg3[%dma_wait3A_234, %mul3A_2, %dma_wait3A_238] : memref<2x2500x128xi32, #tpu.memory_space<hbm>> -> memref<1x1x128xi32, #tpu.memory_space<hbm>>
        %dma_wait3A_240 = tpu.memref_squeeze %dma_wait3A_239 : memref<1x1x128xi32, #tpu.memory_space<hbm>> -> memref<128xi32, #tpu.memory_space<hbm>>
        tpu.wait_dma2 semaphore(%arg23 : memref<!tpu.dma_semaphore, #tpu.memory_space<semaphore_mem>>) src(%dma_wait3A_240 : memref<128xi32, #tpu.memory_space<hbm>>) dst(%arg7 : memref<128xi32, #tpu.memory_space<vmem>>)
        %dma_start3A_241 = arith.constant 0 : i32
        %dma_start3A_242 = arith.constant 0 : i32
        %dma_start3A_243 = tpu.memref_slice %arg2[%dma_start3A_241, %dma_start3A_242] : memref<10064x128xf32, #tpu.memory_space<hbm>> -> memref<10064x128xf32, #tpu.memory_space<hbm>>
        tpu.enqueue_indirect_dma source(%dma_start3A_243 : memref<10064x128xf32, #tpu.memory_space<hbm>>) target(%arg13 : memref<128x128xf32, #tpu.memory_space<vmem>>) offsets(%arg7 : memref<128xi32, #tpu.memory_space<vmem>>) semaphore(%arg17 : memref<!tpu.dma_semaphore, #tpu.memory_space<semaphore_mem>>)
      } else {
      }
      %mul3A_191 = arith.constant 3 : i32
      %mul3A_192 = arith.muli %mul3A_191, %scan3A_134 : i32
      %add3A_193 = arith.constant 2 : i32
      %add3A_194 = arith.addi %mul3A_192, %add3A_193 : i32
      %lt3A_195 = arith.constant 80 : i32
      %lt3A_196 = arith.cmpi slt, %add3A_194, %lt3A_195 : i32
      %convert_element_type3A_197 = arith.extui %lt3A_196 : i1 to i32
      %cond3A_198 = arith.constant 0 : i32
      %cond3A_199 = arith.cmpi ne, %convert_element_type3A_197, %cond3A_198 : i32
      scf.if %cond3A_199 {
        %dma_wait3A_219 = arith.constant 0 : i32
        %dma_wait3A_220 = arith.constant 0 : i32
        %dma_wait3A_221 = tpu.memref_slice %arg2[%dma_wait3A_219, %dma_wait3A_220] : memref<10064x128xf32, #tpu.memory_space<hbm>> -> memref<10064x128xf32, #tpu.memory_space<hbm>>
        tpu.wait_indirect_dma semaphore(%arg18 : memref<!tpu.dma_semaphore, #tpu.memory_space<semaphore_mem>>) src(%dma_wait3A_221 : memref<10064x128xf32, #tpu.memory_space<hbm>>) dst(%arg14 : memref<128x128xf32, #tpu.memory_space<vmem>>)
      } else {
      }
      %add3A_200 = arith.constant 3 : i32
      %add3A_201 = arith.addi %add3A_194, %add3A_200 : i32
      %lt3A_202 = arith.constant 80 : i32
      %lt3A_203 = arith.cmpi slt, %add3A_201, %lt3A_202 : i32
      %convert_element_type3A_204 = arith.extui %lt3A_203 : i1 to i32
      %cond3A_205 = arith.constant 0 : i32
      %cond3A_206 = arith.cmpi ne, %convert_element_type3A_204, %cond3A_205 : i32
      scf.if %cond3A_206 {
        %add3A_219 = arith.constant 3 : i32
        %add3A_220 = arith.addi %add3A_194, %add3A_219 : i32
        %lt3A_221 = arith.constant 31 : i32
        %lt3A_222 = arith.cmpi slt, %add3A, %lt3A_221 : i32
        %convert_element_type3A_223 = arith.extui %lt3A_222 : i1 to i32
        %cond3A_224 = arith.constant 0 : i32
        %cond3A_225 = arith.cmpi ne, %convert_element_type3A_223, %cond3A_224 : i32
        scf.if %cond3A_225 {
          %add3A_231 = arith.addi %mul3A_2, %add3A_220 : i32
          %dma_start3A_232 = arith.constant 0 : i32
          %dma_start3A_233 = arith.constant 0 : i32
          %dma_start3A_234 = tpu.memref_slice %arg3[%dma_start3A_232, %add3A_231, %dma_start3A_233] : memref<2x2500x128xi32, #tpu.memory_space<hbm>> -> memref<1x1x128xi32, #tpu.memory_space<hbm>>
          %dma_start3A_235 = tpu.memref_squeeze %dma_start3A_234 : memref<1x1x128xi32, #tpu.memory_space<hbm>> -> memref<128xi32, #tpu.memory_space<hbm>>
          %dma_start3A_236 = arith.constant 0 : i32
          %dma_start3A_237 = tpu.memref_slice %arg3[%dma_start3A_232, %add3A_231, %dma_start3A_236] : memref<2x2500x128xi32, #tpu.memory_space<hbm>> -> memref<1x1x128xi32, #tpu.memory_space<hbm>>
          %dma_start3A_238 = tpu.memref_squeeze %dma_start3A_237 : memref<1x1x128xi32, #tpu.memory_space<hbm>> -> memref<128xi32, #tpu.memory_space<hbm>>
          tpu.enqueue_dma source(%dma_start3A_238 : memref<128xi32, #tpu.memory_space<hbm>>) target(%arg8 : memref<128xi32, #tpu.memory_space<vmem>>) target_semaphore(%arg24 : memref<!tpu.dma_semaphore, #tpu.memory_space<semaphore_mem>>)
        } else {
        }
        %eq3A_226 = arith.constant 31 : i32
        %eq3A_227 = arith.cmpi eq, %add3A, %eq3A_226 : i32
        %convert_element_type3A_228 = arith.extui %eq3A_227 : i1 to i32
        %cond3A_229 = arith.constant 0 : i32
        %cond3A_230 = arith.cmpi ne, %convert_element_type3A_228, %cond3A_229 : i32
        scf.if %cond3A_230 {
          %dma_start3A_231 = arith.constant 0 : i32
          %dma_start3A_232 = arith.constant 0 : i32
          %dma_start3A_233 = tpu.memref_slice %arg4[%dma_start3A_231, %add3A_220, %dma_start3A_232] : memref<2x80x128xi32, #tpu.memory_space<hbm>> -> memref<1x1x128xi32, #tpu.memory_space<hbm>>
          %dma_start3A_234 = tpu.memref_squeeze %dma_start3A_233 : memref<1x1x128xi32, #tpu.memory_space<hbm>> -> memref<128xi32, #tpu.memory_space<hbm>>
          %dma_start3A_235 = arith.constant 0 : i32
          %dma_start3A_236 = tpu.memref_slice %arg4[%dma_start3A_231, %add3A_220, %dma_start3A_235] : memref<2x80x128xi32, #tpu.memory_space<hbm>> -> memref<1x1x128xi32, #tpu.memory_space<hbm>>
          %dma_start3A_237 = tpu.memref_squeeze %dma_start3A_236 : memref<1x1x128xi32, #tpu.memory_space<hbm>> -> memref<128xi32, #tpu.memory_space<hbm>>
          tpu.enqueue_dma source(%dma_start3A_237 : memref<128xi32, #tpu.memory_space<hbm>>) target(%arg8 : memref<128xi32, #tpu.memory_space<vmem>>) target_semaphore(%arg24 : memref<!tpu.dma_semaphore, #tpu.memory_space<semaphore_mem>>)
        } else {
        }
      } else {
      }
      %lt3A_207 = arith.constant 80 : i32
      %lt3A_208 = arith.cmpi slt, %add3A_194, %lt3A_207 : i32
      %convert_element_type3A_209 = arith.extui %lt3A_208 : i1 to i32
      %cond3A_210 = arith.constant 0 : i32
      %cond3A_211 = arith.cmpi ne, %convert_element_type3A_209, %cond3A_210 : i32
      scf.if %cond3A_211 {
        %dma_wait3A_219 = arith.constant 0 : i32
        %dma_wait3A_220 = arith.constant 0 : i32
        %dma_wait3A_221 = tpu.memref_slice %arg3[%dma_wait3A_219, %mul3A_2, %dma_wait3A_220] : memref<2x2500x128xi32, #tpu.memory_space<hbm>> -> memref<1x1x128xi32, #tpu.memory_space<hbm>>
        %dma_wait3A_222 = tpu.memref_squeeze %dma_wait3A_221 : memref<1x1x128xi32, #tpu.memory_space<hbm>> -> memref<128xi32, #tpu.memory_space<hbm>>
        %dma_wait3A_223 = arith.constant 0 : i32
        %dma_wait3A_224 = tpu.memref_slice %arg3[%dma_wait3A_219, %mul3A_2, %dma_wait3A_223] : memref<2x2500x128xi32, #tpu.memory_space<hbm>> -> memref<1x1x128xi32, #tpu.memory_space<hbm>>
        %dma_wait3A_225 = tpu.memref_squeeze %dma_wait3A_224 : memref<1x1x128xi32, #tpu.memory_space<hbm>> -> memref<128xi32, #tpu.memory_space<hbm>>
        tpu.wait_dma2 semaphore(%arg27 : memref<!tpu.dma_semaphore, #tpu.memory_space<semaphore_mem>>) src(%dma_wait3A_225 : memref<128xi32, #tpu.memory_space<hbm>>) dst(%arg11 : memref<128xi32, #tpu.memory_space<vmem>>)
        %dma_start3A_226 = arith.constant 0 : i32
        %dma_start3A_227 = arith.constant 0 : i32
        %dma_start3A_228 = tpu.memref_slice %arg15[%dma_start3A_226, %dma_start3A_227] : memref<10000x128xf32, #tpu.memory_space<vmem_shared>> -> memref<10000x128xf32, #tpu.memory_space<vmem_shared>>
        tpu.enqueue_indirect_dma source(%arg14 : memref<128x128xf32, #tpu.memory_space<vmem>>) target(%dma_start3A_228 : memref<10000x128xf32, #tpu.memory_space<vmem_shared>>) offsets(%arg11 : memref<128xi32, #tpu.memory_space<vmem>>) semaphore(%arg21 : memref<!tpu.dma_semaphore, #tpu.memory_space<semaphore_mem>>) {add = true}
      } else {
      }
      %add3A_212 = arith.constant 3 : i32
      %add3A_213 = arith.addi %add3A_194, %add3A_212 : i32
      %lt3A_214 = arith.constant 80 : i32
      %lt3A_215 = arith.cmpi slt, %add3A_213, %lt3A_214 : i32
      %convert_element_type3A_216 = arith.extui %lt3A_215 : i1 to i32
      %cond3A_217 = arith.constant 0 : i32
      %cond3A_218 = arith.cmpi ne, %convert_element_type3A_216, %cond3A_217 : i32
      scf.if %cond3A_218 {
        %dma_wait3A_219 = arith.constant 0 : i32
        %dma_wait3A_220 = arith.constant 0 : i32
        %dma_wait3A_221 = tpu.memref_slice %arg15[%dma_wait3A_219, %dma_wait3A_220] : memref<10000x128xf32, #tpu.memory_space<vmem_shared>> -> memref<10000x128xf32, #tpu.memory_space<vmem_shared>>
        tpu.wait_indirect_dma semaphore(%arg21 : memref<!tpu.dma_semaphore, #tpu.memory_space<semaphore_mem>>) src(%arg14 : memref<128x128xf32, #tpu.memory_space<vmem>>) dst(%dma_wait3A_221 : memref<10000x128xf32, #tpu.memory_space<vmem_shared>>)
        %add3A_222 = arith.constant 3 : i32
        %add3A_223 = arith.addi %add3A_194, %add3A_222 : i32
        %lt3A_224 = arith.constant 31 : i32
        %lt3A_225 = arith.cmpi slt, %add3A, %lt3A_224 : i32
        %convert_element_type3A_226 = arith.extui %lt3A_225 : i1 to i32
        %cond3A_227 = arith.constant 0 : i32
        %cond3A_228 = arith.cmpi ne, %convert_element_type3A_226, %cond3A_227 : i32
        scf.if %cond3A_228 {
          %add3A_244 = arith.addi %mul3A_2, %add3A_223 : i32
          %dma_start3A_245 = arith.constant 1 : i32
          %dma_start3A_246 = arith.constant 0 : i32
          %dma_start3A_247 = tpu.memref_slice %arg3[%dma_start3A_245, %add3A_244, %dma_start3A_246] : memref<2x2500x128xi32, #tpu.memory_space<hbm>> -> memref<1x1x128xi32, #tpu.memory_space<hbm>>
          %dma_start3A_248 = tpu.memref_squeeze %dma_start3A_247 : memref<1x1x128xi32, #tpu.memory_space<hbm>> -> memref<128xi32, #tpu.memory_space<hbm>>
          %dma_start3A_249 = arith.constant 0 : i32
          %dma_start3A_250 = tpu.memref_slice %arg3[%dma_start3A_245, %add3A_244, %dma_start3A_249] : memref<2x2500x128xi32, #tpu.memory_space<hbm>> -> memref<1x1x128xi32, #tpu.memory_space<hbm>>
          %dma_start3A_251 = tpu.memref_squeeze %dma_start3A_250 : memref<1x1x128xi32, #tpu.memory_space<hbm>> -> memref<128xi32, #tpu.memory_space<hbm>>
          tpu.enqueue_dma source(%dma_start3A_251 : memref<128xi32, #tpu.memory_space<hbm>>) target(%arg11 : memref<128xi32, #tpu.memory_space<vmem>>) target_semaphore(%arg27 : memref<!tpu.dma_semaphore, #tpu.memory_space<semaphore_mem>>)
        } else {
        }
        %eq3A_229 = arith.constant 31 : i32
        %eq3A_230 = arith.cmpi eq, %add3A, %eq3A_229 : i32
        %convert_element_type3A_231 = arith.extui %eq3A_230 : i1 to i32
        %cond3A_232 = arith.constant 0 : i32
        %cond3A_233 = arith.cmpi ne, %convert_element_type3A_231, %cond3A_232 : i32
        scf.if %cond3A_233 {
          %dma_start3A_244 = arith.constant 1 : i32
          %dma_start3A_245 = arith.constant 0 : i32
          %dma_start3A_246 = tpu.memref_slice %arg4[%dma_start3A_244, %add3A_223, %dma_start3A_245] : memref<2x80x128xi32, #tpu.memory_space<hbm>> -> memref<1x1x128xi32, #tpu.memory_space<hbm>>
          %dma_start3A_247 = tpu.memref_squeeze %dma_start3A_246 : memref<1x1x128xi32, #tpu.memory_space<hbm>> -> memref<128xi32, #tpu.memory_space<hbm>>
          %dma_start3A_248 = arith.constant 0 : i32
          %dma_start3A_249 = tpu.memref_slice %arg4[%dma_start3A_244, %add3A_223, %dma_start3A_248] : memref<2x80x128xi32, #tpu.memory_space<hbm>> -> memref<1x1x128xi32, #tpu.memory_space<hbm>>
          %dma_start3A_250 = tpu.memref_squeeze %dma_start3A_249 : memref<1x1x128xi32, #tpu.memory_space<hbm>> -> memref<128xi32, #tpu.memory_space<hbm>>
          tpu.enqueue_dma source(%dma_start3A_250 : memref<128xi32, #tpu.memory_space<hbm>>) target(%arg11 : memref<128xi32, #tpu.memory_space<vmem>>) target_semaphore(%arg27 : memref<!tpu.dma_semaphore, #tpu.memory_space<semaphore_mem>>)
        } else {
        }
        %dma_wait3A_234 = arith.constant 0 : i32
        %dma_wait3A_235 = arith.constant 0 : i32
        %dma_wait3A_236 = tpu.memref_slice %arg3[%dma_wait3A_234, %mul3A_2, %dma_wait3A_235] : memref<2x2500x128xi32, #tpu.memory_space<hbm>> -> memref<1x1x128xi32, #tpu.memory_space<hbm>>
        %dma_wait3A_237 = tpu.memref_squeeze %dma_wait3A_236 : memref<1x1x128xi32, #tpu.memory_space<hbm>> -> memref<128xi32, #tpu.memory_space<hbm>>
        %dma_wait3A_238 = arith.constant 0 : i32
        %dma_wait3A_239 = tpu.memref_slice %arg3[%dma_wait3A_234, %mul3A_2, %dma_wait3A_238] : memref<2x2500x128xi32, #tpu.memory_space<hbm>> -> memref<1x1x128xi32, #tpu.memory_space<hbm>>
        %dma_wait3A_240 = tpu.memref_squeeze %dma_wait3A_239 : memref<1x1x128xi32, #tpu.memory_space<hbm>> -> memref<128xi32, #tpu.memory_space<hbm>>
        tpu.wait_dma2 semaphore(%arg24 : memref<!tpu.dma_semaphore, #tpu.memory_space<semaphore_mem>>) src(%dma_wait3A_240 : memref<128xi32, #tpu.memory_space<hbm>>) dst(%arg8 : memref<128xi32, #tpu.memory_space<vmem>>)
        %dma_start3A_241 = arith.constant 0 : i32
        %dma_start3A_242 = arith.constant 0 : i32
        %dma_start3A_243 = tpu.memref_slice %arg2[%dma_start3A_241, %dma_start3A_242] : memref<10064x128xf32, #tpu.memory_space<hbm>> -> memref<10064x128xf32, #tpu.memory_space<hbm>>
        tpu.enqueue_indirect_dma source(%dma_start3A_243 : memref<10064x128xf32, #tpu.memory_space<hbm>>) target(%arg14 : memref<128x128xf32, #tpu.memory_space<vmem>>) offsets(%arg8 : memref<128xi32, #tpu.memory_space<vmem>>) semaphore(%arg18 : memref<!tpu.dma_semaphore, #tpu.memory_space<semaphore_mem>>)
      } else {
      }
    }
    %scan3A_115 = arith.constant 27 : i32
    %dma_wait3A_116 = arith.constant 0 : i32
    %dma_wait3A_117 = arith.constant 0 : i32
    %dma_wait3A_118 = tpu.memref_slice %arg15[%dma_wait3A_116, %dma_wait3A_117] : memref<10000x128xf32, #tpu.memory_space<vmem_shared>> -> memref<10000x128xf32, #tpu.memory_space<vmem_shared>>
    tpu.wait_indirect_dma semaphore(%arg19 : memref<!tpu.dma_semaphore, #tpu.memory_space<semaphore_mem>>) src(%arg12 : memref<128x128xf32, #tpu.memory_space<vmem>>) dst(%dma_wait3A_118 : memref<10000x128xf32, #tpu.memory_space<vmem_shared>>)
    %dma_wait3A_119 = arith.constant 0 : i32
    %dma_wait3A_120 = arith.constant 0 : i32
    %dma_wait3A_121 = tpu.memref_slice %arg15[%dma_wait3A_119, %dma_wait3A_120] : memref<10000x128xf32, #tpu.memory_space<vmem_shared>> -> memref<10000x128xf32, #tpu.memory_space<vmem_shared>>
    tpu.wait_indirect_dma semaphore(%arg20 : memref<!tpu.dma_semaphore, #tpu.memory_space<semaphore_mem>>) src(%arg13 : memref<128x128xf32, #tpu.memory_space<vmem>>) dst(%dma_wait3A_121 : memref<10000x128xf32, #tpu.memory_space<vmem_shared>>)
    %dma_wait3A_122 = arith.constant 0 : i32
    %dma_wait3A_123 = arith.constant 0 : i32
    %dma_wait3A_124 = tpu.memref_slice %arg15[%dma_wait3A_122, %dma_wait3A_123] : memref<10000x128xf32, #tpu.memory_space<vmem_shared>> -> memref<10000x128xf32, #tpu.memory_space<vmem_shared>>
    tpu.wait_indirect_dma semaphore(%arg21 : memref<!tpu.dma_semaphore, #tpu.memory_space<semaphore_mem>>) src(%arg14 : memref<128x128xf32, #tpu.memory_space<vmem>>) dst(%dma_wait3A_124 : memref<10000x128xf32, #tpu.memory_space<vmem_shared>>)
    %barrier3A_125 = arith.constant 0 : index
    tpu.barrier barrier_id(%barrier3A_125)
    %mul3A_126 = arith.constant 10000 : i32
    %mul3A_127 = arith.muli %arg0, %mul3A_126 : i32
    %add3A_128 = arith.addi %mul3A_127, %mul3A_10 : i32
    "tpu.region"() ({
      %run_scoped3A = tpu.sem_alloc : memref<!tpu.dma_semaphore, #tpu.memory_space<semaphore_mem>>
      %dma_start3A_134 = arith.constant 0 : i32
      %dma_start3A_135 = tpu.memref_slice %arg5[%add3A_128, %dma_start3A_134] : memref<20000x128xf32, #tpu.memory_space<hbm>> -> memref<624x128xf32, #tpu.memory_space<hbm>>
      %dma_start3A_136 = arith.constant 0 : i32
      %dma_start3A_137 = tpu.memref_slice %arg15[%mul3A_10, %dma_start3A_136] : memref<10000x128xf32, #tpu.memory_space<vmem_shared>> -> memref<624x128xf32, #tpu.memory_space<vmem_shared>>
      tpu.enqueue_dma source(%dma_start3A_137 : memref<624x128xf32, #tpu.memory_space<vmem_shared>>) target(%dma_start3A_135 : memref<624x128xf32, #tpu.memory_space<hbm>>) target_semaphore(%run_scoped3A : memref<!tpu.dma_semaphore, #tpu.memory_space<semaphore_mem>>)
      %dma_wait3A_138 = arith.constant 0 : i32
      %dma_wait3A_139 = tpu.memref_slice %arg5[%add3A_128, %dma_wait3A_138] : memref<20000x128xf32, #tpu.memory_space<hbm>> -> memref<624x128xf32, #tpu.memory_space<hbm>>
      %dma_wait3A_140 = arith.constant 0 : i32
      %dma_wait3A_141 = tpu.memref_slice %arg15[%mul3A_10, %dma_wait3A_140] : memref<10000x128xf32, #tpu.memory_space<vmem_shared>> -> memref<624x128xf32, #tpu.memory_space<vmem_shared>>
      tpu.wait_dma2 semaphore(%run_scoped3A : memref<!tpu.dma_semaphore, #tpu.memory_space<semaphore_mem>>) src(%dma_wait3A_141 : memref<624x128xf32, #tpu.memory_space<vmem_shared>>) dst(%dma_wait3A_139 : memref<624x128xf32, #tpu.memory_space<hbm>>)
      tpu.yield
    }) : () -> ()
    %eq3A_129 = arith.constant 0 : i32
    %eq3A_130 = arith.cmpi eq, %arg1, %eq3A_129 : i32
    %convert_element_type3A_131 = arith.extui %eq3A_130 : i1 to i32
    %cond3A_132 = arith.constant 0 : i32
    %cond3A_133 = arith.cmpi ne, %convert_element_type3A_131, %cond3A_132 : i32
    scf.if %cond3A_133 {
      %mul3A_134 = arith.constant 10000 : i32
      %mul3A_135 = arith.muli %arg0, %mul3A_134 : i32
      %add3A_136 = arith.constant 9984 : i32
      %add3A_137 = arith.addi %mul3A_135, %add3A_136 : i32
      "tpu.region"() ({
        %run_scoped3A = tpu.sem_alloc : memref<!tpu.dma_semaphore, #tpu.memory_space<semaphore_mem>>
        %dma_start3A_138 = arith.constant 0 : i32
        %dma_start3A_139 = tpu.memref_slice %arg5[%add3A_137, %dma_start3A_138] : memref<20000x128xf32, #tpu.memory_space<hbm>> -> memref<16x128xf32, #tpu.memory_space<hbm>>
        %dma_start3A_140 = arith.constant 9984 : i32
        %dma_start3A_141 = arith.constant 0 : i32
        %dma_start3A_142 = tpu.memref_slice %arg15[%dma_start3A_140, %dma_start3A_141] : memref<10000x128xf32, #tpu.memory_space<vmem_shared>> -> memref<16x128xf32, #tpu.memory_space<vmem_shared>>
        tpu.enqueue_dma source(%dma_start3A_142 : memref<16x128xf32, #tpu.memory_space<vmem_shared>>) target(%dma_start3A_139 : memref<16x128xf32, #tpu.memory_space<hbm>>) target_semaphore(%run_scoped3A : memref<!tpu.dma_semaphore, #tpu.memory_space<semaphore_mem>>)
        %dma_wait3A_143 = arith.constant 0 : i32
        %dma_wait3A_144 = tpu.memref_slice %arg5[%add3A_137, %dma_wait3A_143] : memref<20000x128xf32, #tpu.memory_space<hbm>> -> memref<16x128xf32, #tpu.memory_space<hbm>>
        %dma_wait3A_145 = arith.constant 9984 : i32
        %dma_wait3A_146 = arith.constant 0 : i32
        %dma_wait3A_147 = tpu.memref_slice %arg15[%dma_wait3A_145, %dma_wait3A_146] : memref<10000x128xf32, #tpu.memory_space<vmem_shared>> -> memref<16x128xf32, #tpu.memory_space<vmem_shared>>
        tpu.wait_dma2 semaphore(%run_scoped3A : memref<!tpu.dma_semaphore, #tpu.memory_space<semaphore_mem>>) src(%dma_wait3A_147 : memref<16x128xf32, #tpu.memory_space<vmem_shared>>) dst(%dma_wait3A_144 : memref<16x128xf32, #tpu.memory_space<hbm>>)
        tpu.yield
      }) : () -> ()
    } else {
    }
    return
  }
}

#map = affine_map<(d0, d1) -> (0, 0, 0)>
#map1 = affine_map<(d0, d1) -> (0, 0)>
module attributes {stable_mosaic.version = 14 : i64} {
  func.func @k(%arg0: i32, %arg1: i32, %arg2: memref<2x2500x128xi32, #tpu.memory_space<hbm>>, %arg3: memref<2x80x128xi32, #tpu.memory_space<hbm>>, %arg4: memref<20000x128xf32, #tpu.memory_space<hbm>>, %arg5: memref<80x128xi32, #tpu.memory_space<vmem>>, %arg6: memref<128x128xf32, #tpu.memory_space<vmem>>, %arg7: memref<10000x128xf32, #tpu.memory_space<vmem_shared>>, %arg8: memref<!tpu.dma_semaphore, #tpu.memory_space<semaphore_mem>>) attributes {dimension_semantics = [#tpu.dimension_semantics<core_parallel>, #tpu.dimension_semantics<subcore_parallel>], iteration_bounds = array<i64: 2, 16>, scalar_prefetch = 0 : i64, scratch_operands = 4 : i64, tpu.core_type = #tpu.core_type<sc_vector_subcore>, window_params = [{transform_indices = #map}, {transform_indices = #map}, {transform_indices = #map1}]} {
    %mul3A = arith.constant 16 : i32
    %mul3A_0 = arith.muli %arg0, %mul3A : i32
    %add3A = arith.addi %mul3A_0, %arg1 : i32
    %broadcast_in_dim3A = arith.constant 0.000000e+00 : f32
    %broadcast_in_dim3A_1 = vector.broadcast %broadcast_in_dim3A : f32 to vector<16xf32>
    %broadcast_in_dim3A_2 = arith.constant 1.000000e+00 : f32
    %broadcast_in_dim3A_3 = vector.broadcast %broadcast_in_dim3A_2 : f32 to vector<16xf32>
    %scan3A = arith.constant 0 : i32
    %scan3A_4 = arith.constant 0 : i32
    %scan3A_5 = arith.constant 128 : i32
    %scan3A_6 = arith.addi %scan3A_4, %scan3A_5 : i32
    %scan3A_7 = arith.constant 1 : i32
    scf.for %scan3A_59 = %scan3A_4 to %scan3A_6 step %scan3A_7  : i32 {
      %swap3A = arith.index_cast %scan3A_59 : i32 to index
      %swap3A_60 = arith.constant 0 : index
      %swap3A_61 = tpu.vector_load %arg6[%swap3A, %swap3A_60] {strides = array<i32>} : memref<128x128xf32, #tpu.memory_space<vmem>>, vector<1x16xf32>,
      %swap3A_62 = vector.shape_cast %swap3A_61 : vector<1x16xf32> to vector<16xf32>
      %swap3A_63 = vector.shape_cast %broadcast_in_dim3A_1 : vector<16xf32> to vector<1x16xf32>
      tpu.vector_store %arg6[%swap3A, %swap3A_60], %swap3A_63 {strides = array<i32>} : memref<128x128xf32, #tpu.memory_space<vmem>>, vector<1x16xf32>,
      %swap3A_64 = arith.index_cast %scan3A_59 : i32 to index
      %swap3A_65 = arith.constant 16 : index
      %swap3A_66 = tpu.vector_load %arg6[%swap3A_64, %swap3A_65] {strides = array<i32>} : memref<128x128xf32, #tpu.memory_space<vmem>>, vector<1x16xf32>,
      %swap3A_67 = vector.shape_cast %swap3A_66 : vector<1x16xf32> to vector<16xf32>
      %swap3A_68 = vector.shape_cast %broadcast_in_dim3A_1 : vector<16xf32> to vector<1x16xf32>
      tpu.vector_store %arg6[%swap3A_64, %swap3A_65], %swap3A_68 {strides = array<i32>} : memref<128x128xf32, #tpu.memory_space<vmem>>, vector<1x16xf32>,
      %swap3A_69 = arith.index_cast %scan3A_59 : i32 to index
      %swap3A_70 = arith.constant 32 : index
      %swap3A_71 = tpu.vector_load %arg6[%swap3A_69, %swap3A_70] {strides = array<i32>} : memref<128x128xf32, #tpu.memory_space<vmem>>, vector<1x16xf32>,
      %swap3A_72 = vector.shape_cast %swap3A_71 : vector<1x16xf32> to vector<16xf32>
      %swap3A_73 = vector.shape_cast %broadcast_in_dim3A_1 : vector<16xf32> to vector<1x16xf32>
      tpu.vector_store %arg6[%swap3A_69, %swap3A_70], %swap3A_73 {strides = array<i32>} : memref<128x128xf32, #tpu.memory_space<vmem>>, vector<1x16xf32>,
      %swap3A_74 = arith.index_cast %scan3A_59 : i32 to index
      %swap3A_75 = arith.constant 48 : index
      %swap3A_76 = tpu.vector_load %arg6[%swap3A_74, %swap3A_75] {strides = array<i32>} : memref<128x128xf32, #tpu.memory_space<vmem>>, vector<1x16xf32>,
      %swap3A_77 = vector.shape_cast %swap3A_76 : vector<1x16xf32> to vector<16xf32>
      %swap3A_78 = vector.shape_cast %broadcast_in_dim3A_1 : vector<16xf32> to vector<1x16xf32>
      tpu.vector_store %arg6[%swap3A_74, %swap3A_75], %swap3A_78 {strides = array<i32>} : memref<128x128xf32, #tpu.memory_space<vmem>>, vector<1x16xf32>,
      %swap3A_79 = arith.index_cast %scan3A_59 : i32 to index
      %swap3A_80 = arith.constant 64 : index
      %swap3A_81 = tpu.vector_load %arg6[%swap3A_79, %swap3A_80] {strides = array<i32>} : memref<128x128xf32, #tpu.memory_space<vmem>>, vector<1x16xf32>,
      %swap3A_82 = vector.shape_cast %swap3A_81 : vector<1x16xf32> to vector<16xf32>
      %swap3A_83 = vector.shape_cast %broadcast_in_dim3A_1 : vector<16xf32> to vector<1x16xf32>
      tpu.vector_store %arg6[%swap3A_79, %swap3A_80], %swap3A_83 {strides = array<i32>} : memref<128x128xf32, #tpu.memory_space<vmem>>, vector<1x16xf32>,
      %swap3A_84 = arith.index_cast %scan3A_59 : i32 to index
      %swap3A_85 = arith.constant 80 : index
      %swap3A_86 = tpu.vector_load %arg6[%swap3A_84, %swap3A_85] {strides = array<i32>} : memref<128x128xf32, #tpu.memory_space<vmem>>, vector<1x16xf32>,
      %swap3A_87 = vector.shape_cast %swap3A_86 : vector<1x16xf32> to vector<16xf32>
      %swap3A_88 = vector.shape_cast %broadcast_in_dim3A_1 : vector<16xf32> to vector<1x16xf32>
      tpu.vector_store %arg6[%swap3A_84, %swap3A_85], %swap3A_88 {strides = array<i32>} : memref<128x128xf32, #tpu.memory_space<vmem>>, vector<1x16xf32>,
      %swap3A_89 = arith.index_cast %scan3A_59 : i32 to index
      %swap3A_90 = arith.constant 96 : index
      %swap3A_91 = tpu.vector_load %arg6[%swap3A_89, %swap3A_90] {strides = array<i32>} : memref<128x128xf32, #tpu.memory_space<vmem>>, vector<1x16xf32>,
      %swap3A_92 = vector.shape_cast %swap3A_91 : vector<1x16xf32> to vector<16xf32>
      %swap3A_93 = vector.shape_cast %broadcast_in_dim3A_1 : vector<16xf32> to vector<1x16xf32>
      tpu.vector_store %arg6[%swap3A_89, %swap3A_90], %swap3A_93 {strides = array<i32>} : memref<128x128xf32, #tpu.memory_space<vmem>>, vector<1x16xf32>,
      %swap3A_94 = arith.index_cast %scan3A_59 : i32 to index
      %swap3A_95 = arith.constant 112 : index
      %swap3A_96 = tpu.vector_load %arg6[%swap3A_94, %swap3A_95] {strides = array<i32>} : memref<128x128xf32, #tpu.memory_space<vmem>>, vector<1x16xf32>,
      %swap3A_97 = vector.shape_cast %swap3A_96 : vector<1x16xf32> to vector<16xf32>
      %swap3A_98 = vector.shape_cast %broadcast_in_dim3A_1 : vector<16xf32> to vector<1x16xf32>
      tpu.vector_store %arg6[%swap3A_94, %swap3A_95], %swap3A_98 {strides = array<i32>} : memref<128x128xf32, #tpu.memory_space<vmem>>, vector<1x16xf32>,
    }
    %scan3A_8 = arith.constant 128 : i32
    %mul3A_9 = arith.constant 624 : i32
    %mul3A_10 = arith.muli %arg1, %mul3A_9 : i32
    %add3A_11 = arith.constant 0 : i32
    %add3A_12 = arith.addi %mul3A_10, %add3A_11 : i32
    "tpu.region"() ({
      %run_scoped3A = tpu.sem_alloc : memref<!tpu.dma_semaphore, #tpu.memory_space<semaphore_mem>>
      %dma_start3A = arith.constant 0 : i32
      %dma_start3A_59 = tpu.memref_slice %arg7[%add3A_12, %dma_start3A] : memref<10000x128xf32, #tpu.memory_space<vmem_shared>> -> memref<128x128xf32, #tpu.memory_space<vmem_shared>>
      %dma_start3A_60 = arith.constant 0 : i32
      %dma_start3A_61 = tpu.memref_slice %arg7[%add3A_12, %dma_start3A_60] : memref<10000x128xf32, #tpu.memory_space<vmem_shared>> -> memref<128x128xf32, #tpu.memory_space<vmem_shared>>
      tpu.enqueue_dma source(%arg6 : memref<128x128xf32, #tpu.memory_space<vmem>>) target(%dma_start3A_61 : memref<128x128xf32, #tpu.memory_space<vmem_shared>>) target_semaphore(%run_scoped3A : memref<!tpu.dma_semaphore, #tpu.memory_space<semaphore_mem>>)
      %dma_wait3A = arith.constant 0 : i32
      %dma_wait3A_62 = tpu.memref_slice %arg7[%add3A_12, %dma_wait3A] : memref<10000x128xf32, #tpu.memory_space<vmem_shared>> -> memref<128x128xf32, #tpu.memory_space<vmem_shared>>
      %dma_wait3A_63 = arith.constant 0 : i32
      %dma_wait3A_64 = tpu.memref_slice %arg7[%add3A_12, %dma_wait3A_63] : memref<10000x128xf32, #tpu.memory_space<vmem_shared>> -> memref<128x128xf32, #tpu.memory_space<vmem_shared>>
      tpu.wait_dma2 semaphore(%run_scoped3A : memref<!tpu.dma_semaphore, #tpu.memory_space<semaphore_mem>>) src(%arg6 : memref<128x128xf32, #tpu.memory_space<vmem>>) dst(%dma_wait3A_64 : memref<128x128xf32, #tpu.memory_space<vmem_shared>>)
      tpu.yield
    }) : () -> ()
    %add3A_13 = arith.constant 128 : i32
    %add3A_14 = arith.addi %mul3A_10, %add3A_13 : i32
    "tpu.region"() ({
      %run_scoped3A = tpu.sem_alloc : memref<!tpu.dma_semaphore, #tpu.memory_space<semaphore_mem>>
      %dma_start3A = arith.constant 0 : i32
      %dma_start3A_59 = tpu.memref_slice %arg7[%add3A_14, %dma_start3A] : memref<10000x128xf32, #tpu.memory_space<vmem_shared>> -> memref<128x128xf32, #tpu.memory_space<vmem_shared>>
      %dma_start3A_60 = arith.constant 0 : i32
      %dma_start3A_61 = tpu.memref_slice %arg7[%add3A_14, %dma_start3A_60] : memref<10000x128xf32, #tpu.memory_space<vmem_shared>> -> memref<128x128xf32, #tpu.memory_space<vmem_shared>>
      tpu.enqueue_dma source(%arg6 : memref<128x128xf32, #tpu.memory_space<vmem>>) target(%dma_start3A_61 : memref<128x128xf32, #tpu.memory_space<vmem_shared>>) target_semaphore(%run_scoped3A : memref<!tpu.dma_semaphore, #tpu.memory_space<semaphore_mem>>)
      %dma_wait3A = arith.constant 0 : i32
      %dma_wait3A_62 = tpu.memref_slice %arg7[%add3A_14, %dma_wait3A] : memref<10000x128xf32, #tpu.memory_space<vmem_shared>> -> memref<128x128xf32, #tpu.memory_space<vmem_shared>>
      %dma_wait3A_63 = arith.constant 0 : i32
      %dma_wait3A_64 = tpu.memref_slice %arg7[%add3A_14, %dma_wait3A_63] : memref<10000x128xf32, #tpu.memory_space<vmem_shared>> -> memref<128x128xf32, #tpu.memory_space<vmem_shared>>
      tpu.wait_dma2 semaphore(%run_scoped3A : memref<!tpu.dma_semaphore, #tpu.memory_space<semaphore_mem>>) src(%arg6 : memref<128x128xf32, #tpu.memory_space<vmem>>) dst(%dma_wait3A_64 : memref<128x128xf32, #tpu.memory_space<vmem_shared>>)
      tpu.yield
    }) : () -> ()
    %add3A_15 = arith.constant 256 : i32
    %add3A_16 = arith.addi %mul3A_10, %add3A_15 : i32
    "tpu.region"() ({
      %run_scoped3A = tpu.sem_alloc : memref<!tpu.dma_semaphore, #tpu.memory_space<semaphore_mem>>
      %dma_start3A = arith.constant 0 : i32
      %dma_start3A_59 = tpu.memref_slice %arg7[%add3A_16, %dma_start3A] : memref<10000x128xf32, #tpu.memory_space<vmem_shared>> -> memref<128x128xf32, #tpu.memory_space<vmem_shared>>
      %dma_start3A_60 = arith.constant 0 : i32
      %dma_start3A_61 = tpu.memref_slice %arg7[%add3A_16, %dma_start3A_60] : memref<10000x128xf32, #tpu.memory_space<vmem_shared>> -> memref<128x128xf32, #tpu.memory_space<vmem_shared>>
      tpu.enqueue_dma source(%arg6 : memref<128x128xf32, #tpu.memory_space<vmem>>) target(%dma_start3A_61 : memref<128x128xf32, #tpu.memory_space<vmem_shared>>) target_semaphore(%run_scoped3A : memref<!tpu.dma_semaphore, #tpu.memory_space<semaphore_mem>>)
      %dma_wait3A = arith.constant 0 : i32
      %dma_wait3A_62 = tpu.memref_slice %arg7[%add3A_16, %dma_wait3A] : memref<10000x128xf32, #tpu.memory_space<vmem_shared>> -> memref<128x128xf32, #tpu.memory_space<vmem_shared>>
      %dma_wait3A_63 = arith.constant 0 : i32
      %dma_wait3A_64 = tpu.memref_slice %arg7[%add3A_16, %dma_wait3A_63] : memref<10000x128xf32, #tpu.memory_space<vmem_shared>> -> memref<128x128xf32, #tpu.memory_space<vmem_shared>>
      tpu.wait_dma2 semaphore(%run_scoped3A : memref<!tpu.dma_semaphore, #tpu.memory_space<semaphore_mem>>) src(%arg6 : memref<128x128xf32, #tpu.memory_space<vmem>>) dst(%dma_wait3A_64 : memref<128x128xf32, #tpu.memory_space<vmem_shared>>)
      tpu.yield
    }) : () -> ()
    %add3A_17 = arith.constant 384 : i32
    %add3A_18 = arith.addi %mul3A_10, %add3A_17 : i32
    "tpu.region"() ({
      %run_scoped3A = tpu.sem_alloc : memref<!tpu.dma_semaphore, #tpu.memory_space<semaphore_mem>>
      %dma_start3A = arith.constant 0 : i32
      %dma_start3A_59 = tpu.memref_slice %arg7[%add3A_18, %dma_start3A] : memref<10000x128xf32, #tpu.memory_space<vmem_shared>> -> memref<128x128xf32, #tpu.memory_space<vmem_shared>>
      %dma_start3A_60 = arith.constant 0 : i32
      %dma_start3A_61 = tpu.memref_slice %arg7[%add3A_18, %dma_start3A_60] : memref<10000x128xf32, #tpu.memory_space<vmem_shared>> -> memref<128x128xf32, #tpu.memory_space<vmem_shared>>
      tpu.enqueue_dma source(%arg6 : memref<128x128xf32, #tpu.memory_space<vmem>>) target(%dma_start3A_61 : memref<128x128xf32, #tpu.memory_space<vmem_shared>>) target_semaphore(%run_scoped3A : memref<!tpu.dma_semaphore, #tpu.memory_space<semaphore_mem>>)
      %dma_wait3A = arith.constant 0 : i32
      %dma_wait3A_62 = tpu.memref_slice %arg7[%add3A_18, %dma_wait3A] : memref<10000x128xf32, #tpu.memory_space<vmem_shared>> -> memref<128x128xf32, #tpu.memory_space<vmem_shared>>
      %dma_wait3A_63 = arith.constant 0 : i32
      %dma_wait3A_64 = tpu.memref_slice %arg7[%add3A_18, %dma_wait3A_63] : memref<10000x128xf32, #tpu.memory_space<vmem_shared>> -> memref<128x128xf32, #tpu.memory_space<vmem_shared>>
      tpu.wait_dma2 semaphore(%run_scoped3A : memref<!tpu.dma_semaphore, #tpu.memory_space<semaphore_mem>>) src(%arg6 : memref<128x128xf32, #tpu.memory_space<vmem>>) dst(%dma_wait3A_64 : memref<128x128xf32, #tpu.memory_space<vmem_shared>>)
      tpu.yield
    }) : () -> ()
    %add3A_19 = arith.constant 512 : i32
    %add3A_20 = arith.addi %mul3A_10, %add3A_19 : i32
    "tpu.region"() ({
      %run_scoped3A = tpu.sem_alloc : memref<!tpu.dma_semaphore, #tpu.memory_space<semaphore_mem>>
      %dma_start3A = arith.constant 0 : i32
      %dma_start3A_59 = arith.constant 0 : i32
      %dma_start3A_60 = tpu.memref_slice %arg6[%dma_start3A, %dma_start3A_59] : memref<128x128xf32, #tpu.memory_space<vmem>> -> memref<112x128xf32, #tpu.memory_space<vmem>>
      %dma_start3A_61 = arith.constant 0 : i32
      %dma_start3A_62 = tpu.memref_slice %arg7[%add3A_20, %dma_start3A_61] : memref<10000x128xf32, #tpu.memory_space<vmem_shared>> -> memref<112x128xf32, #tpu.memory_space<vmem_shared>>
      %dma_start3A_63 = arith.constant 0 : i32
      %dma_start3A_64 = tpu.memref_slice %arg7[%add3A_20, %dma_start3A_63] : memref<10000x128xf32, #tpu.memory_space<vmem_shared>> -> memref<112x128xf32, #tpu.memory_space<vmem_shared>>
      %dma_start3A_65 = arith.constant 0 : i32
      %dma_start3A_66 = arith.constant 0 : i32
      %dma_start3A_67 = tpu.memref_slice %arg6[%dma_start3A_65, %dma_start3A_66] : memref<128x128xf32, #tpu.memory_space<vmem>> -> memref<112x128xf32, #tpu.memory_space<vmem>>
      tpu.enqueue_dma source(%dma_start3A_67 : memref<112x128xf32, #tpu.memory_space<vmem>>) target(%dma_start3A_64 : memref<112x128xf32, #tpu.memory_space<vmem_shared>>) target_semaphore(%run_scoped3A : memref<!tpu.dma_semaphore, #tpu.memory_space<semaphore_mem>>)
      %dma_wait3A = arith.constant 0 : i32
      %dma_wait3A_68 = arith.constant 0 : i32
      %dma_wait3A_69 = tpu.memref_slice %arg6[%dma_wait3A, %dma_wait3A_68] : memref<128x128xf32, #tpu.memory_space<vmem>> -> memref<112x128xf32, #tpu.memory_space<vmem>>
      %dma_wait3A_70 = arith.constant 0 : i32
      %dma_wait3A_71 = tpu.memref_slice %arg7[%add3A_20, %dma_wait3A_70] : memref<10000x128xf32, #tpu.memory_space<vmem_shared>> -> memref<112x128xf32, #tpu.memory_space<vmem_shared>>
      %dma_wait3A_72 = arith.constant 0 : i32
      %dma_wait3A_73 = tpu.memref_slice %arg7[%add3A_20, %dma_wait3A_72] : memref<10000x128xf32, #tpu.memory_space<vmem_shared>> -> memref<112x128xf32, #tpu.memory_space<vmem_shared>>
      %dma_wait3A_74 = arith.constant 0 : i32
      %dma_wait3A_75 = arith.constant 0 : i32
      %dma_wait3A_76 = tpu.memref_slice %arg6[%dma_wait3A_74, %dma_wait3A_75] : memref<128x128xf32, #tpu.memory_space<vmem>> -> memref<112x128xf32, #tpu.memory_space<vmem>>
      tpu.wait_dma2 semaphore(%run_scoped3A : memref<!tpu.dma_semaphore, #tpu.memory_space<semaphore_mem>>) src(%dma_wait3A_76 : memref<112x128xf32, #tpu.memory_space<vmem>>) dst(%dma_wait3A_73 : memref<112x128xf32, #tpu.memory_space<vmem_shared>>)
      tpu.yield
    }) : () -> ()
    %eq3A = arith.constant 0 : i32
    %eq3A_21 = arith.cmpi eq, %arg1, %eq3A : i32
    %convert_element_type3A = arith.extui %eq3A_21 : i1 to i32
    %cond3A = arith.constant 0 : i32
    %cond3A_22 = arith.cmpi ne, %convert_element_type3A, %cond3A : i32
    scf.if %cond3A_22 {
      "tpu.region"() ({
        %run_scoped3A = tpu.sem_alloc : memref<!tpu.dma_semaphore, #tpu.memory_space<semaphore_mem>>
        %dma_start3A = arith.constant 0 : i32
        %dma_start3A_59 = arith.constant 0 : i32
        %dma_start3A_60 = tpu.memref_slice %arg6[%dma_start3A, %dma_start3A_59] : memref<128x128xf32, #tpu.memory_space<vmem>> -> memref<16x128xf32, #tpu.memory_space<vmem>>
        %dma_start3A_61 = arith.constant 9984 : i32
        %dma_start3A_62 = arith.constant 0 : i32
        %dma_start3A_63 = tpu.memref_slice %arg7[%dma_start3A_61, %dma_start3A_62] : memref<10000x128xf32, #tpu.memory_space<vmem_shared>> -> memref<16x128xf32, #tpu.memory_space<vmem_shared>>
        %dma_start3A_64 = arith.constant 9984 : i32
        %dma_start3A_65 = arith.constant 0 : i32
        %dma_start3A_66 = tpu.memref_slice %arg7[%dma_start3A_64, %dma_start3A_65] : memref<10000x128xf32, #tpu.memory_space<vmem_shared>> -> memref<16x128xf32, #tpu.memory_space<vmem_shared>>
        %dma_start3A_67 = arith.constant 0 : i32
        %dma_start3A_68 = arith.constant 0 : i32
        %dma_start3A_69 = tpu.memref_slice %arg6[%dma_start3A_67, %dma_start3A_68] : memref<128x128xf32, #tpu.memory_space<vmem>> -> memref<16x128xf32, #tpu.memory_space<vmem>>
        tpu.enqueue_dma source(%dma_start3A_69 : memref<16x128xf32, #tpu.memory_space<vmem>>) target(%dma_start3A_66 : memref<16x128xf32, #tpu.memory_space<vmem_shared>>) target_semaphore(%run_scoped3A : memref<!tpu.dma_semaphore, #tpu.memory_space<semaphore_mem>>)
        %dma_wait3A = arith.constant 0 : i32
        %dma_wait3A_70 = arith.constant 0 : i32
        %dma_wait3A_71 = tpu.memref_slice %arg6[%dma_wait3A, %dma_wait3A_70] : memref<128x128xf32, #tpu.memory_space<vmem>> -> memref<16x128xf32, #tpu.memory_space<vmem>>
        %dma_wait3A_72 = arith.constant 9984 : i32
        %dma_wait3A_73 = arith.constant 0 : i32
        %dma_wait3A_74 = tpu.memref_slice %arg7[%dma_wait3A_72, %dma_wait3A_73] : memref<10000x128xf32, #tpu.memory_space<vmem_shared>> -> memref<16x128xf32, #tpu.memory_space<vmem_shared>>
        %dma_wait3A_75 = arith.constant 9984 : i32
        %dma_wait3A_76 = arith.constant 0 : i32
        %dma_wait3A_77 = tpu.memref_slice %arg7[%dma_wait3A_75, %dma_wait3A_76] : memref<10000x128xf32, #tpu.memory_space<vmem_shared>> -> memref<16x128xf32, #tpu.memory_space<vmem_shared>>
        %dma_wait3A_78 = arith.constant 0 : i32
        %dma_wait3A_79 = arith.constant 0 : i32
        %dma_wait3A_80 = tpu.memref_slice %arg6[%dma_wait3A_78, %dma_wait3A_79] : memref<128x128xf32, #tpu.memory_space<vmem>> -> memref<16x128xf32, #tpu.memory_space<vmem>>
        tpu.wait_dma2 semaphore(%run_scoped3A : memref<!tpu.dma_semaphore, #tpu.memory_space<semaphore_mem>>) src(%dma_wait3A_80 : memref<16x128xf32, #tpu.memory_space<vmem>>) dst(%dma_wait3A_77 : memref<16x128xf32, #tpu.memory_space<vmem_shared>>)
        tpu.yield
      }) : () -> ()
    } else {
    }
    %scan3A_23 = arith.constant 0 : i32
    %scan3A_24 = arith.constant 0 : i32
    %scan3A_25 = arith.constant 128 : i32
    %scan3A_26 = arith.addi %scan3A_24, %scan3A_25 : i32
    %scan3A_27 = arith.constant 1 : i32
    scf.for %scan3A_59 = %scan3A_24 to %scan3A_26 step %scan3A_27  : i32 {
      %swap3A = arith.index_cast %scan3A_59 : i32 to index
      %swap3A_60 = arith.constant 0 : index
      %swap3A_61 = tpu.vector_load %arg6[%swap3A, %swap3A_60] {strides = array<i32>} : memref<128x128xf32, #tpu.memory_space<vmem>>, vector<1x16xf32>,
      %swap3A_62 = vector.shape_cast %swap3A_61 : vector<1x16xf32> to vector<16xf32>
      %swap3A_63 = vector.shape_cast %broadcast_in_dim3A_3 : vector<16xf32> to vector<1x16xf32>
      tpu.vector_store %arg6[%swap3A, %swap3A_60], %swap3A_63 {strides = array<i32>} : memref<128x128xf32, #tpu.memory_space<vmem>>, vector<1x16xf32>,
      %swap3A_64 = arith.index_cast %scan3A_59 : i32 to index
      %swap3A_65 = arith.constant 16 : index
      %swap3A_66 = tpu.vector_load %arg6[%swap3A_64, %swap3A_65] {strides = array<i32>} : memref<128x128xf32, #tpu.memory_space<vmem>>, vector<1x16xf32>,
      %swap3A_67 = vector.shape_cast %swap3A_66 : vector<1x16xf32> to vector<16xf32>
      %swap3A_68 = vector.shape_cast %broadcast_in_dim3A_3 : vector<16xf32> to vector<1x16xf32>
      tpu.vector_store %arg6[%swap3A_64, %swap3A_65], %swap3A_68 {strides = array<i32>} : memref<128x128xf32, #tpu.memory_space<vmem>>, vector<1x16xf32>,
      %swap3A_69 = arith.index_cast %scan3A_59 : i32 to index
      %swap3A_70 = arith.constant 32 : index
      %swap3A_71 = tpu.vector_load %arg6[%swap3A_69, %swap3A_70] {strides = array<i32>} : memref<128x128xf32, #tpu.memory_space<vmem>>, vector<1x16xf32>,
      %swap3A_72 = vector.shape_cast %swap3A_71 : vector<1x16xf32> to vector<16xf32>
      %swap3A_73 = vector.shape_cast %broadcast_in_dim3A_3 : vector<16xf32> to vector<1x16xf32>
      tpu.vector_store %arg6[%swap3A_69, %swap3A_70], %swap3A_73 {strides = array<i32>} : memref<128x128xf32, #tpu.memory_space<vmem>>, vector<1x16xf32>,
      %swap3A_74 = arith.index_cast %scan3A_59 : i32 to index
      %swap3A_75 = arith.constant 48 : index
      %swap3A_76 = tpu.vector_load %arg6[%swap3A_74, %swap3A_75] {strides = array<i32>} : memref<128x128xf32, #tpu.memory_space<vmem>>, vector<1x16xf32>,
      %swap3A_77 = vector.shape_cast %swap3A_76 : vector<1x16xf32> to vector<16xf32>
      %swap3A_78 = vector.shape_cast %broadcast_in_dim3A_3 : vector<16xf32> to vector<1x16xf32>
      tpu.vector_store %arg6[%swap3A_74, %swap3A_75], %swap3A_78 {strides = array<i32>} : memref<128x128xf32, #tpu.memory_space<vmem>>, vector<1x16xf32>,
      %swap3A_79 = arith.index_cast %scan3A_59 : i32 to index
      %swap3A_80 = arith.constant 64 : index
      %swap3A_81 = tpu.vector_load %arg6[%swap3A_79, %swap3A_80] {strides = array<i32>} : memref<128x128xf32, #tpu.memory_space<vmem>>, vector<1x16xf32>,
      %swap3A_82 = vector.shape_cast %swap3A_81 : vector<1x16xf32> to vector<16xf32>
      %swap3A_83 = vector.shape_cast %broadcast_in_dim3A_3 : vector<16xf32> to vector<1x16xf32>
      tpu.vector_store %arg6[%swap3A_79, %swap3A_80], %swap3A_83 {strides = array<i32>} : memref<128x128xf32, #tpu.memory_space<vmem>>, vector<1x16xf32>,
      %swap3A_84 = arith.index_cast %scan3A_59 : i32 to index
      %swap3A_85 = arith.constant 80 : index
      %swap3A_86 = tpu.vector_load %arg6[%swap3A_84, %swap3A_85] {strides = array<i32>} : memref<128x128xf32, #tpu.memory_space<vmem>>, vector<1x16xf32>,
      %swap3A_87 = vector.shape_cast %swap3A_86 : vector<1x16xf32> to vector<16xf32>
      %swap3A_88 = vector.shape_cast %broadcast_in_dim3A_3 : vector<16xf32> to vector<1x16xf32>
      tpu.vector_store %arg6[%swap3A_84, %swap3A_85], %swap3A_88 {strides = array<i32>} : memref<128x128xf32, #tpu.memory_space<vmem>>, vector<1x16xf32>,
      %swap3A_89 = arith.index_cast %scan3A_59 : i32 to index
      %swap3A_90 = arith.constant 96 : index
      %swap3A_91 = tpu.vector_load %arg6[%swap3A_89, %swap3A_90] {strides = array<i32>} : memref<128x128xf32, #tpu.memory_space<vmem>>, vector<1x16xf32>,
      %swap3A_92 = vector.shape_cast %swap3A_91 : vector<1x16xf32> to vector<16xf32>
      %swap3A_93 = vector.shape_cast %broadcast_in_dim3A_3 : vector<16xf32> to vector<1x16xf32>
      tpu.vector_store %arg6[%swap3A_89, %swap3A_90], %swap3A_93 {strides = array<i32>} : memref<128x128xf32, #tpu.memory_space<vmem>>, vector<1x16xf32>,
      %swap3A_94 = arith.index_cast %scan3A_59 : i32 to index
      %swap3A_95 = arith.constant 112 : index
      %swap3A_96 = tpu.vector_load %arg6[%swap3A_94, %swap3A_95] {strides = array<i32>} : memref<128x128xf32, #tpu.memory_space<vmem>>, vector<1x16xf32>,
      %swap3A_97 = vector.shape_cast %swap3A_96 : vector<1x16xf32> to vector<16xf32>
      %swap3A_98 = vector.shape_cast %broadcast_in_dim3A_3 : vector<16xf32> to vector<1x16xf32>
      tpu.vector_store %arg6[%swap3A_94, %swap3A_95], %swap3A_98 {strides = array<i32>} : memref<128x128xf32, #tpu.memory_space<vmem>>, vector<1x16xf32>,
    }
    %scan3A_28 = arith.constant 128 : i32
    %lt3A = arith.constant 31 : i32
    %lt3A_29 = arith.cmpi slt, %add3A, %lt3A : i32
    %convert_element_type3A_30 = arith.extui %lt3A_29 : i1 to i32
    %cond3A_31 = arith.constant 0 : i32
    %cond3A_32 = arith.cmpi ne, %convert_element_type3A_30, %cond3A_31 : i32
    scf.if %cond3A_32 {
      %mul3A_59 = arith.constant 80 : i32
      %mul3A_60 = arith.muli %add3A, %mul3A_59 : i32
      %run_scoped3A = arith.constant 1 : i32
      "tpu.region"() ({
        %run_scoped3A_61 = tpu.sem_alloc : memref<!tpu.dma_semaphore, #tpu.memory_space<semaphore_mem>>
        %dma_start3A = arith.constant 0 : i32
        %dma_start3A_62 = tpu.memref_slice %arg2[%run_scoped3A, %mul3A_60, %dma_start3A] : memref<2x2500x128xi32, #tpu.memory_space<hbm>> -> memref<1x80x128xi32, #tpu.memory_space<hbm>>
        %dma_start3A_63 = tpu.memref_squeeze %dma_start3A_62 : memref<1x80x128xi32, #tpu.memory_space<hbm>> -> memref<80x128xi32, #tpu.memory_space<hbm>>
        %dma_start3A_64 = arith.constant 0 : i32
        %dma_start3A_65 = tpu.memref_slice %arg2[%run_scoped3A, %mul3A_60, %dma_start3A_64] : memref<2x2500x128xi32, #tpu.memory_space<hbm>> -> memref<1x80x128xi32, #tpu.memory_space<hbm>>
        %dma_start3A_66 = tpu.memref_squeeze %dma_start3A_65 : memref<1x80x128xi32, #tpu.memory_space<hbm>> -> memref<80x128xi32, #tpu.memory_space<hbm>>
        tpu.enqueue_dma source(%dma_start3A_66 : memref<80x128xi32, #tpu.memory_space<hbm>>) target(%arg5 : memref<80x128xi32, #tpu.memory_space<vmem>>) target_semaphore(%run_scoped3A_61 : memref<!tpu.dma_semaphore, #tpu.memory_space<semaphore_mem>>)
        %dma_wait3A = arith.constant 0 : i32
        %dma_wait3A_67 = tpu.memref_slice %arg2[%run_scoped3A, %mul3A_60, %dma_wait3A] : memref<2x2500x128xi32, #tpu.memory_space<hbm>> -> memref<1x80x128xi32, #tpu.memory_space<hbm>>
        %dma_wait3A_68 = tpu.memref_squeeze %dma_wait3A_67 : memref<1x80x128xi32, #tpu.memory_space<hbm>> -> memref<80x128xi32, #tpu.memory_space<hbm>>
        %dma_wait3A_69 = arith.constant 0 : i32
        %dma_wait3A_70 = tpu.memref_slice %arg2[%run_scoped3A, %mul3A_60, %dma_wait3A_69] : memref<2x2500x128xi32, #tpu.memory_space<hbm>> -> memref<1x80x128xi32, #tpu.memory_space<hbm>>
        %dma_wait3A_71 = tpu.memref_squeeze %dma_wait3A_70 : memref<1x80x128xi32, #tpu.memory_space<hbm>> -> memref<80x128xi32, #tpu.memory_space<hbm>>
        tpu.wait_dma2 semaphore(%run_scoped3A_61 : memref<!tpu.dma_semaphore, #tpu.memory_space<semaphore_mem>>) src(%dma_wait3A_71 : memref<80x128xi32, #tpu.memory_space<hbm>>) dst(%arg5 : memref<80x128xi32, #tpu.memory_space<vmem>>)
        tpu.yield
      }) : () -> ()
    } else {
    }
    %eq3A_33 = arith.constant 31 : i32
    %eq3A_34 = arith.cmpi eq, %add3A, %eq3A_33 : i32
    %convert_element_type3A_35 = arith.extui %eq3A_34 : i1 to i32
    %cond3A_36 = arith.constant 0 : i32
    %cond3A_37 = arith.cmpi ne, %convert_element_type3A_35, %cond3A_36 : i32
    scf.if %cond3A_37 {
      %run_scoped3A = arith.constant 1 : i32
      "tpu.region"() ({
        %run_scoped3A_59 = tpu.sem_alloc : memref<!tpu.dma_semaphore, #tpu.memory_space<semaphore_mem>>
        %dma_start3A = arith.constant 0 : i32
        %dma_start3A_60 = arith.constant 0 : i32
        %dma_start3A_61 = tpu.memref_slice %arg3[%run_scoped3A, %dma_start3A, %dma_start3A_60] : memref<2x80x128xi32, #tpu.memory_space<hbm>> -> memref<1x80x128xi32, #tpu.memory_space<hbm>>
        %dma_start3A_62 = tpu.memref_squeeze %dma_start3A_61 : memref<1x80x128xi32, #tpu.memory_space<hbm>> -> memref<80x128xi32, #tpu.memory_space<hbm>>
        %dma_start3A_63 = arith.constant 0 : i32
        %dma_start3A_64 = arith.constant 0 : i32
        %dma_start3A_65 = tpu.memref_slice %arg3[%run_scoped3A, %dma_start3A_63, %dma_start3A_64] : memref<2x80x128xi32, #tpu.memory_space<hbm>> -> memref<1x80x128xi32, #tpu.memory_space<hbm>>
        %dma_start3A_66 = tpu.memref_squeeze %dma_start3A_65 : memref<1x80x128xi32, #tpu.memory_space<hbm>> -> memref<80x128xi32, #tpu.memory_space<hbm>>
        tpu.enqueue_dma source(%dma_start3A_66 : memref<80x128xi32, #tpu.memory_space<hbm>>) target(%arg5 : memref<80x128xi32, #tpu.memory_space<vmem>>) target_semaphore(%run_scoped3A_59 : memref<!tpu.dma_semaphore, #tpu.memory_space<semaphore_mem>>)
        %dma_wait3A = arith.constant 0 : i32
        %dma_wait3A_67 = arith.constant 0 : i32
        %dma_wait3A_68 = tpu.memref_slice %arg3[%run_scoped3A, %dma_wait3A, %dma_wait3A_67] : memref<2x80x128xi32, #tpu.memory_space<hbm>> -> memref<1x80x128xi32, #tpu.memory_space<hbm>>
        %dma_wait3A_69 = tpu.memref_squeeze %dma_wait3A_68 : memref<1x80x128xi32, #tpu.memory_space<hbm>> -> memref<80x128xi32, #tpu.memory_space<hbm>>
        %dma_wait3A_70 = arith.constant 0 : i32
        %dma_wait3A_71 = arith.constant 0 : i32
        %dma_wait3A_72 = tpu.memref_slice %arg3[%run_scoped3A, %dma_wait3A_70, %dma_wait3A_71] : memref<2x80x128xi32, #tpu.memory_space<hbm>> -> memref<1x80x128xi32, #tpu.memory_space<hbm>>
        %dma_wait3A_73 = tpu.memref_squeeze %dma_wait3A_72 : memref<1x80x128xi32, #tpu.memory_space<hbm>> -> memref<80x128xi32, #tpu.memory_space<hbm>>
        tpu.wait_dma2 semaphore(%run_scoped3A_59 : memref<!tpu.dma_semaphore, #tpu.memory_space<semaphore_mem>>) src(%dma_wait3A_73 : memref<80x128xi32, #tpu.memory_space<hbm>>) dst(%arg5 : memref<80x128xi32, #tpu.memory_space<vmem>>)
        tpu.yield
      }) : () -> ()
    } else {
    }
    %barrier3A = arith.constant 0 : index
    tpu.barrier barrier_id(%barrier3A)
    %scan3A_38 = arith.constant 0 : i32
    %scan3A_39 = arith.constant 0 : i32
    %scan3A_40 = arith.constant 80 : i32
    %scan3A_41 = arith.addi %scan3A_39, %scan3A_40 : i32
    %scan3A_42 = arith.constant 1 : i32
    scf.for %scan3A_59 = %scan3A_39 to %scan3A_41 step %scan3A_42  : i32 {
      %dma_start3A = arith.constant 0 : i32
      %dma_start3A_60 = tpu.memref_slice %arg5[%scan3A_59, %dma_start3A] : memref<80x128xi32, #tpu.memory_space<vmem>> -> memref<1x128xi32, #tpu.memory_space<vmem>>
      %dma_start3A_61 = tpu.memref_squeeze %dma_start3A_60 : memref<1x128xi32, #tpu.memory_space<vmem>> -> memref<128xi32, #tpu.memory_space<vmem>>
      %dma_start3A_62 = arith.constant 0 : i32
      %dma_start3A_63 = arith.constant 0 : i32
      %dma_start3A_64 = tpu.memref_slice %arg7[%dma_start3A_62, %dma_start3A_63] : memref<10000x128xf32, #tpu.memory_space<vmem_shared>> -> memref<10000x128xf32, #tpu.memory_space<vmem_shared>>
      tpu.enqueue_indirect_dma source(%arg6 : memref<128x128xf32, #tpu.memory_space<vmem>>) target(%dma_start3A_64 : memref<10000x128xf32, #tpu.memory_space<vmem_shared>>) offsets(%dma_start3A_61 : memref<128xi32, #tpu.memory_space<vmem>>) semaphore(%arg8 : memref<!tpu.dma_semaphore, #tpu.memory_space<semaphore_mem>>) {add = true}
    }
    %scan3A_43 = arith.constant 80 : i32
    %scan3A_44 = arith.constant 0 : i32
    %scan3A_45 = arith.constant 0 : i32
    %scan3A_46 = arith.constant 80 : i32
    %scan3A_47 = arith.addi %scan3A_45, %scan3A_46 : i32
    %scan3A_48 = arith.constant 1 : i32
    scf.for %scan3A_59 = %scan3A_45 to %scan3A_47 step %scan3A_48  : i32 {
      %dma_wait3A = arith.constant 0 : i32
      %dma_wait3A_60 = arith.constant 0 : i32
      %dma_wait3A_61 = tpu.memref_slice %arg5[%dma_wait3A, %dma_wait3A_60] : memref<80x128xi32, #tpu.memory_space<vmem>> -> memref<1x128xi32, #tpu.memory_space<vmem>>
      %dma_wait3A_62 = tpu.memref_squeeze %dma_wait3A_61 : memref<1x128xi32, #tpu.memory_space<vmem>> -> memref<128xi32, #tpu.memory_space<vmem>>
      %dma_wait3A_63 = arith.constant 0 : i32
      %dma_wait3A_64 = arith.constant 0 : i32
      %dma_wait3A_65 = tpu.memref_slice %arg7[%dma_wait3A_63, %dma_wait3A_64] : memref<10000x128xf32, #tpu.memory_space<vmem_shared>> -> memref<10000x128xf32, #tpu.memory_space<vmem_shared>>
      tpu.wait_indirect_dma semaphore(%arg8 : memref<!tpu.dma_semaphore, #tpu.memory_space<semaphore_mem>>) src(%arg6 : memref<128x128xf32, #tpu.memory_space<vmem>>) dst(%dma_wait3A_65 : memref<10000x128xf32, #tpu.memory_space<vmem_shared>>)
    }
    %scan3A_49 = arith.constant 80 : i32
    %barrier3A_50 = arith.constant 0 : index
    tpu.barrier barrier_id(%barrier3A_50)
    %mul3A_51 = arith.constant 10000 : i32
    %mul3A_52 = arith.muli %arg0, %mul3A_51 : i32
    %add3A_53 = arith.addi %mul3A_52, %mul3A_10 : i32
    "tpu.region"() ({
      %run_scoped3A = tpu.sem_alloc : memref<!tpu.dma_semaphore, #tpu.memory_space<semaphore_mem>>
      %dma_start3A = arith.constant 0 : i32
      %dma_start3A_59 = tpu.memref_slice %arg4[%add3A_53, %dma_start3A] : memref<20000x128xf32, #tpu.memory_space<hbm>> -> memref<624x128xf32, #tpu.memory_space<hbm>>
      %dma_start3A_60 = arith.constant 0 : i32
      %dma_start3A_61 = tpu.memref_slice %arg7[%mul3A_10, %dma_start3A_60] : memref<10000x128xf32, #tpu.memory_space<vmem_shared>> -> memref<624x128xf32, #tpu.memory_space<vmem_shared>>
      tpu.enqueue_dma source(%dma_start3A_61 : memref<624x128xf32, #tpu.memory_space<vmem_shared>>) target(%dma_start3A_59 : memref<624x128xf32, #tpu.memory_space<hbm>>) target_semaphore(%run_scoped3A : memref<!tpu.dma_semaphore, #tpu.memory_space<semaphore_mem>>)
      %dma_wait3A = arith.constant 0 : i32
      %dma_wait3A_62 = tpu.memref_slice %arg4[%add3A_53, %dma_wait3A] : memref<20000x128xf32, #tpu.memory_space<hbm>> -> memref<624x128xf32, #tpu.memory_space<hbm>>
      %dma_wait3A_63 = arith.constant 0 : i32
      %dma_wait3A_64 = tpu.memref_slice %arg7[%mul3A_10, %dma_wait3A_63] : memref<10000x128xf32, #tpu.memory_space<vmem_shared>> -> memref<624x128xf32, #tpu.memory_space<vmem_shared>>
      tpu.wait_dma2 semaphore(%run_scoped3A : memref<!tpu.dma_semaphore, #tpu.memory_space<semaphore_mem>>) src(%dma_wait3A_64 : memref<624x128xf32, #tpu.memory_space<vmem_shared>>) dst(%dma_wait3A_62 : memref<624x128xf32, #tpu.memory_space<hbm>>)
      tpu.yield
    }) : () -> ()
    %eq3A_54 = arith.constant 0 : i32
    %eq3A_55 = arith.cmpi eq, %arg1, %eq3A_54 : i32
    %convert_element_type3A_56 = arith.extui %eq3A_55 : i1 to i32
    %cond3A_57 = arith.constant 0 : i32
    %cond3A_58 = arith.cmpi ne, %convert_element_type3A_56, %cond3A_57 : i32
    scf.if %cond3A_58 {
      %mul3A_59 = arith.constant 10000 : i32
      %mul3A_60 = arith.muli %arg0, %mul3A_59 : i32
      %add3A_61 = arith.constant 9984 : i32
      %add3A_62 = arith.addi %mul3A_60, %add3A_61 : i32
      "tpu.region"() ({
        %run_scoped3A = tpu.sem_alloc : memref<!tpu.dma_semaphore, #tpu.memory_space<semaphore_mem>>
        %dma_start3A = arith.constant 0 : i32
        %dma_start3A_63 = tpu.memref_slice %arg4[%add3A_62, %dma_start3A] : memref<20000x128xf32, #tpu.memory_space<hbm>> -> memref<16x128xf32, #tpu.memory_space<hbm>>
        %dma_start3A_64 = arith.constant 9984 : i32
        %dma_start3A_65 = arith.constant 0 : i32
        %dma_start3A_66 = tpu.memref_slice %arg7[%dma_start3A_64, %dma_start3A_65] : memref<10000x128xf32, #tpu.memory_space<vmem_shared>> -> memref<16x128xf32, #tpu.memory_space<vmem_shared>>
        tpu.enqueue_dma source(%dma_start3A_66 : memref<16x128xf32, #tpu.memory_space<vmem_shared>>) target(%dma_start3A_63 : memref<16x128xf32, #tpu.memory_space<hbm>>) target_semaphore(%run_scoped3A : memref<!tpu.dma_semaphore, #tpu.memory_space<semaphore_mem>>)
        %dma_wait3A = arith.constant 0 : i32
        %dma_wait3A_67 = tpu.memref_slice %arg4[%add3A_62, %dma_wait3A] : memref<20000x128xf32, #tpu.memory_space<hbm>> -> memref<16x128xf32, #tpu.memory_space<hbm>>
        %dma_wait3A_68 = arith.constant 9984 : i32
        %dma_wait3A_69 = arith.constant 0 : i32
        %dma_wait3A_70 = tpu.memref_slice %arg7[%dma_wait3A_68, %dma_wait3A_69] : memref<10000x128xf32, #tpu.memory_space<vmem_shared>> -> memref<16x128xf32, #tpu.memory_space<vmem_shared>>
        tpu.wait_dma2 semaphore(%run_scoped3A : memref<!tpu.dma_semaphore, #tpu.memory_space<semaphore_mem>>) src(%dma_wait3A_70 : memref<16x128xf32, #tpu.memory_space<vmem_shared>>) dst(%dma_wait3A_67 : memref<16x128xf32, #tpu.memory_space<hbm>>)
        tpu.yield
      }) : () -> ()
    } else {
    }
    return
  }
}

module attributes {stable_mosaic.version = 14 : i64} {
  func.func @body(%arg0: i32, %arg1: memref<1000x128xf32, #tpu.memory_space<vmem>>, %arg2: memref<128x128xf32, #tpu.memory_space<vmem>>, %arg3: memref<1000x128xf32, #tpu.memory_space<vmem>>) attributes {dimension_semantics = [#tpu.dimension_semantics<arbitrary>], iteration_bounds = array<i64: 10>, scalar_prefetch = 0 : i64, scratch_operands = 0 : i64, tpu.core_type = #tpu.core_type<tc>, window_params = [{transform_indices = @transform_0, window_bounds = array<i64: 1000, 128>}, {pipeline_mode = #tpu.pipeline_mode<synchronous>, transform_indices = @transform_1, window_bounds = array<i64: 128, 128>}, {transform_indices = @transform_2, window_bounds = array<i64: 1000, 128>}]} {
    %get3A = arith.constant 0 : index
    %get3A_0 = arith.constant 0 : index
    %get3A_1 = vector.load %arg1[%get3A, %get3A_0] : memref<1000x128xf32, #tpu.memory_space<vmem>>, vector<1000x128xf32>
    %get3A_2 = arith.constant 0 : index
    %get3A_3 = arith.constant 0 : index
    %get3A_4 = vector.load %arg2[%get3A_2, %get3A_3] : memref<128x128xf32, #tpu.memory_space<vmem>>, vector<128x128xf32>
    %dot_general3A = arith.constant dense<0.000000e+00> : vector<1000x128xf32>
    %dot_general3A_5 = tpu.matmul %get3A_1, %get3A_4, %dot_general3A {dimension_numbers = #tpu.dot_dimension_numbers<[1], [0], [0], [1], [0, 0, 1, 1], [], []>, transpose_lhs_hint = false} : vector<1000x128xf32>, vector<128x128xf32>, vector<1000x128xf32> -> vector<1000x128xf32>
    %swap3A = arith.constant 0 : index
    %swap3A_6 = arith.constant 0 : index
    %swap3A_7 = vector.load %arg3[%swap3A, %swap3A_6] : memref<1000x128xf32, #tpu.memory_space<vmem>>, vector<1000x128xf32>
    tpu.vector_store %arg3[%swap3A, %swap3A_6], %dot_general3A_5 {strides = array<i32>} : memref<1000x128xf32, #tpu.memory_space<vmem>>, vector<1000x128xf32>,
    return
  }
  func.func @transform_0(%arg0: i32) -> (i32, i32) {
    %c0_i32 = arith.constant 0 : i32
    %c0_i32_0 = arith.constant 0 : i32
    return %arg0, %c0_i32 : i32, i32
  }
  func.func @transform_1(%arg0: i32) -> (i32, i32) {
    %c0_i32 = arith.constant 0 : i32
    %c0_i32_0 = arith.constant 0 : i32
    %c0_i32_1 = arith.constant 0 : i32
    return %c0_i32, %c0_i32_0 : i32, i32
  }
  func.func @transform_2(%arg0: i32) -> (i32, i32) {
    %c0_i32 = arith.constant 0 : i32
    %c0_i32_0 = arith.constant 0 : i32
    return %arg0, %c0_i32 : i32, i32
  }
}

module attributes {stable_mosaic.version = 14 : i64} {
  func.func @body(%arg0: i32, %arg1: memref<2x10000x128xf32, #tpu.memory_space<vmem>>, %arg2: memref<10000x128xf32, #tpu.memory_space<vmem>>, %arg3: memref<10000x1xf32, #tpu.memory_space<vmem>>, %arg4: memref<10064x128xf32, #tpu.memory_space<vmem>>) attributes {dimension_semantics = [#tpu.dimension_semantics<arbitrary>], iteration_bounds = array<i64: 1>, scalar_prefetch = 0 : i64, scratch_operands = 0 : i64, tpu.core_type = #tpu.core_type<tc>, window_params = [{pipeline_mode = #tpu.pipeline_mode<synchronous>, transform_indices = @transform_0, window_bounds = array<i64: 2, 10000, 128>}, {pipeline_mode = #tpu.pipeline_mode<synchronous>, transform_indices = @transform_1, window_bounds = array<i64: 10000, 128>}, {pipeline_mode = #tpu.pipeline_mode<synchronous>, transform_indices = @transform_2, window_bounds = array<i64: 10000, 1>}, {pipeline_mode = #tpu.pipeline_mode<synchronous>, transform_indices = @transform_3, window_bounds = array<i64: 10064, 128>}]} {
    %get3A = arith.constant 0 : index
    %get3A_0 = arith.constant 0 : index
    %get3A_1 = arith.constant 0 : index
    %get3A_2 = vector.load %arg1[%get3A, %get3A_0, %get3A_1] : memref<2x10000x128xf32, #tpu.memory_space<vmem>>, vector<1x10000x1xf32>
    %get3A_3 = vector.shape_cast %get3A_2 : vector<1x10000x1xf32> to vector<10000x1xf32>
    %get3A_4 = arith.constant 1 : index
    %get3A_5 = arith.constant 0 : index
    %get3A_6 = arith.constant 0 : index
    %get3A_7 = vector.load %arg1[%get3A_4, %get3A_5, %get3A_6] : memref<2x10000x128xf32, #tpu.memory_space<vmem>>, vector<1x10000x1xf32>
    %get3A_8 = vector.shape_cast %get3A_7 : vector<1x10000x1xf32> to vector<10000x1xf32>
    %add3A = arith.addf %get3A_3, %get3A_8 : vector<10000x1xf32>
    %iota3A = tpu.iota {dimensions = array<i32: 0>} : vector<10000x1xi32>
    %lt3A = arith.constant 7680 : i32
    %lt3A_9 = vector.broadcast %lt3A : i32 to vector<10000x1xi32>
    %lt3A_10 = arith.cmpi slt, %iota3A, %lt3A_9 : vector<10000x1xi32>
    %sub3A = arith.constant 1.000000e+00 : f32
    %sub3A_11 = vector.broadcast %sub3A : f32 to vector<10000x1xf32>
    %sub3A_12 = arith.subf %add3A, %sub3A_11 : vector<10000x1xf32>
    %select_n3A = arith.select %lt3A_10, %sub3A_12, %add3A : vector<10000x1xi1>, vector<10000x1xf32>
    %max3A = arith.constant 1.000000e+00 : f32
    %max3A_13 = vector.broadcast %max3A : f32 to vector<10000x1xf32>
    %max3A_14 = arith.maximumf %select_n3A, %max3A_13 : vector<10000x1xf32>
    %rsqrt3A = math.rsqrt %max3A_14 : vector<10000x1xf32>
    %swap3A = arith.constant 0 : index
    %swap3A_15 = arith.constant 0 : index
    %swap3A_16 = vector.load %arg3[%swap3A, %swap3A_15] : memref<10000x1xf32, #tpu.memory_space<vmem>>, vector<10000x1xf32>
    tpu.vector_store %arg3[%swap3A, %swap3A_15], %rsqrt3A {strides = array<i32>} : memref<10000x1xf32, #tpu.memory_space<vmem>>, vector<10000x1xf32>,
    %get3A_17 = arith.constant 0 : index
    %get3A_18 = arith.constant 0 : index
    %get3A_19 = vector.load %arg2[%get3A_17, %get3A_18] : memref<10000x128xf32, #tpu.memory_space<vmem>>, vector<10000x128xf32>
    %mul3A = vector.broadcast %rsqrt3A : vector<10000x1xf32> to vector<10000x128xf32>
    %mul3A_20 = arith.mulf %get3A_19, %mul3A : vector<10000x128xf32>
    %broadcast_in_dim3A = arith.constant 0.000000e+00 : f32
    %broadcast_in_dim3A_21 = vector.broadcast %broadcast_in_dim3A : f32 to vector<64x128xf32>
    %concatenate3A = tpu.concatenate %mul3A_20, %broadcast_in_dim3A_21 in 0 : vector<10000x128xf32>, vector<64x128xf32> -> vector<10064x128xf32>
    %swap3A_22 = arith.constant 0 : index
    %swap3A_23 = arith.constant 0 : index
    %swap3A_24 = vector.load %arg4[%swap3A_22, %swap3A_23] : memref<10064x128xf32, #tpu.memory_space<vmem>>, vector<10064x128xf32>
    tpu.vector_store %arg4[%swap3A_22, %swap3A_23], %concatenate3A {strides = array<i32>} : memref<10064x128xf32, #tpu.memory_space<vmem>>, vector<10064x128xf32>,
    return
  }
  func.func @transform_0(%arg0: i32) -> (i32, i32, i32) {
    %c0_i32 = arith.constant 0 : i32
    %c0_i32_0 = arith.constant 0 : i32
    %c0_i32_1 = arith.constant 0 : i32
    %c0_i32_2 = arith.constant 0 : i32
    return %c0_i32, %c0_i32_0, %c0_i32_1 : i32, i32, i32
  }
  func.func @transform_1(%arg0: i32) -> (i32, i32) {
    %c0_i32 = arith.constant 0 : i32
    %c0_i32_0 = arith.constant 0 : i32
    %c0_i32_1 = arith.constant 0 : i32
    return %c0_i32, %c0_i32_0 : i32, i32
  }
  func.func @transform_2(%arg0: i32) -> (i32, i32) {
    %c0_i32 = arith.constant 0 : i32
    %c0_i32_0 = arith.constant 0 : i32
    %c0_i32_1 = arith.constant 0 : i32
    return %c0_i32, %c0_i32_0 : i32, i32
  }
  func.func @transform_3(%arg0: i32) -> (i32, i32) {
    %c0_i32 = arith.constant 0 : i32
    %c0_i32_0 = arith.constant 0 : i32
    %c0_i32_1 = arith.constant 0 : i32
    return %c0_i32, %c0_i32_0 : i32, i32
  }
}

module attributes {stable_mosaic.version = 14 : i64} {
  func.func @body(%arg0: i32, %arg1: memref<2x10000x128xf32, #tpu.memory_space<vmem>>, %arg2: memref<10000x1xf32, #tpu.memory_space<vmem>>, %arg3: memref<128xf32, #tpu.memory_space<vmem>>, %arg4: memref<128x128xf32, #tpu.memory_space<vmem>>, %arg5: memref<10064x128xf32, #tpu.memory_space<vmem>>) attributes {dimension_semantics = [#tpu.dimension_semantics<arbitrary>], iteration_bounds = array<i64: 1>, scalar_prefetch = 0 : i64, scratch_operands = 0 : i64, tpu.core_type = #tpu.core_type<tc>, window_params = [{pipeline_mode = #tpu.pipeline_mode<synchronous>, transform_indices = @transform_0, window_bounds = array<i64: 2, 10000, 128>}, {pipeline_mode = #tpu.pipeline_mode<synchronous>, transform_indices = @transform_1, window_bounds = array<i64: 10000, 1>}, {pipeline_mode = #tpu.pipeline_mode<synchronous>, transform_indices = @transform_2, window_bounds = array<i64: 128>}, {pipeline_mode = #tpu.pipeline_mode<synchronous>, transform_indices = @transform_3, window_bounds = array<i64: 128, 128>}, {pipeline_mode = #tpu.pipeline_mode<synchronous>, transform_indices = @transform_4, window_bounds = array<i64: 10064, 128>}]} {
    %get3A = arith.constant 0 : index
    %get3A_0 = arith.constant 0 : index
    %get3A_1 = arith.constant 0 : index
    %get3A_2 = vector.load %arg1[%get3A, %get3A_0, %get3A_1] : memref<2x10000x128xf32, #tpu.memory_space<vmem>>, vector<1x10000x128xf32>
    %get3A_3 = vector.shape_cast %get3A_2 : vector<1x10000x128xf32> to vector<10000x128xf32>
    %get3A_4 = arith.constant 1 : index
    %get3A_5 = arith.constant 0 : index
    %get3A_6 = arith.constant 0 : index
    %get3A_7 = vector.load %arg1[%get3A_4, %get3A_5, %get3A_6] : memref<2x10000x128xf32, #tpu.memory_space<vmem>>, vector<1x10000x128xf32>
    %get3A_8 = vector.shape_cast %get3A_7 : vector<1x10000x128xf32> to vector<10000x128xf32>
    %add3A = arith.addf %get3A_3, %get3A_8 : vector<10000x128xf32>
    %get3A_9 = arith.constant 0 : index
    %get3A_10 = arith.constant 0 : index
    %get3A_11 = vector.load %arg2[%get3A_9, %get3A_10] : memref<10000x1xf32, #tpu.memory_space<vmem>>, vector<10000x1xf32>
    %mul3A = vector.broadcast %get3A_11 : vector<10000x1xf32> to vector<10000x128xf32>
    %mul3A_12 = arith.mulf %add3A, %mul3A : vector<10000x128xf32>
    %get3A_13 = arith.constant 0 : index
    %get3A_14 = vector.load %arg3[%get3A_13] : memref<128xf32, #tpu.memory_space<vmem>>, vector<128xf32>
    %broadcast_in_dim3A = vector.shape_cast %get3A_14 : vector<128xf32> to vector<1x128xf32>
    %add3A_15 = vector.broadcast %broadcast_in_dim3A : vector<1x128xf32> to vector<10000x128xf32>
    %add3A_16 = arith.addf %mul3A_12, %add3A_15 : vector<10000x128xf32>
    %max3A = arith.constant 0.000000e+00 : f32
    %max3A_17 = vector.broadcast %max3A : f32 to vector<10000x128xf32>
    %max3A_18 = arith.maximumf %add3A_16, %max3A_17 : vector<10000x128xf32>
    %get3A_19 = arith.constant 0 : index
    %get3A_20 = arith.constant 0 : index
    %get3A_21 = vector.load %arg4[%get3A_19, %get3A_20] : memref<128x128xf32, #tpu.memory_space<vmem>>, vector<128x128xf32>
    %dot_general3A = arith.constant dense<0.000000e+00> : vector<10000x128xf32>
    %dot_general3A_22 = tpu.matmul %max3A_18, %get3A_21, %dot_general3A {dimension_numbers = #tpu.dot_dimension_numbers<[1], [0], [0], [1], [0, 0, 1, 1], [], []>, transpose_lhs_hint = false} : vector<10000x128xf32>, vector<128x128xf32>, vector<10000x128xf32> -> vector<10000x128xf32>
    %get3A_23 = arith.constant 0 : index
    %get3A_24 = arith.constant 0 : index
    %get3A_25 = vector.load %arg2[%get3A_23, %get3A_24] : memref<10000x1xf32, #tpu.memory_space<vmem>>, vector<10000x1xf32>
    %mul3A_26 = vector.broadcast %get3A_25 : vector<10000x1xf32> to vector<10000x128xf32>
    %mul3A_27 = arith.mulf %dot_general3A_22, %mul3A_26 : vector<10000x128xf32>
    %broadcast_in_dim3A_28 = arith.constant 0.000000e+00 : f32
    %broadcast_in_dim3A_29 = vector.broadcast %broadcast_in_dim3A_28 : f32 to vector<64x128xf32>
    %concatenate3A = tpu.concatenate %mul3A_27, %broadcast_in_dim3A_29 in 0 : vector<10000x128xf32>, vector<64x128xf32> -> vector<10064x128xf32>
    %swap3A = arith.constant 0 : index
    %swap3A_30 = arith.constant 0 : index
    %swap3A_31 = vector.load %arg5[%swap3A, %swap3A_30] : memref<10064x128xf32, #tpu.memory_space<vmem>>, vector<10064x128xf32>
    tpu.vector_store %arg5[%swap3A, %swap3A_30], %concatenate3A {strides = array<i32>} : memref<10064x128xf32, #tpu.memory_space<vmem>>, vector<10064x128xf32>,
    return
  }
  func.func @transform_0(%arg0: i32) -> (i32, i32, i32) {
    %c0_i32 = arith.constant 0 : i32
    %c0_i32_0 = arith.constant 0 : i32
    %c0_i32_1 = arith.constant 0 : i32
    %c0_i32_2 = arith.constant 0 : i32
    return %c0_i32, %c0_i32_0, %c0_i32_1 : i32, i32, i32
  }
  func.func @transform_1(%arg0: i32) -> (i32, i32) {
    %c0_i32 = arith.constant 0 : i32
    %c0_i32_0 = arith.constant 0 : i32
    %c0_i32_1 = arith.constant 0 : i32
    return %c0_i32, %c0_i32_0 : i32, i32
  }
  func.func @transform_2(%arg0: i32) -> i32 {
    %c0_i32 = arith.constant 0 : i32
    %c0_i32_0 = arith.constant 0 : i32
    return %c0_i32 : i32
  }
  func.func @transform_3(%arg0: i32) -> (i32, i32) {
    %c0_i32 = arith.constant 0 : i32
    %c0_i32_0 = arith.constant 0 : i32
    %c0_i32_1 = arith.constant 0 : i32
    return %c0_i32, %c0_i32_0 : i32, i32
  }
  func.func @transform_4(%arg0: i32) -> (i32, i32) {
    %c0_i32 = arith.constant 0 : i32
    %c0_i32_0 = arith.constant 0 : i32
    %c0_i32_1 = arith.constant 0 : i32
    return %c0_i32, %c0_i32_0 : i32, i32
  }
}

module attributes {stable_mosaic.version = 14 : i64} {
  func.func @body(%arg0: i32, %arg1: memref<1000x128xf32, #tpu.memory_space<vmem>>, %arg2: memref<1000x128xf32, #tpu.memory_space<vmem>>, %arg3: memref<1000x1xf32, #tpu.memory_space<vmem>>, %arg4: memref<128xf32, #tpu.memory_space<vmem>>, %arg5: memref<128x40xf32, #tpu.memory_space<vmem>>, %arg6: memref<40xf32, #tpu.memory_space<vmem>>, %arg7: memref<1000x40xf32, #tpu.memory_space<vmem>>) attributes {dimension_semantics = [#tpu.dimension_semantics<arbitrary>], iteration_bounds = array<i64: 10>, scalar_prefetch = 0 : i64, scratch_operands = 0 : i64, tpu.core_type = #tpu.core_type<tc>, window_params = [{transform_indices = @transform_0, window_bounds = array<i64: 1000, 128>}, {transform_indices = @transform_1, window_bounds = array<i64: 1000, 128>}, {transform_indices = @transform_2, window_bounds = array<i64: 1000, 1>}, {pipeline_mode = #tpu.pipeline_mode<synchronous>, transform_indices = @transform_3, window_bounds = array<i64: 128>}, {pipeline_mode = #tpu.pipeline_mode<synchronous>, transform_indices = @transform_4, window_bounds = array<i64: 128, 40>}, {pipeline_mode = #tpu.pipeline_mode<synchronous>, transform_indices = @transform_5, window_bounds = array<i64: 40>}, {transform_indices = @transform_6, window_bounds = array<i64: 1000, 40>}]} {
    %get3A = arith.constant 0 : index
    %get3A_0 = arith.constant 0 : index
    %get3A_1 = vector.load %arg1[%get3A, %get3A_0] : memref<1000x128xf32, #tpu.memory_space<vmem>>, vector<1000x128xf32>
    %get3A_2 = arith.constant 0 : index
    %get3A_3 = arith.constant 0 : index
    %get3A_4 = vector.load %arg2[%get3A_2, %get3A_3] : memref<1000x128xf32, #tpu.memory_space<vmem>>, vector<1000x128xf32>
    %add3A = arith.addf %get3A_1, %get3A_4 : vector<1000x128xf32>
    %get3A_5 = arith.constant 0 : index
    %get3A_6 = arith.constant 0 : index
    %get3A_7 = vector.load %arg3[%get3A_5, %get3A_6] : memref<1000x1xf32, #tpu.memory_space<vmem>>, vector<1000x1xf32>
    %mul3A = vector.broadcast %get3A_7 : vector<1000x1xf32> to vector<1000x128xf32>
    %mul3A_8 = arith.mulf %add3A, %mul3A : vector<1000x128xf32>
    %get3A_9 = arith.constant 0 : index
    %get3A_10 = vector.load %arg4[%get3A_9] : memref<128xf32, #tpu.memory_space<vmem>>, vector<128xf32>
    %broadcast_in_dim3A = vector.shape_cast %get3A_10 : vector<128xf32> to vector<1x128xf32>
    %add3A_11 = vector.broadcast %broadcast_in_dim3A : vector<1x128xf32> to vector<1000x128xf32>
    %add3A_12 = arith.addf %mul3A_8, %add3A_11 : vector<1000x128xf32>
    %max3A = arith.constant 0.000000e+00 : f32
    %max3A_13 = vector.broadcast %max3A : f32 to vector<1000x128xf32>
    %max3A_14 = arith.maximumf %add3A_12, %max3A_13 : vector<1000x128xf32>
    %get3A_15 = arith.constant 0 : index
    %get3A_16 = arith.constant 0 : index
    %get3A_17 = vector.load %arg5[%get3A_15, %get3A_16] : memref<128x40xf32, #tpu.memory_space<vmem>>, vector<128x40xf32>
    %dot_general3A = arith.constant dense<0.000000e+00> : vector<1000x40xf32>
    %dot_general3A_18 = tpu.matmul %max3A_14, %get3A_17, %dot_general3A {dimension_numbers = #tpu.dot_dimension_numbers<[1], [0], [0], [1], [0, 0, 1, 1], [], []>, transpose_lhs_hint = false} : vector<1000x128xf32>, vector<128x40xf32>, vector<1000x40xf32> -> vector<1000x40xf32>
    %get3A_19 = arith.constant 0 : index
    %get3A_20 = vector.load %arg6[%get3A_19] : memref<40xf32, #tpu.memory_space<vmem>>, vector<40xf32>
    %broadcast_in_dim3A_21 = vector.shape_cast %get3A_20 : vector<40xf32> to vector<1x40xf32>
    %add3A_22 = vector.broadcast %broadcast_in_dim3A_21 : vector<1x40xf32> to vector<1000x40xf32>
    %add3A_23 = arith.addf %dot_general3A_18, %add3A_22 : vector<1000x40xf32>
    %swap3A = arith.constant 0 : index
    %swap3A_24 = arith.constant 0 : index
    %swap3A_25 = vector.load %arg7[%swap3A, %swap3A_24] : memref<1000x40xf32, #tpu.memory_space<vmem>>, vector<1000x40xf32>
    tpu.vector_store %arg7[%swap3A, %swap3A_24], %add3A_23 {strides = array<i32>} : memref<1000x40xf32, #tpu.memory_space<vmem>>, vector<1000x40xf32>,
    return
  }
  func.func @transform_0(%arg0: i32) -> (i32, i32) {
    %c0_i32 = arith.constant 0 : i32
    %c0_i32_0 = arith.constant 0 : i32
    return %arg0, %c0_i32 : i32, i32
  }
  func.func @transform_1(%arg0: i32) -> (i32, i32) {
    %add3A = arith.constant 10 : i32
    %add3A_0 = arith.addi %arg0, %add3A : i32
    %c0_i32 = arith.constant 0 : i32
    %c0_i32_1 = arith.constant 0 : i32
    return %add3A_0, %c0_i32 : i32, i32
  }
  func.func @transform_2(%arg0: i32) -> (i32, i32) {
    %c0_i32 = arith.constant 0 : i32
    %c0_i32_0 = arith.constant 0 : i32
    return %arg0, %c0_i32 : i32, i32
  }
  func.func @transform_3(%arg0: i32) -> i32 {
    %c0_i32 = arith.constant 0 : i32
    %c0_i32_0 = arith.constant 0 : i32
    return %c0_i32 : i32
  }
  func.func @transform_4(%arg0: i32) -> (i32, i32) {
    %c0_i32 = arith.constant 0 : i32
    %c0_i32_0 = arith.constant 0 : i32
    %c0_i32_1 = arith.constant 0 : i32
    return %c0_i32, %c0_i32_0 : i32, i32
  }
  func.func @transform_5(%arg0: i32) -> i32 {
    %c0_i32 = arith.constant 0 : i32
    %c0_i32_0 = arith.constant 0 : i32
    return %c0_i32 : i32
  }
  func.func @transform_6(%arg0: i32) -> (i32, i32) {
    %c0_i32 = arith.constant 0 : i32
    %c0_i32_0 = arith.constant 0 : i32
    return %arg0, %c0_i32 : i32, i32
  }
}

</mosaic_0001>

<sc_bundles>
// kernel: kernel.12.cloned.1.call-start
scs
__scs_entry_jumppad:
0x0: {  	(pc) =	sbr.rel $0x88, $3  }
0x1: {  	(tag) =	ssettag $0x0;
	lr =	simm.s32 $0x1  }
0x2: {  	[smem:$0x3F99] =	sst lr;
	_ =	strace $0xD0000000  }
0x3: {  	_ = 	snop  }
0x4: {  	_ = 	snop  }
0x5: {  	_ = 	snop  }
0x6: {  	_ = 	snop  }
0x7: {  	_ = 	snop  }
__scs_overlays_trampoline_lowered:
0x8: {  	[smem:$0x3FA8] =	sst s0  }
0x9: {  	[smem:$0x3FA9] =	sst s1  }
0xa: {  	[smem:$0x3FAA] =	sst s2  }
0xb: {  	[smem:$0x3FAB] =	sst s3  }
0xc: {  	[smem:$0x3FAC] =	sst s4  }
0xd: {  	[smem:$0x3FAD] =	sst s5  }
0xe: {  	[smem:$0x3FAE] =	sst s6  }
0xf: {  	[smem:$0x3FAF] =	sst s7  }
0x10: {  	[smem:$0x3FB0] =	sst s8  }
0x11: {  	[smem:$0x3FB1] =	sst s9;
	s0 =	simm.s32 @!p0 $0x0  }
0x12: {  	s1 =	sld [smem:$0x3F97];
	s0 =	simm.s32 @p0 $0x1  }
0x13: {  	[smem:$0x3FB2] =	sst s0;
	s0 =	simm.s32 @!p1 $0x0  }
0x14: {  	s2 =	sld [smem:$0x3F96];
	s0 =	simm.s32 @p1 $0x1  }
0x15: {  	[smem:$0x3FB3] =	sst s0;
	s0 =	simm.s32 @!p2 $0x0  }
0x16: {  	s3 =	sld [smem:$0x3FDB];
	s0 =	simm.s32 @p2 $0x1  }
0x17: {  	s4 =	simm.s32 $0x1BF5;
	[smem:$0x3FB5] =	sst s0  }
0x18: {  	s0 =	sld [smem:$0x3F98];
	_ =	swait.ge [sflag:s4], $0x0  }
0x19: {  	s7 =	sld [smem:$0x3F99]  }
0x1a: {  	s8 =	sadd.s32 $0xFFFFE003, lr  }
0x1b: {  	s9 =	sadd.s32 $0xFFFFFEF7, lr;
	s5 =	simm.s32 $0xFFFFFFFF;
	p2 =	slt.u32 s8, $0xFFFFF086  }
0x1c: {  	p1 =	slt.u32 s9, $0xF7A;
	s5 =	simm.s32 @!p2 $0x0  }
0x1d: {  	s5 =	simm.s32 @p1 $0x1;
	p0 =	seq.s32 s7, s2  }
0x1e: {  	s7 =	smul.u32 @!p0 $0xF7A, s2;
	p2 =	seq.s32 @!p0 s5, $0x0  }
0x1f: {  	s9 =	smul.u32 $0xF7A, s1;
	s8 =	simm.s32 @!p0 $0x1BF5;
	p2 =	por !p2, p0  }
0x20: {  	[sflag:s8] =	ssyncset.s32 @!p0 $0xFFFFF086;
	s6 =	sadd.s32 @!p0 s3, s7;
	s7 =	simm.s32 @!p0 $0x108  }
0x21: {  	s3 =	sadd.s32 s3, s9;
	s6 =	sadd.s32 @!p0 $0x88, s6;
	s7 =	simm.s32 @p2 $0x1082  }
0x22: {  	[simem:s7], [sflag:s8] =	dma.local @!p0 [hbm:s6], $0xF7A  }
0x23: {  	s9 =	sor.u32 $0xD0000000, s2;
	s6 =	simm.s32 $0x108;
	_ =	swait.ge @!p0 [sflag:s8], $0x0  }
0x24: {  	s3 =	sadd.s32 $0x88, s3;
	s6 =	simm.s32 @!p1 $0x1082;
	[sflag:s4] =	ssyncset.s32 $0xFFFFF086  }
0x25: {  	[simem:s6], [sflag:s4] =	dma.local [hbm:s3], $0xF7A  }
0x26: {  	[smem:$0x3F99] =	sst s1;
	(tag) =	ssettag s2;
	_ =	strace s9  }
0x27: {  	s1 =	sld [smem:$0x3FA9]  }
0x28: {  	s2 =	sld [smem:$0x3FAA]  }
0x29: {  	s4 =	sld [smem:$0x3FAC]  }
0x2a: {  	p0 =	seq.s32 s5, $0x0;
	s5 =	sld [smem:$0x3FAD]  }
0x2b: {  	s6 =	sld [smem:$0x3FAE]  }
0x2c: {  	s7 =	sld [smem:$0x3FAF]  }
0x2d: {  	s3 =	simm.s32 $0x108;
	s8 =	sld [smem:$0x3FB0]  }
0x2e: {  	s3 =	simm.s32 @!p0 $0x1082;
	s9 =	sld [smem:$0x3FB1]  }
0x2f: {  	lr =	sadd.s32 s0, s3;
	s0 =	sld [smem:$0x3FA8]  }
0x30: {  	s3 =	sld [smem:$0x3FAB]  }
0x31: {  	[smem:$0x3FB4] =	sst s10  }
0x32: {  	s10 =	sld [smem:$0x3FB2];
	_ =	sdelay $0x3  }
0x33: {  	p0 =	seq.s32 s10, $0x1;
	s10 =	sld [smem:$0x3FB4];
	_ =	sdelay $0x3  }
0x34: {  	[smem:$0x3FB4] =	sst s10  }
0x35: {  	s10 =	sld [smem:$0x3FB3];
	_ =	sdelay $0x3  }
0x36: {  	p1 =	seq.s32 s10, $0x1;
	s10 =	sld [smem:$0x3FB4];
	_ =	sdelay $0x3  }
0x37: {  	[smem:$0x3FB4] =	sst s10  }
0x38: {  	s10 =	sld [smem:$0x3FB5]  }
0x39: {  	_ = 	snop;
	(pc) =	sbr.ind lr, $3  }
0x3a: {  	_ = 	snop  }
0x3b: {  	_ = 	snop  }
0x3c: {  	p2 =	seq.s32 s10, $0x1;
	s10 =	sld [smem:$0x3FB4]  }
0x3d: {  	_ =	shalt  }
0x3e: {  	_ =	shalt  }
0x3f: {  	_ =	shalt  }
0x40: {  	_ =	shalt  }
0x41: {  	_ =	shalt  }
0x42: {  	_ =	shalt  }
0x43: {  	_ =	shalt  }
0x44: {  	_ =	shalt  }
0x45: {  	_ =	shalt  }
0x46: {  	_ =	shalt  }
0x47: {  	_ =	shalt  }
0x48: {  	_ =	shalt  }
0x49: {  	_ =	shalt  }
0x4a: {  	_ =	shalt  }
0x4b: {  	_ =	shalt  }
0x4c: {  	_ =	shalt  }
0x4d: {  	_ =	shalt  }
0x4e: {  	_ =	shalt  }
0x4f: {  	_ =	shalt  }
0x50: {  	_ =	shalt  }
0x51: {  	_ =	shalt  }
0x52: {  	_ =	shalt  }
0x53: {  	_ =	shalt  }
0x54: {  	_ =	shalt  }
0x55: {  	_ =	shalt  }
0x56: {  	_ =	shalt  }
0x57: {  	_ =	shalt  }
0x58: {  	_ =	shalt  }
0x59: {  	_ =	shalt  }
0x5a: {  	_ =	shalt  }
0x5b: {  	_ =	shalt  }
0x5c: {  	_ =	shalt  }
0x5d: {  	_ =	shalt  }
0x5e: {  	_ =	shalt  }
0x5f: {  	_ =	shalt  }
0x60: {  	_ =	shalt  }
0x61: {  	_ =	shalt  }
0x62: {  	_ =	shalt  }
0x63: {  	_ =	shalt  }
0x64: {  	_ =	shalt  }
0x65: {  	_ =	shalt  }
0x66: {  	_ =	shalt  }
0x67: {  	_ =	shalt  }
0x68: {  	_ =	shalt  }
0x69: {  	_ =	shalt  }
0x6a: {  	_ =	shalt  }
0x6b: {  	_ =	shalt  }
0x6c: {  	_ =	shalt  }
0x6d: {  	_ =	shalt  }
0x6e: {  	_ =	shalt  }
0x6f: {  	_ =	shalt  }
0x70: {  	_ =	shalt  }
0x71: {  	_ =	shalt  }
0x72: {  	_ =	shalt  }
0x73: {  	_ =	shalt  }
0x74: {  	_ =	shalt  }
0x75: {  	_ =	shalt  }
0x76: {  	_ =	shalt  }
0x77: {  	_ =	shalt  }
0x78: {  	_ =	shalt  }
0x79: {  	_ =	shalt  }
0x7a: {  	_ =	shalt  }
0x7b: {  	_ =	shalt  }
0x7c: {  	_ =	shalt  }
0x7d: {  	_ =	shalt  }
0x7e: {  	_ =	shalt  }
0x7f: {  	_ =	shalt  }
0x80: {  	_ =	shalt  }
0x81: {  	_ =	shalt  }
0x82: {  	_ =	shalt  }
0x83: {  	_ =	shalt  }
0x84: {  	_ =	shalt  }
0x85: {  	_ =	shalt  }
0x86: {  	_ =	shalt  }
0x87: {  	_ =	shalt  }
.Lfunc_end0:
.L_simem_size_0:
called_computation.1_lowered:
.L_overlay_start_0:
0x88: {  	s2 =	sld [smem:$0x3FD9]  }
0x89: {  	s3 =	sld [smem:$0x3FFE];
	_ =	sdelay $0x1  }
0x8a: {  	s1 =	srdreg.scid  }
0x8b: {  	s0 =	sand.u32 $0x1, s1  }
0x8c: {  	s17 =	sshll.u32 s0, $0xA;
	s2 =	sadd.s32 s3, s2  }
0x8d: {  	s2 =	sadd.s32 s2, s17  }
0x8e: {  	[smem:$0x3FC0] =	sst s2  }
0x8f: {  	_ = 	snop  }
0x90: {  	s2 =	sld [smem:$0x3FD0];
	(tm) =	ssettm $0x1  }
0x91: {  	s18 =	sld [smem:$0x3FFB];
	_ =	sdelay $0x3  }
0x92: {  	_ =	strace s18  }
0x93: {  	s3 =	sld [smem:$0x3FFC];
	_ =	sdelay $0x3  }
0x94: {  	_ =	strace s3  }
0x95: {  	s3 =	sld [smem:$0x3FFD];
	_ =	sdelay $0x3  }
0x96: {  	_ =	strace s3  }
0x97: {  	_ =	strace $0x8FFFFFFF  }
0x98: {  	s19 =	sld [smem:$0x3FDB];
	_ =	sdelay $0x1  }
0x99: {  	s4 =	simm.s32 $_scs_section_size  }
0x9a: {  	s5 =	simm.s32 $_size__tile_overlayer_lowered;
	s6 =	simm.s32 $_tile_overlayer_lowered  }
0x9b: {  	s22 =	simm.s32 $0x1BFF;
	s21 =	sshll.u32 s6, $0x1;
	s3 =	sadd.s32 s4, s19  }
0x9c: {  	s7 =	simm.s32 $0x0;
	s20 =	sshll.u32 s5, $0x1;
	s5 =	sadd.s32 s21, s3  }
0x9d: {  	[timem:s7], [sflag:s22] =	dma.local [hbm:s5], s20  }
0x9e: {  	_ =	swait.ge [sflag:s22], s20  }
0x9f: {  	s4 =	ssub.s32 $0x0, s20;
	[sflag:s22] =	ssyncset.done $0x0  }
0xa0: {  	[sflag:s22] =	ssyncadd.s32 s4;
	_ =	sdelay $0x1  }
0xa1: {  	s23 =	simm.s32 $0x1B8B  }
0xa2: {  	_ =	swait.ge [sflag:s23], $0x1  }
0xa3: {  	[sflag:s23] =	ssyncset.done $0x0  }
0xa4: {  	s25 =	simm.s32 $0x1B8E;
	s24 =	sld [smem:$0x3FFE];
	[sflag:s23] =	ssyncadd.s32 $0xFFFFFFFF  }
0xa5: {  	s26 =	simm.s32 $execute0_lowered;
	[smem:$0x3FD2] =	sst s25  }
0xa6: {  	s5 =	sshll.u32 s26, $0x1;
	_ =	strace $0x80000049;
	[dreg:$0x1] =	wrdreg $0xFFFFFFFF  }
0xa7: {  	s28 =	simm.s32 $_size_execute0_lowered;
	s3 =	sadd.s32 s3, s5;
	[dreg:$0x0] =	wrdreg $0x0  }
0xa8: {  	s5 =	sshll.u32 s28, $0x1;
	[dreg:$0x2] =	wrdreg s3  }
0xa9: {  	[dreg:$0x3] =	wrdreg s5  }
0xaa: {  	[dreg:$0x4] =	wrdreg $0xC0  }
0xab: {  	_ =	task [dreg:s7], $0x5FFFF  }
0xac: {  	[dreg:$0x1] =	wrdreg $0xFFFFFFFF  }
0xad: {  	[dreg:$0x0] =	wrdreg $0x60  }
0xae: {  	[dreg:$0x2] =	wrdreg s24  }
0xaf: {  	[dreg:$0x3] =	wrdreg s2  }
0xb0: {  	[dreg:$0x4] =	wrdreg $0xC3000  }
0xb1: {  	[dreg:$0x5] =	wrdreg $0x9  }
0xb2: {  	_ =	task.clear_ibuf [dreg:s7], $0x6FFFF;
	_ =	strace $0x90000049  }
0xb3: {  	s29 =	simm.s32 $0x9;
	_ =	strace $0x8000004B  }
0xb4: {  	_ =	swait.ge [sflag:s29], $0x1  }
0xb5: {  	[sflag:s29] =	ssyncadd.s32 $0xFFFFFFFF  }
0xb6: {  	_ =	strace $0x9000004B  }
0xb7: {  	_ =	sfence  }
0xb8: {  	s30 =	sld [smem:$0x0];
	_ =	sdelay $0x2  }
0xb9: {  	s31 =	sshll.u32 s1, $0xD;
	s1 =	sshrl.u32 s1, $0x2  }
0xba: {  	s3 =	sand.u32 $0x4000, s31;
	s1 =	sadd.s32 s1, s30  }
0xbb: {  	s0 =	sor.u32 s3, s0;
	s1 =	sshll.u32 s1, $0x11  }
0xbc: {  	s0 =	sor.u32 s1, s0  }
0xbd: {  	s0 =	sadd.s32 $0x8F2B, s0  }
0xbe: {  	[sflag:s0] =	ssyncadd.remote.s32 $0x1  }
0xbf: {  	_ =	sfence.sel $0xFFFF  }
0xc0: {  	[dreg:$0x0] =	wrdreg $0xFFFFFFFF;
	(pc) =	sbr.abs _section_cstart, $3  }
0xc1: {  	[dreg:$0x1] =	wrdreg $0xFFFFFFFF  }
0xc2: {  	_ =	task.clear_ibuf [dreg:s7], $0x2FFFF;
	_ =	strace $0x9FFFFFFF  }
0xc3: {  	(tm) =	ssettm $0x7FFFFFFF  }
tec
execute0_lowered:
.L_overlay_start_1:
0x0: {  	(tag) =	ssettag $0x1  }
0x1: {  	s0 =	rddreg [dreg:$0x0]  }
0x2: {  	s1 =	rddreg [dreg:$0x1]  }
0x3: {  	s2 =	rddreg [dreg:$0x2];
	s3 =	simm.s32 $0x0  }
0x4: {  	s5 =	srdreg.scid;
	s14 =	stileid.u32;
	s30 =	simm.s32 $0x80  }
0x5: {  	s31 =	simm.s32 $0x200;
	[smem:$0x7FF] =	sst s3;
	s8 =	smul.u32 $0x4E000, s14  }
0x6: {  	s4 =	sadd.s32 $0x16800, s0;
	s6 =	sadd.s32 $0x2E00, s0;
	s11 =	smul.u32 $0x2700, s14  }
0x7: {  	s5 =	sand.u32 $0x1, s5;
	s9 =	sadd.s32 $0x3DE00, s0;
	s26 =	smul.u32 $0x500, s14  }
0x8: {  	p1 =	sne.s32 s14, $0x0;
	_ =	strace $0x8000004A;
	s23 =	smul.u32 $0x27100, s5  }
0x9: {  	s10 =	ssub.s32 $0x2, s5;
	s7 =	sshll.u32 s5, $0x4;
	s24 =	smul.u32 $0x138800, s5  }
0xa: {  	s5 =	smul.u32 $0x5000, s5;
	s7 =	sor.u32 s14, s7;
	s8 =	sshrl.u32 s8, $0x2  }
0xb: {  	s12 =	sshrl.u32 s10, $0x1;
	s14 =	simm.s32 $0xB;
	s16 =	smul.u32 $0x500, s7  }
0xc: {  	s20 =	sadd.s32 s8, s2;
	s10 =	ssub.s32 s10, s12;
	s18 =	smul.u32 $0x2800, s7  }
0xd: {  	s11 =	sadd.s32 s11, s23;
	s25 =	sshrl.u32 s24, $0x3;
	p0 =	seq.s32 s7, $0x1F  }
0xe: {  	s23 =	sadd.s32 $0xCA80, s0;
	s12 =	simm.s32 $0xD;
	s24 =	simm.s32 $0x6  }
0xf: {  	s17 =	sadd.s32 $0x4000, s20;
	s13 =	sadd.s32 $0x8000, s20;
	[dreg:$0x4] =	wrdreg s20  }
0x10: {  	s19 =	sadd.s32 $0xC000, s20;
	s21 =	sadd.s32 $0x10000, s20;
	[dreg:$0x5] =	wrdreg s17  }
0x11: {  	s11 =	sadd.s32 s9, s11;
	s9 =	sadd.s32 s9, s25;
	[dreg:$0x6] =	wrdreg s13  }
0x12: {  	s29 =	smax.u32 s10, $0x1;
	s10 =	simm.s32 $0x4300;
	[dreg:$0x7] =	wrdreg s19  }
0x13: {  	s25 =	simm.s32 $0x3;
	[dreg:$0x8] =	wrdreg s21;
	s15 =	sadd.s32 s6, s16  }
0x14: {  	s22 =	sshrl.u32 s18, $0x3;
	[dreg:$0xe] =	wrdreg s11;
	s11 =	sadd.s32 $0x10, s1  }
0x15: {  	s19 =	sadd.s32 s26, s5;
	s5 =	sadd.s32 $0x510, s1;
	s28 =	sadd.s32 $0x27000, s9  }
0x16: {  	[dreg:$0x12] =	wrdreg s29;
	s21 =	simm.s32 $0x280;
	s9 =	simm.s32 $0x8  }
0x17: {  	s26 =	simm.s32 $0x8300;
	s13 =	simm.s32 $0x2;
	s8 =	sadd.s32 s6, s22  }
0x18: {  	s16 =	sadd.s32 $0x10, s15;
	[dreg:$0x9] =	wrdreg s15;
	s15 =	sadd.s32 $0x20, s15  }
0x19: {  	s22 =	sadd.s32 $0x500, s1;
	[dreg:$0x11] =	wrdreg s28;
	s17 =	sadd.s32 $0x9C90, s8  }
0x1a: {  	s18 =	sadd.s32 $0x9CA0, s8;
	s16 =	smov.u32 @p0 s11;
	s11 =	sadd.s32 $0x20, s1  }
0x1b: {  	s8 =	sadd.s32 $0x9C80, s8;
	[dreg:$0xa] =	wrdreg s16;
	s17 =	smov.u32 @p0 s5  }
.Ltmp0:
0x1c: {  	s15 =	smov.u32 @p0 s11;
	[dreg:$0xb] =	wrdreg s17;
	(pc) =	sbr.rel .LBB2_1-.Ltmp0, $4  }
0x1d: {  	s5 =	sadd.s32 $0x520, s1;
	s8 =	smov.u32 @p0 s22;
	[dreg:$0xc] =	wrdreg s15  }
0x1e: {  	s11 =	sadd.s32 $0x138000, s2;
	s16 =	simm.s32 $0x5;
	[dreg:$0x10] =	wrdreg s8  }
0x1f: {  	s18 =	smov.u32 @p0 s5;
	s17 =	simm.s32 $0xC;
	[dreg:$0xf] =	wrdreg s11  }
0x20: {  	v0 =	vimm.f32 $0.0e+00;
	s8 =	simm.s32 $0x0;
	[dreg:$0xd] =	wrdreg s18;
	s18 =	simm.s32 $0x1  }
.LBB2_11:
0x21: {  	_ =	swait.ge [sflag:s14], $0x80  }
0x22: {  	[sflag:s14] =	ssyncset.done $0x0  }
0x23: {  	s21 =	simm.s32 $0x280;
	s26 =	simm.s32 $0x8300;
	[sflag:s14] =	ssyncadd.s32 $0xFFFFFF80  }
0x24: {  	[spmem:s2] =	stream.indirect.scatter.add.f32 [tilespmem:s10], [sflag:$0x5], $0x80, s31, s30, $0xb8;
	[tilespmem:$0x1FB80] =	vst v63  }
.LBB2_9:
0x25: {  	s0 =	simm.s32 $0x4  }
0x26: {  	_ =	swait.ge [sflag:s0], $0x4000  }
0x27: {  	[sflag:s0] =	ssyncset.done $0x0  }
0x28: {  	[sflag:s0] =	ssyncadd.s32 $0xFFFFC000  }
0x29: {  	_ =	swait.ge [sflag:s16], $0x4000  }
0x2a: {  	[sflag:s16] =	ssyncset.done $0x0  }
0x2b: {  	[sflag:s16] =	ssyncadd.s32 $0xFFFFC000  }
0x2c: {  	_ =	swait.ge [sflag:s24], $0x4000  }
0x2d: {  	[sflag:s24] =	ssyncset.done $0x0  }
0x2e: {  	[sflag:s24] =	ssyncadd.s32 $0xFFFFC000  }
0x2f: {  	s20 =	stileid.u32;
	[bflag:$0x0] =	sbarrier.arrive $0xFFFF  }
0x30: {  	s12 =	simm.s32 $0xD;
	s0 =	sshll.u32 s20, $0x6;
	s20 =	rddreg [dreg:$0x4]  }
0x31: {  	s0 =	sor.u32 $0x1C0D, s0;
	s8 =	rddreg [dreg:$0xe];
	s5 =	sshrl.u32 s20, $0x3  }
0x32: {  	[hbm:s8], [sflag:s0] =	dma.local [spmem:s5], $0x2700  }
0x33: {  	_ =	swait.ge [sflag:s12], $0x2700  }
0x34: {  	[sflag:s12] =	ssyncset.done $0x0;
	s11 =	rddreg [dreg:$0xf]  }
0x35: {  	s8 =	rddreg [dreg:$0x11];
	[sflag:s12] =	ssyncadd.s32 $0xFFFFD900;
	s5 =	sshrl.u32 @!p1 s11, $0x3  }
0x36: {  	[hbm:s8], [sflag:s0] =	dma.local @!p1 [spmem:s5], $0x100  }
0x37: {  	s0 =	simm.s32 @!p1 $0xD  }
0x38: {  	_ =	swait.ge @!p1 [sflag:s0], $0x100  }
0x39: {  	s28 =	rddreg [dreg:$0x13]  }
0x3a: {  	s29 =	rddreg [dreg:$0x12];
	s8 =	sadd.s32 $0x1, s28  }
0x3b: {  	p2 =	sne.s32 s8, s29  }
.Ltmp1:
0x3c: {  	_ = 	snop;
	(pc) =	sbr.rel @!p2 .LBB2_10-.Ltmp1, $3  }
0x3d: {  	_ =	sdelay $0x1  }
0x3e: {  	[sflag:s0] =	ssyncset.done @!p1 $0x0  }
0x3f: {  	[sflag:s0] =	ssyncadd.s32 @!p1 $0xFFFFFF00  }
.LBB2_1:
0x40: {  	[dreg:$0x13] =	wrdreg s8;
	s8 =	simm.s32 $0x0;
	s15 =	simm.s32 $0x200  }
.LBB2_2:
0x41: {  	p2 =	sne.s32 s15, $0xFE00;
	[tilespmem:s8+$0x370] =	vst v0  }
0x42: {  	[tilespmem:s8+$0x300] =	vst v0  }
0x43: {  	[tilespmem:s8+$0x310] =	vst v0  }
.Ltmp2:
0x44: {  	[tilespmem:s8+$0x320] =	vst v0;
	(pc) =	sbr.rel @p2 .LBB2_2-.Ltmp2, $4  }
0x45: {  	[tilespmem:s8+$0x330] =	vst v0  }
0x46: {  	[tilespmem:s8+$0x340] =	vst v0  }
0x47: {  	[tilespmem:s8+$0x350] =	vst v0  }
0x48: {  	[tilespmem:s8+$0x360] =	vst v0;
	s8 =	sshra.s32 s15, $0x2;
	s15 =	sadd.s32 $0x200, s15  }
0x49: {  	[tilespmem:s8+$0x370] =	vst v0  }
0x4a: {  	[tilespmem:s8+$0x300] =	vst v0  }
0x4b: {  	[tilespmem:s8+$0x310] =	vst v0  }
0x4c: {  	[tilespmem:s8+$0x320] =	vst v0  }
0x4d: {  	[tilespmem:s8+$0x330] =	vst v0  }
0x4e: {  	[tilespmem:s8+$0x340] =	vst v0  }
0x4f: {  	[tilespmem:s8+$0x350] =	vst v0  }
0x50: {  	[tilespmem:s8+$0x360] =	vst v0;
	s5 =	simm.s32 $0x300  }
0x51: {  	[spmem:s20] =	stream.linear.scatter [tilespmem:s5], [sflag:$0xD], $0x4000, $0x38;
	[tilespmem:$0x1FB80] =	vst v63  }
0x52: {  	_ =	swait.ge [sflag:s12], $0x4000  }
0x53: {  	[sflag:s12] =	ssyncset.done $0x0  }
0x54: {  	s0 =	rddreg [dreg:$0x5];
	[sflag:s12] =	ssyncadd.s32 $0xFFFFC000  }
0x55: {  	[spmem:s0] =	stream.linear.scatter [tilespmem:s5], [sflag:$0xD], $0x4000, $0x38;
	[tilespmem:$0x1FB80] =	vst v63  }
0x56: {  	_ =	swait.ge [sflag:s12], $0x4000  }
0x57: {  	[sflag:s12] =	ssyncset.done $0x0  }
0x58: {  	s28 =	rddreg [dreg:$0x6];
	[sflag:s12] =	ssyncadd.s32 $0xFFFFC000  }
0x59: {  	[spmem:s28] =	stream.linear.scatter [tilespmem:s5], [sflag:$0xD], $0x4000, $0x38;
	[tilespmem:$0x1FB80] =	vst v63  }
0x5a: {  	_ =	swait.ge [sflag:s12], $0x4000  }
0x5b: {  	[sflag:s12] =	ssyncset.done $0x0  }
0x5c: {  	s8 =	rddreg [dreg:$0x7];
	[sflag:s12] =	ssyncadd.s32 $0xFFFFC000  }
0x5d: {  	[spmem:s8] =	stream.linear.scatter [tilespmem:s5], [sflag:$0xD], $0x4000, $0x38;
	[tilespmem:$0x1FB80] =	vst v63  }
0x5e: {  	_ =	swait.ge [sflag:s12], $0x4000  }
0x5f: {  	[sflag:s12] =	ssyncset.done $0x0  }
0x60: {  	s15 =	rddreg [dreg:$0x8];
	[sflag:s12] =	ssyncadd.s32 $0xFFFFC000  }
0x61: {  	[spmem:s15] =	stream.linear.scatter [tilespmem:s5], [sflag:$0xD], $0x3800, $0x38;
	[tilespmem:$0x1FB80] =	vst v63  }
0x62: {  	_ =	swait.ge [sflag:s12], $0x3800  }
0x63: {  	[sflag:s12] =	ssyncset.done $0x0  }
0x64: {  	s8 =	simm.s32 @!p1 $0x300;
	[sflag:s12] =	ssyncadd.s32 $0xFFFFC800  }
0x65: {  	[spmem:s11] =	stream.linear.scatter @!p1 [tilespmem:s8], [sflag:$0xD], $0x800, $0x38;
	[tilespmem:$0x1FB80] =	vst v63  }
0x66: {  	s8 =	simm.s32 @!p1 $0xD  }
0x67: {  	_ =	swait.ge @!p1 [sflag:s8], $0x800  }
0x68: {  	[sflag:s8] =	ssyncset.done @!p1 $0x0;
	s15 =	rddreg [dreg:$0x9]  }
0x69: {  	s29 =	simm.s32 $0x0;
	[sflag:s8] =	ssyncadd.s32 @!p1 $0xFFFFF800;
	s15 =	smov.u32 @p0 s1  }
0x6a: {  	[tilespmem:s29], [sflag:$0x7] =	stream.linear.gather [hbm4b:s15+s29], $0x80, $0x38;
	[tilespmem:$0x1FB80] =	vst v63  }
0x6b: {  	s28 =	simm.s32 $0x180;
	s20 =	rddreg [dreg:$0x10]  }
0x6c: {  	[tilespmem:s28], [sflag:$0xA] =	stream.linear.gather [hbm4b:s20+s29], $0x80, $0x38;
	[tilespmem:$0x1FB80] =	vst v63  }
0x6d: {  	s8 =	rddreg [dreg:$0xa]  }
0x6e: {  	[tilespmem:s30], [sflag:$0x8] =	stream.linear.gather [hbm4b:s8+s29], $0x80, $0x38;
	[tilespmem:$0x1FB80] =	vst v63  }
0x6f: {  	s11 =	rddreg [dreg:$0xb]  }
0x70: {  	[tilespmem:s31], [sflag:$0xB] =	stream.linear.gather [hbm4b:s11+s29], $0x80, $0x38;
	[tilespmem:$0x1FB80] =	vst v63  }
0x71: {  	s12 =	rddreg [dreg:$0xc];
	s15 =	simm.s32 $0x100  }
0x72: {  	[tilespmem:s15], [sflag:$0x9] =	stream.linear.gather [hbm4b:s12+s29], $0x80, $0x38;
	[tilespmem:$0x1FB80] =	vst v63  }
0x73: {  	s20 =	rddreg [dreg:$0xd]  }
0x74: {  	[tilespmem:s21], [sflag:$0xC] =	stream.linear.gather [hbm4b:s20+s29], $0x80, $0x38;
	[tilespmem:$0x1FB80] =	vst v63  }
0x75: {  	s21 =	simm.s32 $0x7  }
0x76: {  	_ =	swait.ge [sflag:s21], $0x80  }
0x77: {  	[sflag:s21] =	ssyncset.done $0x0  }
0x78: {  	[sflag:s21] =	ssyncadd.s32 $0xFFFFFF80  }
0x79: {  	[tilespmem:s5], [sflag:$0x1] =	stream.indirect.gather [hbm4b:s4+s30], $0x80, s29, s30, $0xb8;
	[tilespmem:$0x1FB80] =	vst v63  }
0x7a: {  	_ =	swait.ge [sflag:s9], $0x80  }
0x7b: {  	[sflag:s9] =	ssyncset.done $0x0  }
0x7c: {  	s28 =	simm.s32 $0x9;
	[sflag:s9] =	ssyncadd.s32 $0xFFFFFF80  }
0x7d: {  	[tilespmem:s10], [sflag:$0x2] =	stream.indirect.gather [hbm4b:s4+s30], $0x80, s30, s30, $0xb8;
	[tilespmem:$0x1FB80] =	vst v63  }
0x7e: {  	_ =	swait.ge [sflag:s28], $0x80  }
.Ltmp3:
0x7f: {  	[sflag:s28] =	ssyncset.done $0x0;
	(pc) =	sbr.rel .LBB2_4-.Ltmp3, $4  }
0x80: {  	[sflag:s28] =	ssyncadd.s32 $0xFFFFFF80  }
0x81: {  	[tilespmem:s26], [sflag:$0x3] =	stream.indirect.gather [hbm4b:s4+s30], $0x80, s15, s30, $0xb8;
	[tilespmem:$0x1FB80] =	vst v63  }
0x82: {  	[bflag:$0x0] =	sbarrier.arrive $0xFFFF  }
0x83: {  	s15 =	simm.s32 $0x0  }
.LBB2_7:
0x84: {  	_ =	swait.ge [sflag:s17], $0x80  }
0x85: {  	[sflag:s17] =	ssyncset.done $0x0  }
0x86: {  	[sflag:s17] =	ssyncadd.s32 $0xFFFFFF80  }
0x87: {  	[spmem:s2] =	stream.indirect.scatter.add.f32 [tilespmem:s26], [sflag:$0x6], $0x80, s21, s30, $0xb8;
	[tilespmem:$0x1FB80] =	vst v63  }
.LBB2_8:
0x88: {  	s29 =	sadd.s32 $0x30, s29  }
0x89: {  	p2 =	sne.s32 s29, $0x510  }
.Ltmp4:
0x8a: {  	_ = 	snop;
	(pc) =	sbr.rel @!p2 .LBB2_9-.Ltmp4, $2  }
0x8b: {  	_ =	sdelay $0x2  }
0x8c: {  	s15 =	sadd.s32 $0x1, s15  }
.LBB2_4:
0x8d: {  	_ =	swait.ge [sflag:s18], $0x4000  }
0x8e: {  	p2 =	seq.s32 s29, $0x4E0;
	[sflag:s18] =	ssyncset.done $0x0  }
0x8f: {  	s8 =	simm.s32 @p2 $0xA;
	[sflag:s18] =	ssyncadd.s32 $0xFFFFC000  }
0x90: {  	s20 =	simm.s32 @p2 $0x180;
	_ =	swait.ge @p2 [sflag:s8], $0x80  }
0x91: {  	s26 =	simm.s32 @p2 $0x300;
	p3 =	seq.s32 @!p2 s7, $0x1F;
	[sflag:s8] =	ssyncset.done @p2 $0x0  }
0x92: {  	p4 =	por p3, p2;
	[sflag:s8] =	ssyncadd.s32 @p2 $0xFFFFFF80;
	s8 =	simm.s32 @p2 $0x80  }
0x93: {  	[spmem:s2] =	stream.indirect.scatter.add.f32 @p2 [tilespmem:s26], [sflag:$0x4], $0x80, s20, s8, $0xb8;
	[tilespmem:$0x1FB80] =	vst v63  }
0x94: {  	s8 =	sadd.s32 @!p4 $0x30, s29  }
0x95: {  	p3 =	por !p3, p2;
	s20 =	sadd.s32 @!p4 s19, s8;
	s8 =	sand.u32 @!p4 $0x70, s8  }
0x96: {  	s26 =	sadd.s32 @!p3 s29, s1;
	s20 =	sand.u32 @!p4 $0x1FF80, s20;
	s21 =	sadd.s32 @!p4 s6, s8  }
0x97: {  	s26 =	sadd.s32 @!p3 $0x30, s26;
	s21 =	sadd.s32 @!p4 s20, s21  }
0x98: {  	s26 =	smov.u32 @p3 s21;
	s21 =	simm.s32 @!p2 $0x0  }
0x99: {  	[tilespmem:s21], [sflag:$0x7] =	stream.linear.gather @!p2 [hbm4b:s26+s21], $0x80, $0x38;
	[tilespmem:$0x1FB80] =	vst v63  }
0x9a: {  	s0 =	simm.s32 @!p2 $0x180;
	s26 =	simm.s32 @!p2 $0xA  }
0x9b: {  	s28 =	simm.s32 @!p2 $0x300;
	s12 =	sadd.s32 @!p3 $0x30, s29;
	_ =	swait.ge @!p2 [sflag:s26], $0x80  }
0x9c: {  	s5 =	simm.s32 @!p2 $0x4;
	s11 =	sand.u32 @!p3 $0xF80, s12;
	[sflag:s26] =	ssyncset.done @!p2 $0x0  }
0x9d: {  	s12 =	sand.u32 @!p3 $0x70, s12;
	[sflag:s26] =	ssyncadd.s32 @!p2 $0xFFFFFF80;
	s26 =	simm.s32 @!p2 $0x80  }
0x9e: {  	[spmem:s2] =	stream.indirect.scatter.add.f32 @!p2 [tilespmem:s28], [sflag:$0x4], $0x80, s0, s26, $0xb8;
	[tilespmem:$0x1FB80] =	vst v63  }
0x9f: {  	s11 =	sadd.s32 @!p3 s11, s22;
	s8 =	sadd.s32 @!p4 s8, s23;
	_ =	swait.ge @!p2 [sflag:s5], $0x4000  }
0xa0: {  	s11 =	sadd.s32 @!p3 s12, s11;
	s8 =	sadd.s32 @!p4 s20, s8;
	[sflag:s5] =	ssyncset.done @!p2 $0x0  }
0xa1: {  	s11 =	smov.u32 @p3 s8;
	[sflag:s5] =	ssyncadd.s32 @!p2 $0xFFFFC000  }
0xa2: {  	[tilespmem:s0], [sflag:$0xA] =	stream.linear.gather @!p2 [hbm4b:s11+s21], $0x80, $0x38;
	[tilespmem:$0x1FB80] =	vst v63  }
0xa3: {  	s0 =	simm.s32 @!p2 $0x7  }
0xa4: {  	_ =	swait.ge @!p2 [sflag:s0], $0x80  }
0xa5: {  	[sflag:s0] =	ssyncset.done @!p2 $0x0  }
.Ltmp5:
0xa6: {  	[sflag:s0] =	ssyncadd.s32 @!p2 $0xFFFFFF80;
	(pc) =	sbr.rel @p2 .LBB2_11-.Ltmp5, $4  }
0xa7: {  	[tilespmem:s28], [sflag:$0x1] =	stream.indirect.gather @!p2 [hbm4b:s4+s26], $0x80, s21, s26, $0xb8;
	[tilespmem:$0x1FB80] =	vst v63  }
0xa8: {  	_ =	swait.ge [sflag:s13], $0x4000  }
0xa9: {  	[sflag:s13] =	ssyncset.done $0x0  }
0xaa: {  	[sflag:s13] =	ssyncadd.s32 $0xFFFFC000  }
0xab: {  	s0 =	sadd.s32 @!p0 $0x40, s29  }
0xac: {  	s5 =	sadd.s32 @!p0 s19, s0;
	s0 =	sand.u32 @!p0 $0x70, s0  }
0xad: {  	s8 =	sadd.s32 @p0 s29, s1;
	s5 =	sand.u32 @!p0 $0x1FF80, s5;
	s11 =	sadd.s32 @!p0 s6, s0  }
0xae: {  	s12 =	sadd.s32 @p0 $0x40, s8;
	s11 =	sadd.s32 @!p0 s5, s11  }
0xaf: {  	s11 =	smov.u32 @p0 s12  }
0xb0: {  	[tilespmem:s30], [sflag:$0x8] =	stream.linear.gather [hbm4b:s11+s3], $0x80, $0x38;
	[tilespmem:$0x1FB80] =	vst v63  }
0xb1: {  	_ =	swait.ge [sflag:s14], $0x80  }
0xb2: {  	s11 =	sadd.s32 @p0 $0x40, s29;
	[sflag:s14] =	ssyncset.done $0x0  }
0xb3: {  	s0 =	sadd.s32 @!p0 s0, s23;
	s12 =	sand.u32 @p0 $0xF80, s11;
	[sflag:s14] =	ssyncadd.s32 $0xFFFFFF80  }
0xb4: {  	[spmem:s2] =	stream.indirect.scatter.add.f32 [tilespmem:s10], [sflag:$0x5], $0x80, s31, s30, $0xb8;
	[tilespmem:$0x1FB80] =	vst v63  }
0xb5: {  	s11 =	sand.u32 @p0 $0x70, s11;
	s12 =	sadd.s32 @p0 s12, s22;
	_ =	swait.ge [sflag:s16], $0x4000  }
0xb6: {  	s0 =	sadd.s32 @!p0 s5, s0;
	s11 =	sadd.s32 @p0 s11, s12;
	[sflag:s16] =	ssyncset.done $0x0  }
0xb7: {  	s0 =	smov.u32 @p0 s11;
	[sflag:s16] =	ssyncadd.s32 $0xFFFFC000  }
0xb8: {  	[tilespmem:s31], [sflag:$0xB] =	stream.linear.gather [hbm4b:s0+s3], $0x80, $0x38;
	[tilespmem:$0x1FB80] =	vst v63  }
0xb9: {  	_ =	swait.ge [sflag:s9], $0x80  }
0xba: {  	p2 =	sgt.u32 s15, $0x18;
	[sflag:s9] =	ssyncset.done $0x0  }
.Ltmp6:
0xbb: {  	[sflag:s9] =	ssyncadd.s32 $0xFFFFFF80;
	(pc) =	sbr.rel @p2 .LBB2_7-.Ltmp6, $4  }
0xbc: {  	[tilespmem:s10], [sflag:$0x2] =	stream.indirect.gather [hbm4b:s4+s30], $0x80, s30, s30, $0xb8;
	[tilespmem:$0x1FB80] =	vst v63  }
0xbd: {  	_ =	swait.ge [sflag:s25], $0x4000  }
0xbe: {  	[sflag:s25] =	ssyncset.done $0x0  }
0xbf: {  	s21 =	simm.s32 $0x280;
	s26 =	simm.s32 $0x8300;
	[sflag:s25] =	ssyncadd.s32 $0xFFFFC000  }
0xc0: {  	s0 =	sadd.s32 @!p0 $0x50, s29  }
0xc1: {  	s5 =	sadd.s32 @!p0 s19, s0;
	s0 =	sand.u32 @!p0 $0x70, s0  }
0xc2: {  	s5 =	sand.u32 @!p0 $0x1FF80, s5;
	s11 =	sadd.s32 @!p0 s6, s0  }
0xc3: {  	s8 =	sadd.s32 @p0 $0x50, s8;
	s11 =	sadd.s32 @!p0 s5, s11  }
0xc4: {  	s12 =	simm.s32 $0x100;
	s11 =	smov.u32 @p0 s8  }
0xc5: {  	[tilespmem:s12], [sflag:$0x9] =	stream.linear.gather [hbm4b:s11+s3], $0x80, $0x38;
	[tilespmem:$0x1FB80] =	vst v63  }
0xc6: {  	_ =	swait.ge [sflag:s17], $0x80  }
0xc7: {  	s8 =	sadd.s32 @p0 $0x50, s29;
	[sflag:s17] =	ssyncset.done $0x0  }
0xc8: {  	s0 =	sadd.s32 @!p0 s0, s23;
	s11 =	sand.u32 @p0 $0xF80, s8;
	[sflag:s17] =	ssyncadd.s32 $0xFFFFFF80  }
0xc9: {  	[spmem:s2] =	stream.indirect.scatter.add.f32 [tilespmem:s26], [sflag:$0x6], $0x80, s21, s30, $0xb8;
	[tilespmem:$0x1FB80] =	vst v63  }
0xca: {  	s8 =	sand.u32 @p0 $0x70, s8;
	s11 =	sadd.s32 @p0 s11, s22;
	_ =	swait.ge [sflag:s24], $0x4000  }
0xcb: {  	s11 =	sadd.s32 @p0 s8, s11;
	s8 =	sadd.s32 @!p0 s5, s0;
	[sflag:s24] =	ssyncset.done $0x0  }
0xcc: {  	s8 =	smov.u32 @p0 s11;
	[sflag:s24] =	ssyncadd.s32 $0xFFFFC000  }
0xcd: {  	[tilespmem:s21], [sflag:$0xC] =	stream.linear.gather [hbm4b:s8+s3], $0x80, $0x38;
	[tilespmem:$0x1FB80] =	vst v63  }
.Ltmp7:
0xce: {  	s28 =	simm.s32 $0x9;
	(pc) =	sbr.rel .LBB2_8-.Ltmp7, $4  }
0xcf: {  	_ =	swait.ge [sflag:s28], $0x80  }
0xd0: {  	[sflag:s28] =	ssyncset.done $0x0  }
0xd1: {  	[sflag:s28] =	ssyncadd.s32 $0xFFFFFF80  }
0xd2: {  	[tilespmem:s26], [sflag:$0x3] =	stream.indirect.gather [hbm4b:s4+s30], $0x80, s12, s30, $0xb8;
	[tilespmem:$0x1FB80] =	vst v63  }
.LBB2_10:
0xd3: {  	_ =	sfence.sel $0x180000  }
0xd4: {  	[bflag:$0x0] =	sbarrier.arrive $0xFFFF  }
0xd5: {  	_ =	strace $0x9000004A  }
0xd6: {  	[bflag:$0x2] =	sbarrier.arrive $0xFFFF  }
0xd7: {  	s0 =	rddreg [dreg:$0x3]  }
0xd8: {  	s0 =	sadd.s32 @!p1 $0x100000, s0  }
0xd9: {  	[sflag:s0] =	ssyncadd.tile.s32 @!p1 $0x1;
	_ =	shalt  }
.Lfunc_end2:
_tile_overlayer_lowered:
.L_overlay_start_2:
0xda: {  	(tag) =	ssettag $0x2  }
0xdb: {  	s0 =	rddreg [dreg:$0x0];
	s2 =	stileid.u32  }
0xdc: {  	s1 =	rddreg [dreg:$0x1];
	p0 =	sne.s32 s2, $0x0  }
0xdd: {  	s3 =	rddreg [dreg:$0x2];
	[bflag:$0x3] =	sbarrier.arrive $0xFFFF;
	s2 =	simm.s32 @!p0 $0x1C0D  }
0xde: {  	[timem:s3], [sflag:s2] =	dma.local @!p0 [hbm:s0], s1  }
0xdf: {  	s0 =	simm.s32 @!p0 $0xD  }
0xe0: {  	_ =	swait.ge @!p0 [sflag:s0], s1  }
0xe1: {  	s1 =	ssub.s32 @!p0 $0x0, s1;
	[sflag:s0] =	ssyncset.done @!p0 $0x0  }
0xe2: {  	[sflag:s0] =	ssyncadd.s32 @!p0 s1  }
0xe3: {  	[bflag:$0x3] =	sbarrier.arrive $0xFFFF  }
0xe4: {  	_ =	shalt  }

// kernel: kernel.15.cloned.1.call-start
scs
__scs_entry_jumppad:
0x0: {  	(pc) =	sbr.rel $0x88, $3  }
0x1: {  	(tag) =	ssettag $0x0;
	lr =	simm.s32 $0x1  }
0x2: {  	[smem:$0x3F99] =	sst lr;
	_ =	strace $0xD0000000  }
0x3: {  	_ = 	snop  }
0x4: {  	_ = 	snop  }
0x5: {  	_ = 	snop  }
0x6: {  	_ = 	snop  }
0x7: {  	_ = 	snop  }
__scs_overlays_trampoline_lowered:
0x8: {  	[smem:$0x3FA8] =	sst s0  }
0x9: {  	[smem:$0x3FA9] =	sst s1  }
0xa: {  	[smem:$0x3FAA] =	sst s2  }
0xb: {  	[smem:$0x3FAB] =	sst s3  }
0xc: {  	[smem:$0x3FAC] =	sst s4  }
0xd: {  	[smem:$0x3FAD] =	sst s5  }
0xe: {  	[smem:$0x3FAE] =	sst s6  }
0xf: {  	[smem:$0x3FAF] =	sst s7  }
0x10: {  	[smem:$0x3FB0] =	sst s8  }
0x11: {  	[smem:$0x3FB1] =	sst s9;
	s0 =	simm.s32 @!p0 $0x0  }
0x12: {  	s1 =	sld [smem:$0x3F97];
	s0 =	simm.s32 @p0 $0x1  }
0x13: {  	[smem:$0x3FB2] =	sst s0;
	s0 =	simm.s32 @!p1 $0x0  }
0x14: {  	s2 =	sld [smem:$0x3F96];
	s0 =	simm.s32 @p1 $0x1  }
0x15: {  	[smem:$0x3FB3] =	sst s0;
	s0 =	simm.s32 @!p2 $0x0  }
0x16: {  	s3 =	sld [smem:$0x3FDB];
	s0 =	simm.s32 @p2 $0x1  }
0x17: {  	s4 =	simm.s32 $0x1BF5;
	[smem:$0x3FB5] =	sst s0  }
0x18: {  	s0 =	sld [smem:$0x3F98];
	_ =	swait.ge [sflag:s4], $0x0  }
0x19: {  	s7 =	sld [smem:$0x3F99]  }
0x1a: {  	s8 =	sadd.s32 $0xFFFFE003, lr  }
0x1b: {  	s9 =	sadd.s32 $0xFFFFFEF7, lr;
	s5 =	simm.s32 $0xFFFFFFFF;
	p2 =	slt.u32 s8, $0xFFFFF086  }
0x1c: {  	p1 =	slt.u32 s9, $0xF7A;
	s5 =	simm.s32 @!p2 $0x0  }
0x1d: {  	s5 =	simm.s32 @p1 $0x1;
	p0 =	seq.s32 s7, s2  }
0x1e: {  	s7 =	smul.u32 @!p0 $0xF7A, s2;
	p2 =	seq.s32 @!p0 s5, $0x0  }
0x1f: {  	s9 =	smul.u32 $0xF7A, s1;
	s8 =	simm.s32 @!p0 $0x1BF5;
	p2 =	por !p2, p0  }
0x20: {  	[sflag:s8] =	ssyncset.s32 @!p0 $0xFFFFF086;
	s6 =	sadd.s32 @!p0 s3, s7;
	s7 =	simm.s32 @!p0 $0x108  }
0x21: {  	s3 =	sadd.s32 s3, s9;
	s6 =	sadd.s32 @!p0 $0x88, s6;
	s7 =	simm.s32 @p2 $0x1082  }
0x22: {  	[simem:s7], [sflag:s8] =	dma.local @!p0 [hbm:s6], $0xF7A  }
0x23: {  	s9 =	sor.u32 $0xD0000000, s2;
	s6 =	simm.s32 $0x108;
	_ =	swait.ge @!p0 [sflag:s8], $0x0  }
0x24: {  	s3 =	sadd.s32 $0x88, s3;
	s6 =	simm.s32 @!p1 $0x1082;
	[sflag:s4] =	ssyncset.s32 $0xFFFFF086  }
0x25: {  	[simem:s6], [sflag:s4] =	dma.local [hbm:s3], $0xF7A  }
0x26: {  	[smem:$0x3F99] =	sst s1;
	(tag) =	ssettag s2;
	_ =	strace s9  }
0x27: {  	s1 =	sld [smem:$0x3FA9]  }
0x28: {  	s2 =	sld [smem:$0x3FAA]  }
0x29: {  	s4 =	sld [smem:$0x3FAC]  }
0x2a: {  	p0 =	seq.s32 s5, $0x0;
	s5 =	sld [smem:$0x3FAD]  }
0x2b: {  	s6 =	sld [smem:$0x3FAE]  }
0x2c: {  	s7 =	sld [smem:$0x3FAF]  }
0x2d: {  	s3 =	simm.s32 $0x108;
	s8 =	sld [smem:$0x3FB0]  }
0x2e: {  	s3 =	simm.s32 @!p0 $0x1082;
	s9 =	sld [smem:$0x3FB1]  }
0x2f: {  	lr =	sadd.s32 s0, s3;
	s0 =	sld [smem:$0x3FA8]  }
0x30: {  	s3 =	sld [smem:$0x3FAB]  }
0x31: {  	[smem:$0x3FB4] =	sst s10  }
0x32: {  	s10 =	sld [smem:$0x3FB2];
	_ =	sdelay $0x3  }
0x33: {  	p0 =	seq.s32 s10, $0x1;
	s10 =	sld [smem:$0x3FB4];
	_ =	sdelay $0x3  }
0x34: {  	[smem:$0x3FB4] =	sst s10  }
0x35: {  	s10 =	sld [smem:$0x3FB3];
	_ =	sdelay $0x3  }
0x36: {  	p1 =	seq.s32 s10, $0x1;
	s10 =	sld [smem:$0x3FB4];
	_ =	sdelay $0x3  }
0x37: {  	[smem:$0x3FB4] =	sst s10  }
0x38: {  	s10 =	sld [smem:$0x3FB5]  }
0x39: {  	_ = 	snop;
	(pc) =	sbr.ind lr, $3  }
0x3a: {  	_ = 	snop  }
0x3b: {  	_ = 	snop  }
0x3c: {  	p2 =	seq.s32 s10, $0x1;
	s10 =	sld [smem:$0x3FB4]  }
0x3d: {  	_ =	shalt  }
0x3e: {  	_ =	shalt  }
0x3f: {  	_ =	shalt  }
0x40: {  	_ =	shalt  }
0x41: {  	_ =	shalt  }
0x42: {  	_ =	shalt  }
0x43: {  	_ =	shalt  }
0x44: {  	_ =	shalt  }
0x45: {  	_ =	shalt  }
0x46: {  	_ =	shalt  }
0x47: {  	_ =	shalt  }
0x48: {  	_ =	shalt  }
0x49: {  	_ =	shalt  }
0x4a: {  	_ =	shalt  }
0x4b: {  	_ =	shalt  }
0x4c: {  	_ =	shalt  }
0x4d: {  	_ =	shalt  }
0x4e: {  	_ =	shalt  }
0x4f: {  	_ =	shalt  }
0x50: {  	_ =	shalt  }
0x51: {  	_ =	shalt  }
0x52: {  	_ =	shalt  }
0x53: {  	_ =	shalt  }
0x54: {  	_ =	shalt  }
0x55: {  	_ =	shalt  }
0x56: {  	_ =	shalt  }
0x57: {  	_ =	shalt  }
0x58: {  	_ =	shalt  }
0x59: {  	_ =	shalt  }
0x5a: {  	_ =	shalt  }
0x5b: {  	_ =	shalt  }
0x5c: {  	_ =	shalt  }
0x5d: {  	_ =	shalt  }
0x5e: {  	_ =	shalt  }
0x5f: {  	_ =	shalt  }
0x60: {  	_ =	shalt  }
0x61: {  	_ =	shalt  }
0x62: {  	_ =	shalt  }
0x63: {  	_ =	shalt  }
0x64: {  	_ =	shalt  }
0x65: {  	_ =	shalt  }
0x66: {  	_ =	shalt  }
0x67: {  	_ =	shalt  }
0x68: {  	_ =	shalt  }
0x69: {  	_ =	shalt  }
0x6a: {  	_ =	shalt  }
0x6b: {  	_ =	shalt  }
0x6c: {  	_ =	shalt  }
0x6d: {  	_ =	shalt  }
0x6e: {  	_ =	shalt  }
0x6f: {  	_ =	shalt  }
0x70: {  	_ =	shalt  }
0x71: {  	_ =	shalt  }
0x72: {  	_ =	shalt  }
0x73: {  	_ =	shalt  }
0x74: {  	_ =	shalt  }
0x75: {  	_ =	shalt  }
0x76: {  	_ =	shalt  }
0x77: {  	_ =	shalt  }
0x78: {  	_ =	shalt  }
0x79: {  	_ =	shalt  }
0x7a: {  	_ =	shalt  }
0x7b: {  	_ =	shalt  }
0x7c: {  	_ =	shalt  }
0x7d: {  	_ =	shalt  }
0x7e: {  	_ =	shalt  }
0x7f: {  	_ =	shalt  }
0x80: {  	_ =	shalt  }
0x81: {  	_ =	shalt  }
0x82: {  	_ =	shalt  }
0x83: {  	_ =	shalt  }
0x84: {  	_ =	shalt  }
0x85: {  	_ =	shalt  }
0x86: {  	_ =	shalt  }
0x87: {  	_ =	shalt  }
.Lfunc_end0:
.L_simem_size_0:
called_computation.2_lowered:
.L_overlay_start_0:
0x88: {  	s2 =	sld [smem:$0x3FD9]  }
0x89: {  	s3 =	sld [smem:$0x3FFE];
	_ =	sdelay $0x1  }
0x8a: {  	s1 =	srdreg.scid  }
0x8b: {  	s0 =	sand.u32 $0x1, s1  }
0x8c: {  	s17 =	sshll.u32 s0, $0xA;
	s2 =	sadd.s32 s3, s2  }
0x8d: {  	s2 =	sadd.s32 s2, s17  }
0x8e: {  	[smem:$0x3FC0] =	sst s2  }
0x8f: {  	_ = 	snop  }
0x90: {  	s2 =	sld [smem:$0x3FD0];
	(tm) =	ssettm $0x1  }
0x91: {  	s18 =	sld [smem:$0x3FFB];
	_ =	sdelay $0x3  }
0x92: {  	_ =	strace s18  }
0x93: {  	s3 =	sld [smem:$0x3FFC];
	_ =	sdelay $0x3  }
0x94: {  	_ =	strace s3  }
0x95: {  	s3 =	sld [smem:$0x3FFD];
	_ =	sdelay $0x3  }
0x96: {  	_ =	strace s3  }
0x97: {  	_ =	strace $0x8FFFFFFF  }
0x98: {  	s19 =	sld [smem:$0x3FDB];
	_ =	sdelay $0x1  }
0x99: {  	s4 =	simm.s32 $_scs_section_size  }
0x9a: {  	s5 =	simm.s32 $_size__tile_overlayer_lowered;
	s6 =	simm.s32 $_tile_overlayer_lowered  }
0x9b: {  	s22 =	simm.s32 $0x1BFF;
	s21 =	sshll.u32 s6, $0x1;
	s3 =	sadd.s32 s4, s19  }
0x9c: {  	s7 =	simm.s32 $0x0;
	s20 =	sshll.u32 s5, $0x1;
	s5 =	sadd.s32 s21, s3  }
0x9d: {  	[timem:s7], [sflag:s22] =	dma.local [hbm:s5], s20  }
0x9e: {  	_ =	swait.ge [sflag:s22], s20  }
0x9f: {  	s4 =	ssub.s32 $0x0, s20;
	[sflag:s22] =	ssyncset.done $0x0  }
0xa0: {  	[sflag:s22] =	ssyncadd.s32 s4;
	_ =	sdelay $0x1  }
0xa1: {  	s23 =	simm.s32 $0x1B8B  }
0xa2: {  	_ =	swait.ge [sflag:s23], $0x1  }
0xa3: {  	[sflag:s23] =	ssyncset.done $0x0  }
0xa4: {  	s25 =	simm.s32 $0x1B8E;
	s24 =	sld [smem:$0x3FFE];
	[sflag:s23] =	ssyncadd.s32 $0xFFFFFFFF  }
0xa5: {  	s26 =	simm.s32 $execute0_lowered;
	[smem:$0x3FD2] =	sst s25  }
0xa6: {  	s5 =	sshll.u32 s26, $0x1;
	_ =	strace $0x8000004C;
	[dreg:$0x1] =	wrdreg $0xFFFFFFFF  }
0xa7: {  	s28 =	simm.s32 $_size_execute0_lowered;
	s3 =	sadd.s32 s3, s5;
	[dreg:$0x0] =	wrdreg $0x0  }
0xa8: {  	s5 =	sshll.u32 s28, $0x1;
	[dreg:$0x2] =	wrdreg s3  }
0xa9: {  	[dreg:$0x3] =	wrdreg s5  }
0xaa: {  	[dreg:$0x4] =	wrdreg $0xC0  }
0xab: {  	_ =	task [dreg:s7], $0x5FFFF  }
0xac: {  	[dreg:$0x1] =	wrdreg $0xFFFFFFFF  }
0xad: {  	[dreg:$0x0] =	wrdreg $0x60  }
0xae: {  	[dreg:$0x2] =	wrdreg s24  }
0xaf: {  	[dreg:$0x3] =	wrdreg s2  }
0xb0: {  	[dreg:$0x4] =	wrdreg $0xC3000  }
0xb1: {  	[dreg:$0x5] =	wrdreg $0x9  }
0xb2: {  	_ =	task.clear_ibuf [dreg:s7], $0x6FFFF;
	_ =	strace $0x9000004C  }
0xb3: {  	s29 =	simm.s32 $0x9;
	_ =	strace $0x8000004E  }
0xb4: {  	_ =	swait.ge [sflag:s29], $0x1  }
0xb5: {  	[sflag:s29] =	ssyncadd.s32 $0xFFFFFFFF  }
0xb6: {  	_ =	strace $0x9000004E  }
0xb7: {  	_ =	sfence  }
0xb8: {  	s30 =	sld [smem:$0x0];
	_ =	sdelay $0x2  }
0xb9: {  	s31 =	sshll.u32 s1, $0xD;
	s1 =	sshrl.u32 s1, $0x2  }
0xba: {  	s3 =	sand.u32 $0x4000, s31;
	s1 =	sadd.s32 s1, s30  }
0xbb: {  	s0 =	sor.u32 s3, s0;
	s1 =	sshll.u32 s1, $0x11  }
0xbc: {  	s0 =	sor.u32 s1, s0  }
0xbd: {  	s0 =	sadd.s32 $0x8F2B, s0  }
0xbe: {  	[sflag:s0] =	ssyncadd.remote.s32 $0x1  }
0xbf: {  	_ =	sfence.sel $0xFFFF  }
0xc0: {  	[dreg:$0x0] =	wrdreg $0xFFFFFFFF;
	(pc) =	sbr.abs _section_cstart, $3  }
0xc1: {  	[dreg:$0x1] =	wrdreg $0xFFFFFFFF  }
0xc2: {  	_ =	task.clear_ibuf [dreg:s7], $0x2FFFF;
	_ =	strace $0x9FFFFFFF  }
0xc3: {  	(tm) =	ssettm $0x7FFFFFFF  }
tec
execute0_lowered:
.L_overlay_start_1:
0x0: {  	(tag) =	ssettag $0x1  }
0x1: {  	s0 =	rddreg [dreg:$0x0]  }
0x2: {  	s1 =	rddreg [dreg:$0x1]  }
0x3: {  	s2 =	rddreg [dreg:$0x2];
	s3 =	simm.s32 $0x0  }
0x4: {  	s5 =	srdreg.scid;
	s14 =	stileid.u32;
	s30 =	simm.s32 $0x80  }
0x5: {  	s31 =	simm.s32 $0x200;
	[smem:$0x7FF] =	sst s3;
	s8 =	smul.u32 $0x4E000, s14  }
0x6: {  	s4 =	sadd.s32 $0x16800, s0;
	s6 =	sadd.s32 $0x2E00, s0;
	s11 =	smul.u32 $0x2700, s14  }
0x7: {  	s5 =	sand.u32 $0x1, s5;
	s9 =	sadd.s32 $0x3DE00, s0;
	s26 =	smul.u32 $0x500, s14  }
0x8: {  	p1 =	sne.s32 s14, $0x0;
	_ =	strace $0x8000004D;
	s23 =	smul.u32 $0x27100, s5  }
0x9: {  	s10 =	ssub.s32 $0x2, s5;
	s7 =	sshll.u32 s5, $0x4;
	s24 =	smul.u32 $0x138800, s5  }
0xa: {  	s5 =	smul.u32 $0x5000, s5;
	s7 =	sor.u32 s14, s7;
	s8 =	sshrl.u32 s8, $0x2  }
0xb: {  	s12 =	sshrl.u32 s10, $0x1;
	s14 =	simm.s32 $0xB;
	s16 =	smul.u32 $0x500, s7  }
0xc: {  	s20 =	sadd.s32 s8, s2;
	s10 =	ssub.s32 s10, s12;
	s18 =	smul.u32 $0x2800, s7  }
0xd: {  	s11 =	sadd.s32 s11, s23;
	s25 =	sshrl.u32 s24, $0x3;
	p0 =	seq.s32 s7, $0x1F  }
0xe: {  	s23 =	sadd.s32 $0xCA80, s0;
	s12 =	simm.s32 $0xD;
	s24 =	simm.s32 $0x6  }
0xf: {  	s17 =	sadd.s32 $0x4000, s20;
	s13 =	sadd.s32 $0x8000, s20;
	[dreg:$0x4] =	wrdreg s20  }
0x10: {  	s19 =	sadd.s32 $0xC000, s20;
	s21 =	sadd.s32 $0x10000, s20;
	[dreg:$0x5] =	wrdreg s17  }
0x11: {  	s11 =	sadd.s32 s9, s11;
	s9 =	sadd.s32 s9, s25;
	[dreg:$0x6] =	wrdreg s13  }
0x12: {  	s29 =	smax.u32 s10, $0x1;
	s10 =	simm.s32 $0x4300;
	[dreg:$0x7] =	wrdreg s19  }
0x13: {  	s25 =	simm.s32 $0x3;
	[dreg:$0x8] =	wrdreg s21;
	s15 =	sadd.s32 s6, s16  }
0x14: {  	s22 =	sshrl.u32 s18, $0x3;
	[dreg:$0xe] =	wrdreg s11;
	s11 =	sadd.s32 $0x10, s1  }
0x15: {  	s19 =	sadd.s32 s26, s5;
	s5 =	sadd.s32 $0x510, s1;
	s28 =	sadd.s32 $0x27000, s9  }
0x16: {  	[dreg:$0x12] =	wrdreg s29;
	s21 =	simm.s32 $0x280;
	s9 =	simm.s32 $0x8  }
0x17: {  	s26 =	simm.s32 $0x8300;
	s13 =	simm.s32 $0x2;
	s8 =	sadd.s32 s6, s22  }
0x18: {  	s16 =	sadd.s32 $0x10, s15;
	[dreg:$0x9] =	wrdreg s15;
	s15 =	sadd.s32 $0x20, s15  }
0x19: {  	s22 =	sadd.s32 $0x500, s1;
	[dreg:$0x11] =	wrdreg s28;
	s17 =	sadd.s32 $0x9C90, s8  }
0x1a: {  	s18 =	sadd.s32 $0x9CA0, s8;
	s16 =	smov.u32 @p0 s11;
	s11 =	sadd.s32 $0x20, s1  }
0x1b: {  	s8 =	sadd.s32 $0x9C80, s8;
	[dreg:$0xa] =	wrdreg s16;
	s17 =	smov.u32 @p0 s5  }
.Ltmp0:
0x1c: {  	s15 =	smov.u32 @p0 s11;
	[dreg:$0xb] =	wrdreg s17;
	(pc) =	sbr.rel .LBB2_1-.Ltmp0, $4  }
0x1d: {  	s5 =	sadd.s32 $0x520, s1;
	s8 =	smov.u32 @p0 s22;
	[dreg:$0xc] =	wrdreg s15  }
0x1e: {  	s11 =	sadd.s32 $0x138000, s2;
	s16 =	simm.s32 $0x5;
	[dreg:$0x10] =	wrdreg s8  }
0x1f: {  	s18 =	smov.u32 @p0 s5;
	s17 =	simm.s32 $0xC;
	[dreg:$0xf] =	wrdreg s11  }
0x20: {  	v0 =	vimm.f32 $0.0e+00;
	s8 =	simm.s32 $0x0;
	[dreg:$0xd] =	wrdreg s18;
	s18 =	simm.s32 $0x1  }
.LBB2_11:
0x21: {  	_ =	swait.ge [sflag:s14], $0x80  }
0x22: {  	[sflag:s14] =	ssyncset.done $0x0  }
0x23: {  	s21 =	simm.s32 $0x280;
	s26 =	simm.s32 $0x8300;
	[sflag:s14] =	ssyncadd.s32 $0xFFFFFF80  }
0x24: {  	[spmem:s2] =	stream.indirect.scatter.add.f32 [tilespmem:s10], [sflag:$0x5], $0x80, s31, s30, $0xb8;
	[tilespmem:$0x1FB80] =	vst v63  }
.LBB2_9:
0x25: {  	s0 =	simm.s32 $0x4  }
0x26: {  	_ =	swait.ge [sflag:s0], $0x4000  }
0x27: {  	[sflag:s0] =	ssyncset.done $0x0  }
0x28: {  	[sflag:s0] =	ssyncadd.s32 $0xFFFFC000  }
0x29: {  	_ =	swait.ge [sflag:s16], $0x4000  }
0x2a: {  	[sflag:s16] =	ssyncset.done $0x0  }
0x2b: {  	[sflag:s16] =	ssyncadd.s32 $0xFFFFC000  }
0x2c: {  	_ =	swait.ge [sflag:s24], $0x4000  }
0x2d: {  	[sflag:s24] =	ssyncset.done $0x0  }
0x2e: {  	[sflag:s24] =	ssyncadd.s32 $0xFFFFC000  }
0x2f: {  	s20 =	stileid.u32;
	[bflag:$0x0] =	sbarrier.arrive $0xFFFF  }
0x30: {  	s12 =	simm.s32 $0xD;
	s0 =	sshll.u32 s20, $0x6;
	s20 =	rddreg [dreg:$0x4]  }
0x31: {  	s0 =	sor.u32 $0x1C0D, s0;
	s8 =	rddreg [dreg:$0xe];
	s5 =	sshrl.u32 s20, $0x3  }
0x32: {  	[hbm:s8], [sflag:s0] =	dma.local [spmem:s5], $0x2700  }
0x33: {  	_ =	swait.ge [sflag:s12], $0x2700  }
0x34: {  	[sflag:s12] =	ssyncset.done $0x0;
	s11 =	rddreg [dreg:$0xf]  }
0x35: {  	s8 =	rddreg [dreg:$0x11];
	[sflag:s12] =	ssyncadd.s32 $0xFFFFD900;
	s5 =	sshrl.u32 @!p1 s11, $0x3  }
0x36: {  	[hbm:s8], [sflag:s0] =	dma.local @!p1 [spmem:s5], $0x100  }
0x37: {  	s0 =	simm.s32 @!p1 $0xD  }
0x38: {  	_ =	swait.ge @!p1 [sflag:s0], $0x100  }
0x39: {  	s28 =	rddreg [dreg:$0x13]  }
0x3a: {  	s29 =	rddreg [dreg:$0x12];
	s8 =	sadd.s32 $0x1, s28  }
0x3b: {  	p2 =	sne.s32 s8, s29  }
.Ltmp1:
0x3c: {  	_ = 	snop;
	(pc) =	sbr.rel @!p2 .LBB2_10-.Ltmp1, $3  }
0x3d: {  	_ =	sdelay $0x1  }
0x3e: {  	[sflag:s0] =	ssyncset.done @!p1 $0x0  }
0x3f: {  	[sflag:s0] =	ssyncadd.s32 @!p1 $0xFFFFFF00  }
.LBB2_1:
0x40: {  	[dreg:$0x13] =	wrdreg s8;
	s8 =	simm.s32 $0x0;
	s15 =	simm.s32 $0x200  }
.LBB2_2:
0x41: {  	p2 =	sne.s32 s15, $0xFE00;
	[tilespmem:s8+$0x370] =	vst v0  }
0x42: {  	[tilespmem:s8+$0x300] =	vst v0  }
0x43: {  	[tilespmem:s8+$0x310] =	vst v0  }
.Ltmp2:
0x44: {  	[tilespmem:s8+$0x320] =	vst v0;
	(pc) =	sbr.rel @p2 .LBB2_2-.Ltmp2, $4  }
0x45: {  	[tilespmem:s8+$0x330] =	vst v0  }
0x46: {  	[tilespmem:s8+$0x340] =	vst v0  }
0x47: {  	[tilespmem:s8+$0x350] =	vst v0  }
0x48: {  	[tilespmem:s8+$0x360] =	vst v0;
	s8 =	sshra.s32 s15, $0x2;
	s15 =	sadd.s32 $0x200, s15  }
0x49: {  	[tilespmem:s8+$0x370] =	vst v0  }
0x4a: {  	[tilespmem:s8+$0x300] =	vst v0  }
0x4b: {  	[tilespmem:s8+$0x310] =	vst v0  }
0x4c: {  	[tilespmem:s8+$0x320] =	vst v0  }
0x4d: {  	[tilespmem:s8+$0x330] =	vst v0  }
0x4e: {  	[tilespmem:s8+$0x340] =	vst v0  }
0x4f: {  	[tilespmem:s8+$0x350] =	vst v0  }
0x50: {  	[tilespmem:s8+$0x360] =	vst v0;
	s5 =	simm.s32 $0x300  }
0x51: {  	[spmem:s20] =	stream.linear.scatter [tilespmem:s5], [sflag:$0xD], $0x4000, $0x38;
	[tilespmem:$0x1FB80] =	vst v63  }
0x52: {  	_ =	swait.ge [sflag:s12], $0x4000  }
0x53: {  	[sflag:s12] =	ssyncset.done $0x0  }
0x54: {  	s0 =	rddreg [dreg:$0x5];
	[sflag:s12] =	ssyncadd.s32 $0xFFFFC000  }
0x55: {  	[spmem:s0] =	stream.linear.scatter [tilespmem:s5], [sflag:$0xD], $0x4000, $0x38;
	[tilespmem:$0x1FB80] =	vst v63  }
0x56: {  	_ =	swait.ge [sflag:s12], $0x4000  }
0x57: {  	[sflag:s12] =	ssyncset.done $0x0  }
0x58: {  	s28 =	rddreg [dreg:$0x6];
	[sflag:s12] =	ssyncadd.s32 $0xFFFFC000  }
0x59: {  	[spmem:s28] =	stream.linear.scatter [tilespmem:s5], [sflag:$0xD], $0x4000, $0x38;
	[tilespmem:$0x1FB80] =	vst v63  }
0x5a: {  	_ =	swait.ge [sflag:s12], $0x4000  }
0x5b: {  	[sflag:s12] =	ssyncset.done $0x0  }
0x5c: {  	s8 =	rddreg [dreg:$0x7];
	[sflag:s12] =	ssyncadd.s32 $0xFFFFC000  }
0x5d: {  	[spmem:s8] =	stream.linear.scatter [tilespmem:s5], [sflag:$0xD], $0x4000, $0x38;
	[tilespmem:$0x1FB80] =	vst v63  }
0x5e: {  	_ =	swait.ge [sflag:s12], $0x4000  }
0x5f: {  	[sflag:s12] =	ssyncset.done $0x0  }
0x60: {  	s15 =	rddreg [dreg:$0x8];
	[sflag:s12] =	ssyncadd.s32 $0xFFFFC000  }
0x61: {  	[spmem:s15] =	stream.linear.scatter [tilespmem:s5], [sflag:$0xD], $0x3800, $0x38;
	[tilespmem:$0x1FB80] =	vst v63  }
0x62: {  	_ =	swait.ge [sflag:s12], $0x3800  }
0x63: {  	[sflag:s12] =	ssyncset.done $0x0  }
0x64: {  	s8 =	simm.s32 @!p1 $0x300;
	[sflag:s12] =	ssyncadd.s32 $0xFFFFC800  }
0x65: {  	[spmem:s11] =	stream.linear.scatter @!p1 [tilespmem:s8], [sflag:$0xD], $0x800, $0x38;
	[tilespmem:$0x1FB80] =	vst v63  }
0x66: {  	s8 =	simm.s32 @!p1 $0xD  }
0x67: {  	_ =	swait.ge @!p1 [sflag:s8], $0x800  }
0x68: {  	[sflag:s8] =	ssyncset.done @!p1 $0x0;
	s15 =	rddreg [dreg:$0x9]  }
0x69: {  	s29 =	simm.s32 $0x0;
	[sflag:s8] =	ssyncadd.s32 @!p1 $0xFFFFF800;
	s15 =	smov.u32 @p0 s1  }
0x6a: {  	[tilespmem:s29], [sflag:$0x7] =	stream.linear.gather [hbm4b:s15+s29], $0x80, $0x38;
	[tilespmem:$0x1FB80] =	vst v63  }
0x6b: {  	s28 =	simm.s32 $0x180;
	s20 =	rddreg [dreg:$0x10]  }
0x6c: {  	[tilespmem:s28], [sflag:$0xA] =	stream.linear.gather [hbm4b:s20+s29], $0x80, $0x38;
	[tilespmem:$0x1FB80] =	vst v63  }
0x6d: {  	s8 =	rddreg [dreg:$0xa]  }
0x6e: {  	[tilespmem:s30], [sflag:$0x8] =	stream.linear.gather [hbm4b:s8+s29], $0x80, $0x38;
	[tilespmem:$0x1FB80] =	vst v63  }
0x6f: {  	s11 =	rddreg [dreg:$0xb]  }
0x70: {  	[tilespmem:s31], [sflag:$0xB] =	stream.linear.gather [hbm4b:s11+s29], $0x80, $0x38;
	[tilespmem:$0x1FB80] =	vst v63  }
0x71: {  	s12 =	rddreg [dreg:$0xc];
	s15 =	simm.s32 $0x100  }
0x72: {  	[tilespmem:s15], [sflag:$0x9] =	stream.linear.gather [hbm4b:s12+s29], $0x80, $0x38;
	[tilespmem:$0x1FB80] =	vst v63  }
0x73: {  	s20 =	rddreg [dreg:$0xd]  }
0x74: {  	[tilespmem:s21], [sflag:$0xC] =	stream.linear.gather [hbm4b:s20+s29], $0x80, $0x38;
	[tilespmem:$0x1FB80] =	vst v63  }
0x75: {  	s21 =	simm.s32 $0x7  }
0x76: {  	_ =	swait.ge [sflag:s21], $0x80  }
0x77: {  	[sflag:s21] =	ssyncset.done $0x0  }
0x78: {  	[sflag:s21] =	ssyncadd.s32 $0xFFFFFF80  }
0x79: {  	[tilespmem:s5], [sflag:$0x1] =	stream.indirect.gather [hbm4b:s4+s30], $0x80, s29, s30, $0xb8;
	[tilespmem:$0x1FB80] =	vst v63  }
0x7a: {  	_ =	swait.ge [sflag:s9], $0x80  }
0x7b: {  	[sflag:s9] =	ssyncset.done $0x0  }
0x7c: {  	s28 =	simm.s32 $0x9;
	[sflag:s9] =	ssyncadd.s32 $0xFFFFFF80  }
0x7d: {  	[tilespmem:s10], [sflag:$0x2] =	stream.indirect.gather [hbm4b:s4+s30], $0x80, s30, s30, $0xb8;
	[tilespmem:$0x1FB80] =	vst v63  }
0x7e: {  	_ =	swait.ge [sflag:s28], $0x80  }
.Ltmp3:
0x7f: {  	[sflag:s28] =	ssyncset.done $0x0;
	(pc) =	sbr.rel .LBB2_4-.Ltmp3, $4  }
0x80: {  	[sflag:s28] =	ssyncadd.s32 $0xFFFFFF80  }
0x81: {  	[tilespmem:s26], [sflag:$0x3] =	stream.indirect.gather [hbm4b:s4+s30], $0x80, s15, s30, $0xb8;
	[tilespmem:$0x1FB80] =	vst v63  }
0x82: {  	[bflag:$0x0] =	sbarrier.arrive $0xFFFF  }
0x83: {  	s15 =	simm.s32 $0x0  }
.LBB2_7:
0x84: {  	_ =	swait.ge [sflag:s17], $0x80  }
0x85: {  	[sflag:s17] =	ssyncset.done $0x0  }
0x86: {  	[sflag:s17] =	ssyncadd.s32 $0xFFFFFF80  }
0x87: {  	[spmem:s2] =	stream.indirect.scatter.add.f32 [tilespmem:s26], [sflag:$0x6], $0x80, s21, s30, $0xb8;
	[tilespmem:$0x1FB80] =	vst v63  }
.LBB2_8:
0x88: {  	s29 =	sadd.s32 $0x30, s29  }
0x89: {  	p2 =	sne.s32 s29, $0x510  }
.Ltmp4:
0x8a: {  	_ = 	snop;
	(pc) =	sbr.rel @!p2 .LBB2_9-.Ltmp4, $2  }
0x8b: {  	_ =	sdelay $0x2  }
0x8c: {  	s15 =	sadd.s32 $0x1, s15  }
.LBB2_4:
0x8d: {  	_ =	swait.ge [sflag:s18], $0x4000  }
0x8e: {  	p2 =	seq.s32 s29, $0x4E0;
	[sflag:s18] =	ssyncset.done $0x0  }
0x8f: {  	s8 =	simm.s32 @p2 $0xA;
	[sflag:s18] =	ssyncadd.s32 $0xFFFFC000  }
0x90: {  	s20 =	simm.s32 @p2 $0x180;
	_ =	swait.ge @p2 [sflag:s8], $0x80  }
0x91: {  	s26 =	simm.s32 @p2 $0x300;
	p3 =	seq.s32 @!p2 s7, $0x1F;
	[sflag:s8] =	ssyncset.done @p2 $0x0  }
0x92: {  	p4 =	por p3, p2;
	[sflag:s8] =	ssyncadd.s32 @p2 $0xFFFFFF80;
	s8 =	simm.s32 @p2 $0x80  }
0x93: {  	[spmem:s2] =	stream.indirect.scatter.add.f32 @p2 [tilespmem:s26], [sflag:$0x4], $0x80, s20, s8, $0xb8;
	[tilespmem:$0x1FB80] =	vst v63  }
0x94: {  	s8 =	sadd.s32 @!p4 $0x30, s29  }
0x95: {  	p3 =	por !p3, p2;
	s20 =	sadd.s32 @!p4 s19, s8;
	s8 =	sand.u32 @!p4 $0x70, s8  }
0x96: {  	s26 =	sadd.s32 @!p3 s29, s1;
	s20 =	sand.u32 @!p4 $0x1FF80, s20;
	s21 =	sadd.s32 @!p4 s6, s8  }
0x97: {  	s26 =	sadd.s32 @!p3 $0x30, s26;
	s21 =	sadd.s32 @!p4 s20, s21  }
0x98: {  	s26 =	smov.u32 @p3 s21;
	s21 =	simm.s32 @!p2 $0x0  }
0x99: {  	[tilespmem:s21], [sflag:$0x7] =	stream.linear.gather @!p2 [hbm4b:s26+s21], $0x80, $0x38;
	[tilespmem:$0x1FB80] =	vst v63  }
0x9a: {  	s0 =	simm.s32 @!p2 $0x180;
	s26 =	simm.s32 @!p2 $0xA  }
0x9b: {  	s28 =	simm.s32 @!p2 $0x300;
	s12 =	sadd.s32 @!p3 $0x30, s29;
	_ =	swait.ge @!p2 [sflag:s26], $0x80  }
0x9c: {  	s5 =	simm.s32 @!p2 $0x4;
	s11 =	sand.u32 @!p3 $0xF80, s12;
	[sflag:s26] =	ssyncset.done @!p2 $0x0  }
0x9d: {  	s12 =	sand.u32 @!p3 $0x70, s12;
	[sflag:s26] =	ssyncadd.s32 @!p2 $0xFFFFFF80;
	s26 =	simm.s32 @!p2 $0x80  }
0x9e: {  	[spmem:s2] =	stream.indirect.scatter.add.f32 @!p2 [tilespmem:s28], [sflag:$0x4], $0x80, s0, s26, $0xb8;
	[tilespmem:$0x1FB80] =	vst v63  }
0x9f: {  	s11 =	sadd.s32 @!p3 s11, s22;
	s8 =	sadd.s32 @!p4 s8, s23;
	_ =	swait.ge @!p2 [sflag:s5], $0x4000  }
0xa0: {  	s11 =	sadd.s32 @!p3 s12, s11;
	s8 =	sadd.s32 @!p4 s20, s8;
	[sflag:s5] =	ssyncset.done @!p2 $0x0  }
0xa1: {  	s11 =	smov.u32 @p3 s8;
	[sflag:s5] =	ssyncadd.s32 @!p2 $0xFFFFC000  }
0xa2: {  	[tilespmem:s0], [sflag:$0xA] =	stream.linear.gather @!p2 [hbm4b:s11+s21], $0x80, $0x38;
	[tilespmem:$0x1FB80] =	vst v63  }
0xa3: {  	s0 =	simm.s32 @!p2 $0x7  }
0xa4: {  	_ =	swait.ge @!p2 [sflag:s0], $0x80  }
0xa5: {  	[sflag:s0] =	ssyncset.done @!p2 $0x0  }
.Ltmp5:
0xa6: {  	[sflag:s0] =	ssyncadd.s32 @!p2 $0xFFFFFF80;
	(pc) =	sbr.rel @p2 .LBB2_11-.Ltmp5, $4  }
0xa7: {  	[tilespmem:s28], [sflag:$0x1] =	stream.indirect.gather @!p2 [hbm4b:s4+s26], $0x80, s21, s26, $0xb8;
	[tilespmem:$0x1FB80] =	vst v63  }
0xa8: {  	_ =	swait.ge [sflag:s13], $0x4000  }
0xa9: {  	[sflag:s13] =	ssyncset.done $0x0  }
0xaa: {  	[sflag:s13] =	ssyncadd.s32 $0xFFFFC000  }
0xab: {  	s0 =	sadd.s32 @!p0 $0x40, s29  }
0xac: {  	s5 =	sadd.s32 @!p0 s19, s0;
	s0 =	sand.u32 @!p0 $0x70, s0  }
0xad: {  	s8 =	sadd.s32 @p0 s29, s1;
	s5 =	sand.u32 @!p0 $0x1FF80, s5;
	s11 =	sadd.s32 @!p0 s6, s0  }
0xae: {  	s12 =	sadd.s32 @p0 $0x40, s8;
	s11 =	sadd.s32 @!p0 s5, s11  }
0xaf: {  	s11 =	smov.u32 @p0 s12  }
0xb0: {  	[tilespmem:s30], [sflag:$0x8] =	stream.linear.gather [hbm4b:s11+s3], $0x80, $0x38;
	[tilespmem:$0x1FB80] =	vst v63  }
0xb1: {  	_ =	swait.ge [sflag:s14], $0x80  }
0xb2: {  	s11 =	sadd.s32 @p0 $0x40, s29;
	[sflag:s14] =	ssyncset.done $0x0  }
0xb3: {  	s0 =	sadd.s32 @!p0 s0, s23;
	s12 =	sand.u32 @p0 $0xF80, s11;
	[sflag:s14] =	ssyncadd.s32 $0xFFFFFF80  }
0xb4: {  	[spmem:s2] =	stream.indirect.scatter.add.f32 [tilespmem:s10], [sflag:$0x5], $0x80, s31, s30, $0xb8;
	[tilespmem:$0x1FB80] =	vst v63  }
0xb5: {  	s11 =	sand.u32 @p0 $0x70, s11;
	s12 =	sadd.s32 @p0 s12, s22;
	_ =	swait.ge [sflag:s16], $0x4000  }
0xb6: {  	s0 =	sadd.s32 @!p0 s5, s0;
	s11 =	sadd.s32 @p0 s11, s12;
	[sflag:s16] =	ssyncset.done $0x0  }
0xb7: {  	s0 =	smov.u32 @p0 s11;
	[sflag:s16] =	ssyncadd.s32 $0xFFFFC000  }
0xb8: {  	[tilespmem:s31], [sflag:$0xB] =	stream.linear.gather [hbm4b:s0+s3], $0x80, $0x38;
	[tilespmem:$0x1FB80] =	vst v63  }
0xb9: {  	_ =	swait.ge [sflag:s9], $0x80  }
0xba: {  	p2 =	sgt.u32 s15, $0x18;
	[sflag:s9] =	ssyncset.done $0x0  }
.Ltmp6:
0xbb: {  	[sflag:s9] =	ssyncadd.s32 $0xFFFFFF80;
	(pc) =	sbr.rel @p2 .LBB2_7-.Ltmp6, $4  }
0xbc: {  	[tilespmem:s10], [sflag:$0x2] =	stream.indirect.gather [hbm4b:s4+s30], $0x80, s30, s30, $0xb8;
	[tilespmem:$0x1FB80] =	vst v63  }
0xbd: {  	_ =	swait.ge [sflag:s25], $0x4000  }
0xbe: {  	[sflag:s25] =	ssyncset.done $0x0  }
0xbf: {  	s21 =	simm.s32 $0x280;
	s26 =	simm.s32 $0x8300;
	[sflag:s25] =	ssyncadd.s32 $0xFFFFC000  }
0xc0: {  	s0 =	sadd.s32 @!p0 $0x50, s29  }
0xc1: {  	s5 =	sadd.s32 @!p0 s19, s0;
	s0 =	sand.u32 @!p0 $0x70, s0  }
0xc2: {  	s5 =	sand.u32 @!p0 $0x1FF80, s5;
	s11 =	sadd.s32 @!p0 s6, s0  }
0xc3: {  	s8 =	sadd.s32 @p0 $0x50, s8;
	s11 =	sadd.s32 @!p0 s5, s11  }
0xc4: {  	s12 =	simm.s32 $0x100;
	s11 =	smov.u32 @p0 s8  }
0xc5: {  	[tilespmem:s12], [sflag:$0x9] =	stream.linear.gather [hbm4b:s11+s3], $0x80, $0x38;
	[tilespmem:$0x1FB80] =	vst v63  }
0xc6: {  	_ =	swait.ge [sflag:s17], $0x80  }
0xc7: {  	s8 =	sadd.s32 @p0 $0x50, s29;
	[sflag:s17] =	ssyncset.done $0x0  }
0xc8: {  	s0 =	sadd.s32 @!p0 s0, s23;
	s11 =	sand.u32 @p0 $0xF80, s8;
	[sflag:s17] =	ssyncadd.s32 $0xFFFFFF80  }
0xc9: {  	[spmem:s2] =	stream.indirect.scatter.add.f32 [tilespmem:s26], [sflag:$0x6], $0x80, s21, s30, $0xb8;
	[tilespmem:$0x1FB80] =	vst v63  }
0xca: {  	s8 =	sand.u32 @p0 $0x70, s8;
	s11 =	sadd.s32 @p0 s11, s22;
	_ =	swait.ge [sflag:s24], $0x4000  }
0xcb: {  	s11 =	sadd.s32 @p0 s8, s11;
	s8 =	sadd.s32 @!p0 s5, s0;
	[sflag:s24] =	ssyncset.done $0x0  }
0xcc: {  	s8 =	smov.u32 @p0 s11;
	[sflag:s24] =	ssyncadd.s32 $0xFFFFC000  }
0xcd: {  	[tilespmem:s21], [sflag:$0xC] =	stream.linear.gather [hbm4b:s8+s3], $0x80, $0x38;
	[tilespmem:$0x1FB80] =	vst v63  }
.Ltmp7:
0xce: {  	s28 =	simm.s32 $0x9;
	(pc) =	sbr.rel .LBB2_8-.Ltmp7, $4  }
0xcf: {  	_ =	swait.ge [sflag:s28], $0x80  }
0xd0: {  	[sflag:s28] =	ssyncset.done $0x0  }
0xd1: {  	[sflag:s28] =	ssyncadd.s32 $0xFFFFFF80  }
0xd2: {  	[tilespmem:s26], [sflag:$0x3] =	stream.indirect.gather [hbm4b:s4+s30], $0x80, s12, s30, $0xb8;
	[tilespmem:$0x1FB80] =	vst v63  }
.LBB2_10:
0xd3: {  	_ =	sfence.sel $0x180000  }
0xd4: {  	[bflag:$0x0] =	sbarrier.arrive $0xFFFF  }
0xd5: {  	_ =	strace $0x9000004D  }
0xd6: {  	[bflag:$0x2] =	sbarrier.arrive $0xFFFF  }
0xd7: {  	s0 =	rddreg [dreg:$0x3]  }
0xd8: {  	s0 =	sadd.s32 @!p1 $0x100000, s0  }
0xd9: {  	[sflag:s0] =	ssyncadd.tile.s32 @!p1 $0x1;
	_ =	shalt  }
.Lfunc_end2:
_tile_overlayer_lowered:
.L_overlay_start_2:
0xda: {  	(tag) =	ssettag $0x2  }
0xdb: {  	s0 =	rddreg [dreg:$0x0];
	s2 =	stileid.u32  }
0xdc: {  	s1 =	rddreg [dreg:$0x1];
	p0 =	sne.s32 s2, $0x0  }
0xdd: {  	s3 =	rddreg [dreg:$0x2];
	[bflag:$0x3] =	sbarrier.arrive $0xFFFF;
	s2 =	simm.s32 @!p0 $0x1C0D  }
0xde: {  	[timem:s3], [sflag:s2] =	dma.local @!p0 [hbm:s0], s1  }
0xdf: {  	s0 =	simm.s32 @!p0 $0xD  }
0xe0: {  	_ =	swait.ge @!p0 [sflag:s0], s1  }
0xe1: {  	s1 =	ssub.s32 @!p0 $0x0, s1;
	[sflag:s0] =	ssyncset.done @!p0 $0x0  }
0xe2: {  	[sflag:s0] =	ssyncadd.s32 @!p0 s1  }
0xe3: {  	[bflag:$0x3] =	sbarrier.arrive $0xFFFF  }
0xe4: {  	_ =	shalt  }

// kernel: kernel.9.cloned.1.call-start
scs
__scs_entry_jumppad:
0x0: {  	(pc) =	sbr.rel $0x88, $3  }
0x1: {  	(tag) =	ssettag $0x0;
	lr =	simm.s32 $0x1  }
0x2: {  	[smem:$0x3F99] =	sst lr;
	_ =	strace $0xD0000000  }
0x3: {  	_ = 	snop  }
0x4: {  	_ = 	snop  }
0x5: {  	_ = 	snop  }
0x6: {  	_ = 	snop  }
0x7: {  	_ = 	snop  }
__scs_overlays_trampoline_lowered:
0x8: {  	[smem:$0x3FA8] =	sst s0  }
0x9: {  	[smem:$0x3FA9] =	sst s1  }
0xa: {  	[smem:$0x3FAA] =	sst s2  }
0xb: {  	[smem:$0x3FAB] =	sst s3  }
0xc: {  	[smem:$0x3FAC] =	sst s4  }
0xd: {  	[smem:$0x3FAD] =	sst s5  }
0xe: {  	[smem:$0x3FAE] =	sst s6  }
0xf: {  	[smem:$0x3FAF] =	sst s7  }
0x10: {  	[smem:$0x3FB0] =	sst s8  }
0x11: {  	[smem:$0x3FB1] =	sst s9;
	s0 =	simm.s32 @!p0 $0x0  }
0x12: {  	s1 =	sld [smem:$0x3F97];
	s0 =	simm.s32 @p0 $0x1  }
0x13: {  	[smem:$0x3FB2] =	sst s0;
	s0 =	simm.s32 @!p1 $0x0  }
0x14: {  	s2 =	sld [smem:$0x3F96];
	s0 =	simm.s32 @p1 $0x1  }
0x15: {  	[smem:$0x3FB3] =	sst s0;
	s0 =	simm.s32 @!p2 $0x0  }
0x16: {  	s3 =	sld [smem:$0x3FDB];
	s0 =	simm.s32 @p2 $0x1  }
0x17: {  	s4 =	simm.s32 $0x1BF5;
	[smem:$0x3FB5] =	sst s0  }
0x18: {  	s0 =	sld [smem:$0x3F98];
	_ =	swait.ge [sflag:s4], $0x0  }
0x19: {  	s7 =	sld [smem:$0x3F99]  }
0x1a: {  	s8 =	sadd.s32 $0xFFFFE003, lr  }
0x1b: {  	s9 =	sadd.s32 $0xFFFFFEF7, lr;
	s5 =	simm.s32 $0xFFFFFFFF;
	p2 =	slt.u32 s8, $0xFFFFF086  }
0x1c: {  	p1 =	slt.u32 s9, $0xF7A;
	s5 =	simm.s32 @!p2 $0x0  }
0x1d: {  	s5 =	simm.s32 @p1 $0x1;
	p0 =	seq.s32 s7, s2  }
0x1e: {  	s7 =	smul.u32 @!p0 $0xF7A, s2;
	p2 =	seq.s32 @!p0 s5, $0x0  }
0x1f: {  	s9 =	smul.u32 $0xF7A, s1;
	s8 =	simm.s32 @!p0 $0x1BF5;
	p2 =	por !p2, p0  }
0x20: {  	[sflag:s8] =	ssyncset.s32 @!p0 $0xFFFFF086;
	s6 =	sadd.s32 @!p0 s3, s7;
	s7 =	simm.s32 @!p0 $0x108  }
0x21: {  	s3 =	sadd.s32 s3, s9;
	s6 =	sadd.s32 @!p0 $0x88, s6;
	s7 =	simm.s32 @p2 $0x1082  }
0x22: {  	[simem:s7], [sflag:s8] =	dma.local @!p0 [hbm:s6], $0xF7A  }
0x23: {  	s9 =	sor.u32 $0xD0000000, s2;
	s6 =	simm.s32 $0x108;
	_ =	swait.ge @!p0 [sflag:s8], $0x0  }
0x24: {  	s3 =	sadd.s32 $0x88, s3;
	s6 =	simm.s32 @!p1 $0x1082;
	[sflag:s4] =	ssyncset.s32 $0xFFFFF086  }
0x25: {  	[simem:s6], [sflag:s4] =	dma.local [hbm:s3], $0xF7A  }
0x26: {  	[smem:$0x3F99] =	sst s1;
	(tag) =	ssettag s2;
	_ =	strace s9  }
0x27: {  	s1 =	sld [smem:$0x3FA9]  }
0x28: {  	s2 =	sld [smem:$0x3FAA]  }
0x29: {  	s4 =	sld [smem:$0x3FAC]  }
0x2a: {  	p0 =	seq.s32 s5, $0x0;
	s5 =	sld [smem:$0x3FAD]  }
0x2b: {  	s6 =	sld [smem:$0x3FAE]  }
0x2c: {  	s7 =	sld [smem:$0x3FAF]  }
0x2d: {  	s3 =	simm.s32 $0x108;
	s8 =	sld [smem:$0x3FB0]  }
0x2e: {  	s3 =	simm.s32 @!p0 $0x1082;
	s9 =	sld [smem:$0x3FB1]  }
0x2f: {  	lr =	sadd.s32 s0, s3;
	s0 =	sld [smem:$0x3FA8]  }
0x30: {  	s3 =	sld [smem:$0x3FAB]  }
0x31: {  	[smem:$0x3FB4] =	sst s10  }
0x32: {  	s10 =	sld [smem:$0x3FB2];
	_ =	sdelay $0x3  }
0x33: {  	p0 =	seq.s32 s10, $0x1;
	s10 =	sld [smem:$0x3FB4];
	_ =	sdelay $0x3  }
0x34: {  	[smem:$0x3FB4] =	sst s10  }
0x35: {  	s10 =	sld [smem:$0x3FB3];
	_ =	sdelay $0x3  }
0x36: {  	p1 =	seq.s32 s10, $0x1;
	s10 =	sld [smem:$0x3FB4];
	_ =	sdelay $0x3  }
0x37: {  	[smem:$0x3FB4] =	sst s10  }
0x38: {  	s10 =	sld [smem:$0x3FB5]  }
0x39: {  	_ = 	snop;
	(pc) =	sbr.ind lr, $3  }
0x3a: {  	_ = 	snop  }
0x3b: {  	_ = 	snop  }
0x3c: {  	p2 =	seq.s32 s10, $0x1;
	s10 =	sld [smem:$0x3FB4]  }
0x3d: {  	_ =	shalt  }
0x3e: {  	_ =	shalt  }
0x3f: {  	_ =	shalt  }
0x40: {  	_ =	shalt  }
0x41: {  	_ =	shalt  }
0x42: {  	_ =	shalt  }
0x43: {  	_ =	shalt  }
0x44: {  	_ =	shalt  }
0x45: {  	_ =	shalt  }
0x46: {  	_ =	shalt  }
0x47: {  	_ =	shalt  }
0x48: {  	_ =	shalt  }
0x49: {  	_ =	shalt  }
0x4a: {  	_ =	shalt  }
0x4b: {  	_ =	shalt  }
0x4c: {  	_ =	shalt  }
0x4d: {  	_ =	shalt  }
0x4e: {  	_ =	shalt  }
0x4f: {  	_ =	shalt  }
0x50: {  	_ =	shalt  }
0x51: {  	_ =	shalt  }
0x52: {  	_ =	shalt  }
0x53: {  	_ =	shalt  }
0x54: {  	_ =	shalt  }
0x55: {  	_ =	shalt  }
0x56: {  	_ =	shalt  }
0x57: {  	_ =	shalt  }
0x58: {  	_ =	shalt  }
0x59: {  	_ =	shalt  }
0x5a: {  	_ =	shalt  }
0x5b: {  	_ =	shalt  }
0x5c: {  	_ =	shalt  }
0x5d: {  	_ =	shalt  }
0x5e: {  	_ =	shalt  }
0x5f: {  	_ =	shalt  }
0x60: {  	_ =	shalt  }
0x61: {  	_ =	shalt  }
0x62: {  	_ =	shalt  }
0x63: {  	_ =	shalt  }
0x64: {  	_ =	shalt  }
0x65: {  	_ =	shalt  }
0x66: {  	_ =	shalt  }
0x67: {  	_ =	shalt  }
0x68: {  	_ =	shalt  }
0x69: {  	_ =	shalt  }
0x6a: {  	_ =	shalt  }
0x6b: {  	_ =	shalt  }
0x6c: {  	_ =	shalt  }
0x6d: {  	_ =	shalt  }
0x6e: {  	_ =	shalt  }
0x6f: {  	_ =	shalt  }
0x70: {  	_ =	shalt  }
0x71: {  	_ =	shalt  }
0x72: {  	_ =	shalt  }
0x73: {  	_ =	shalt  }
0x74: {  	_ =	shalt  }
0x75: {  	_ =	shalt  }
0x76: {  	_ =	shalt  }
0x77: {  	_ =	shalt  }
0x78: {  	_ =	shalt  }
0x79: {  	_ =	shalt  }
0x7a: {  	_ =	shalt  }
0x7b: {  	_ =	shalt  }
0x7c: {  	_ =	shalt  }
0x7d: {  	_ =	shalt  }
0x7e: {  	_ =	shalt  }
0x7f: {  	_ =	shalt  }
0x80: {  	_ =	shalt  }
0x81: {  	_ =	shalt  }
0x82: {  	_ =	shalt  }
0x83: {  	_ =	shalt  }
0x84: {  	_ =	shalt  }
0x85: {  	_ =	shalt  }
0x86: {  	_ =	shalt  }
0x87: {  	_ =	shalt  }
.Lfunc_end0:
.L_simem_size_0:
called_computation_lowered:
.L_overlay_start_0:
0x88: {  	s2 =	sld [smem:$0x3FD9]  }
0x89: {  	s3 =	sld [smem:$0x3FFE];
	_ =	sdelay $0x1  }
0x8a: {  	s1 =	srdreg.scid  }
0x8b: {  	s0 =	sand.u32 $0x1, s1  }
0x8c: {  	s17 =	sshll.u32 s0, $0xA;
	s2 =	sadd.s32 s3, s2  }
0x8d: {  	s2 =	sadd.s32 s2, s17  }
0x8e: {  	[smem:$0x3FC0] =	sst s2  }
0x8f: {  	_ = 	snop  }
0x90: {  	s2 =	sld [smem:$0x3FD0];
	(tm) =	ssettm $0x1  }
0x91: {  	s18 =	sld [smem:$0x3FFB];
	_ =	sdelay $0x3  }
0x92: {  	_ =	strace s18  }
0x93: {  	s3 =	sld [smem:$0x3FFC];
	_ =	sdelay $0x3  }
0x94: {  	_ =	strace s3  }
0x95: {  	s3 =	sld [smem:$0x3FFD];
	_ =	sdelay $0x3  }
0x96: {  	_ =	strace s3  }
0x97: {  	_ =	strace $0x8FFFFFFF  }
0x98: {  	s19 =	sld [smem:$0x3FDB];
	_ =	sdelay $0x1  }
0x99: {  	s4 =	simm.s32 $_scs_section_size  }
0x9a: {  	s5 =	simm.s32 $_size__tile_overlayer_lowered;
	s6 =	simm.s32 $_tile_overlayer_lowered  }
0x9b: {  	s22 =	simm.s32 $0x1BFF;
	s21 =	sshll.u32 s6, $0x1;
	s3 =	sadd.s32 s4, s19  }
0x9c: {  	s7 =	simm.s32 $0x0;
	s20 =	sshll.u32 s5, $0x1;
	s5 =	sadd.s32 s21, s3  }
0x9d: {  	[timem:s7], [sflag:s22] =	dma.local [hbm:s5], s20  }
0x9e: {  	_ =	swait.ge [sflag:s22], s20  }
0x9f: {  	s4 =	ssub.s32 $0x0, s20;
	[sflag:s22] =	ssyncset.done $0x0  }
0xa0: {  	[sflag:s22] =	ssyncadd.s32 s4;
	_ =	sdelay $0x1  }
0xa1: {  	s23 =	simm.s32 $0x1B8B  }
0xa2: {  	_ =	swait.ge [sflag:s23], $0x1  }
0xa3: {  	[sflag:s23] =	ssyncset.done $0x0  }
0xa4: {  	s25 =	simm.s32 $0x1B8E;
	s24 =	sld [smem:$0x3FFE];
	[sflag:s23] =	ssyncadd.s32 $0xFFFFFFFF  }
0xa5: {  	s26 =	simm.s32 $execute0_lowered;
	[smem:$0x3FD2] =	sst s25  }
0xa6: {  	s5 =	sshll.u32 s26, $0x1;
	_ =	strace $0x80000046;
	[dreg:$0x1] =	wrdreg $0xFFFFFFFF  }
0xa7: {  	s28 =	simm.s32 $_size_execute0_lowered;
	s3 =	sadd.s32 s3, s5;
	[dreg:$0x0] =	wrdreg $0x0  }
0xa8: {  	s5 =	sshll.u32 s28, $0x1;
	[dreg:$0x2] =	wrdreg s3  }
0xa9: {  	[dreg:$0x3] =	wrdreg s5  }
0xaa: {  	[dreg:$0x4] =	wrdreg $0xC0  }
0xab: {  	_ =	task [dreg:s7], $0x5FFFF  }
0xac: {  	[dreg:$0x1] =	wrdreg $0xFFFFFFFF  }
0xad: {  	[dreg:$0x0] =	wrdreg $0x60  }
0xae: {  	[dreg:$0x2] =	wrdreg s24  }
0xaf: {  	[dreg:$0x3] =	wrdreg s2  }
0xb0: {  	[dreg:$0x4] =	wrdreg $0x68000  }
0xb1: {  	[dreg:$0x5] =	wrdreg $0x9  }
0xb2: {  	_ =	task.clear_ibuf [dreg:s7], $0x6FFFF;
	_ =	strace $0x90000046  }
0xb3: {  	s29 =	simm.s32 $0x9;
	_ =	strace $0x80000048  }
0xb4: {  	_ =	swait.ge [sflag:s29], $0x1  }
0xb5: {  	[sflag:s29] =	ssyncadd.s32 $0xFFFFFFFF  }
0xb6: {  	_ =	strace $0x90000048  }
0xb7: {  	_ =	sfence  }
0xb8: {  	s30 =	sld [smem:$0x0];
	_ =	sdelay $0x2  }
0xb9: {  	s31 =	sshll.u32 s1, $0xD;
	s1 =	sshrl.u32 s1, $0x2  }
0xba: {  	s3 =	sand.u32 $0x4000, s31;
	s1 =	sadd.s32 s1, s30  }
0xbb: {  	s0 =	sor.u32 s3, s0;
	s1 =	sshll.u32 s1, $0x11  }
0xbc: {  	s0 =	sor.u32 s1, s0  }
0xbd: {  	s0 =	sadd.s32 $0x8F2B, s0  }
0xbe: {  	[sflag:s0] =	ssyncadd.remote.s32 $0x1  }
0xbf: {  	_ =	sfence.sel $0xFFFF  }
0xc0: {  	[dreg:$0x0] =	wrdreg $0xFFFFFFFF;
	(pc) =	sbr.abs _section_cstart, $3  }
0xc1: {  	[dreg:$0x1] =	wrdreg $0xFFFFFFFF  }
0xc2: {  	_ =	task.clear_ibuf [dreg:s7], $0x2FFFF;
	_ =	strace $0x9FFFFFFF  }
0xc3: {  	(tm) =	ssettm $0x7FFFFFFF  }
tec
execute0_lowered:
.L_overlay_start_1:
0x0: {  	(tag) =	ssettag $0x1  }
0x1: {  	s9 =	rddreg [dreg:$0x0]  }
0x2: {  	s11 =	rddreg [dreg:$0x1]  }
0x3: {  	s1 =	rddreg [dreg:$0x2]  }
0x4: {  	s0 =	rddreg [dreg:$0x3]  }
0x5: {  	s2 =	simm.s32 $0x0;
	s4 =	srdreg.scid;
	s3 =	stileid.u32  }
0x6: {  	[smem:$0x7FF] =	sst s2;
	s5 =	smul.u32 $0x4E000, s3  }
0x7: {  	s10 =	sand.u32 $0x1, s4;
	s12 =	sadd.s32 $0x16800, s9;
	s14 =	smul.u32 $0x2700, s3  }
0x8: {  	_ =	strace $0x80000047;
	s4 =	ssub.s32 $0x2, s10;
	s17 =	smul.u32 $0x138800, s10  }
0x9: {  	s7 =	sshll.u32 s10, $0x4;
	s18 =	smul.u32 $0x27100, s10;
	s6 =	sshrl.u32 s4, $0x1  }
0xa: {  	s13 =	sor.u32 s3, s7;
	s5 =	sshrl.u32 s5, $0x2;
	s15 =	ssub.s32 s4, s6  }
0xb: {  	s4 =	sadd.s32 s5, s1;
	s16 =	smul.u32 $0x2800, s13;
	p0 =	seq.s32 s13, $0x1F  }
0xc: {  	s30 =	sshrl.u32 s17, $0x3;
	s31 =	sadd.s32 s14, s18;
	s14 =	simm.s32 $0x2800  }
0xd: {  	s17 =	simm.s32 $0x1;
	s5 =	sadd.s32 $0x4000, s4;
	s6 =	sadd.s32 $0x8000, s4  }
0xe: {  	s7 =	sadd.s32 $0xC000, s4;
	s8 =	sadd.s32 $0x10000, s4;
	s16 =	sshrl.u32 s16, $0x3  }
0xf: {  	s13 =	sadd.s32 s12, s30;
	s16 =	sadd.s32 s9, s16;
	s9 =	sadd.s32 $0x138000, s1  }
0x10: {  	s10 =	sadd.s32 $0xCA80, s16;
	s16 =	sadd.s32 $0x500, s11;
	s11 =	sadd.s32 s12, s31  }
0x11: {  	s12 =	sadd.s32 $0x27000, s13;
	s13 =	smax.u32 s15, $0x1;
	s15 =	simm.s32 $0x2  }
0x12: {  	v0 =	vimm.f32 $0.0e+00;
	v1 =	vimm.f32 $1.000000000e+00;
	s10 =	smov.u32 @p0 s16;
	p0 =	sne.s32 s3, $0x0;
	s16 =	simm.s32 $0x80  }
.LBB2_1:
0x13: {  	s18 =	simm.s32 $0x0;
	s19 =	simm.s32 $0x200  }
.LBB2_2:
0x14: {  	p1 =	sne.s32 s19, $0xFE00;
	[tilespmem:s18+$0x2870] =	vst v0  }
0x15: {  	[tilespmem:s18+$0x2800] =	vst v0  }
0x16: {  	[tilespmem:s18+$0x2810] =	vst v0  }
.Ltmp0:
0x17: {  	[tilespmem:s18+$0x2820] =	vst v0;
	(pc) =	sbr.rel @p1 .LBB2_2-.Ltmp0, $4  }
0x18: {  	[tilespmem:s18+$0x2830] =	vst v0  }
0x19: {  	[tilespmem:s18+$0x2840] =	vst v0  }
0x1a: {  	[tilespmem:s18+$0x2850] =	vst v0  }
0x1b: {  	[tilespmem:s18+$0x2860] =	vst v0;
	s18 =	sshra.s32 s19, $0x2;
	s19 =	sadd.s32 $0x200, s19  }
0x1c: {  	[tilespmem:s18+$0x2870] =	vst v0  }
0x1d: {  	[tilespmem:s18+$0x2800] =	vst v0  }
0x1e: {  	[tilespmem:s18+$0x2810] =	vst v0  }
0x1f: {  	[tilespmem:s18+$0x2820] =	vst v0  }
0x20: {  	[tilespmem:s18+$0x2830] =	vst v0  }
0x21: {  	[tilespmem:s18+$0x2840] =	vst v0  }
0x22: {  	[tilespmem:s18+$0x2850] =	vst v0  }
0x23: {  	[tilespmem:s18+$0x2860] =	vst v0  }
0x24: {  	[spmem:s4] =	stream.linear.scatter [tilespmem:s14], [sflag:$0x2], $0x4000, $0x38;
	[tilespmem:$0x1A080] =	vst v63  }
0x25: {  	_ =	swait.ge [sflag:s15], $0x4000  }
0x26: {  	[sflag:s15] =	ssyncset.done $0x0  }
0x27: {  	[sflag:s15] =	ssyncadd.s32 $0xFFFFC000  }
0x28: {  	[spmem:s5] =	stream.linear.scatter [tilespmem:s14], [sflag:$0x2], $0x4000, $0x38;
	[tilespmem:$0x1A080] =	vst v63  }
0x29: {  	_ =	swait.ge [sflag:s15], $0x4000  }
0x2a: {  	[sflag:s15] =	ssyncset.done $0x0  }
0x2b: {  	[sflag:s15] =	ssyncadd.s32 $0xFFFFC000  }
0x2c: {  	[spmem:s6] =	stream.linear.scatter [tilespmem:s14], [sflag:$0x2], $0x4000, $0x38;
	[tilespmem:$0x1A080] =	vst v63  }
0x2d: {  	_ =	swait.ge [sflag:s15], $0x4000  }
0x2e: {  	[sflag:s15] =	ssyncset.done $0x0  }
0x2f: {  	[sflag:s15] =	ssyncadd.s32 $0xFFFFC000  }
0x30: {  	[spmem:s7] =	stream.linear.scatter [tilespmem:s14], [sflag:$0x2], $0x4000, $0x38;
	[tilespmem:$0x1A080] =	vst v63  }
0x31: {  	_ =	swait.ge [sflag:s15], $0x4000  }
0x32: {  	[sflag:s15] =	ssyncset.done $0x0  }
0x33: {  	[sflag:s15] =	ssyncadd.s32 $0xFFFFC000  }
0x34: {  	[spmem:s8] =	stream.linear.scatter [tilespmem:s14], [sflag:$0x2], $0x3800, $0x38;
	[tilespmem:$0x1A080] =	vst v63  }
0x35: {  	_ =	swait.ge [sflag:s15], $0x3800  }
0x36: {  	[sflag:s15] =	ssyncset.done $0x0  }
0x37: {  	s18 =	simm.s32 @!p0 $0x2800;
	[sflag:s15] =	ssyncadd.s32 $0xFFFFC800  }
0x38: {  	[spmem:s9] =	stream.linear.scatter @!p0 [tilespmem:s18], [sflag:$0x2], $0x800, $0x38;
	[tilespmem:$0x1A080] =	vst v63  }
0x39: {  	s18 =	simm.s32 @!p0 $0x2  }
0x3a: {  	_ =	swait.ge @!p0 [sflag:s18], $0x800  }
0x3b: {  	[sflag:s18] =	ssyncset.done @!p0 $0x0  }
0x3c: {  	s19 =	simm.s32 $0x200;
	[sflag:s18] =	ssyncadd.s32 @!p0 $0xFFFFF800;
	s18 =	simm.s32 $0x0  }
.LBB2_4:
0x3d: {  	p1 =	sne.s32 s19, $0xFE00;
	[tilespmem:s18+$0x2870] =	vst v1  }
0x3e: {  	[tilespmem:s18+$0x2800] =	vst v1  }
0x3f: {  	[tilespmem:s18+$0x2810] =	vst v1  }
.Ltmp1:
0x40: {  	[tilespmem:s18+$0x2820] =	vst v1;
	(pc) =	sbr.rel @p1 .LBB2_4-.Ltmp1, $4  }
0x41: {  	[tilespmem:s18+$0x2830] =	vst v1  }
0x42: {  	[tilespmem:s18+$0x2840] =	vst v1  }
0x43: {  	[tilespmem:s18+$0x2850] =	vst v1  }
0x44: {  	[tilespmem:s18+$0x2860] =	vst v1;
	s18 =	sshra.s32 s19, $0x2;
	s19 =	sadd.s32 $0x200, s19  }
0x45: {  	[tilespmem:s18+$0x2870] =	vst v1  }
0x46: {  	[tilespmem:s18+$0x2800] =	vst v1  }
0x47: {  	[tilespmem:s18+$0x2810] =	vst v1  }
0x48: {  	[tilespmem:s18+$0x2820] =	vst v1  }
0x49: {  	[tilespmem:s18+$0x2830] =	vst v1  }
0x4a: {  	[tilespmem:s18+$0x2840] =	vst v1  }
0x4b: {  	[tilespmem:s18+$0x2850] =	vst v1  }
0x4c: {  	[tilespmem:s18+$0x2860] =	vst v1;
	s18 =	simm.s32 $0x0  }
0x4d: {  	[tilespmem:s18], [sflag:$0x2] =	stream.linear.gather [hbm4b:s10+s18], $0x2800, $0x38;
	[tilespmem:$0x1A080] =	vst v63  }
0x4e: {  	_ =	swait.ge [sflag:s15], $0x2800  }
0x4f: {  	[sflag:s15] =	ssyncset.done $0x0  }
0x50: {  	[sflag:s15] =	ssyncadd.s32 $0xFFFFD800  }
0x51: {  	[bflag:$0x0] =	sbarrier.arrive $0xFFFF  }
.LBB2_6:
0x52: {  	p1 =	sne.s32 s18, $0x9E00  }
.Ltmp2:
0x53: {  	_ = 	snop;
	(pc) =	sbr.rel @p1 .LBB2_6-.Ltmp2, $3  }
0x54: {  	_ =	sdelay $0x1  }
0x55: {  	s19 =	sshra.s32 s18, $0x2;
	s18 =	sadd.s32 $0x200, s18  }
0x56: {  	[spmem:s1] =	stream.indirect.scatter.add.f32 [tilespmem:s14], [sflag:$0x1], $0x80, s19, s16, $0xb8;
	[tilespmem:$0x1A080] =	vst v63  }
0x57: {  	_ =	swait.ge [sflag:s17], $0x4000  }
0x58: {  	s18 =	simm.s32 $0x4F;
	[sflag:s17] =	ssyncset.done $0x0  }
.LBB2_8:
0x59: {  	p1 =	sne.s32 s18, $0x1;
	s18 =	sadd.s32 $0xFFFFFFFF, s18;
	[sflag:s17] =	ssyncadd.s32 $0xFFFFC000  }
.Ltmp3:
0x5a: {  	(pc) =	sbr.rel @p1 .LBB2_8-.Ltmp3, $3  }
0x5b: {  	_ =	sdelay $0x1  }
0x5c: {  	_ =	swait.ge [sflag:s17], $0x4000  }
0x5d: {  	[sflag:s17] =	ssyncset.done $0x0  }
0x5e: {  	[sflag:s17] =	ssyncadd.s32 $0xFFFFC000;
	s18 =	sshll.u32 s3, $0x6  }
0x5f: {  	s19 =	sshrl.u32 s4, $0x3;
	[bflag:$0x0] =	sbarrier.arrive $0xFFFF;
	s18 =	sor.u32 $0x1C02, s18  }
0x60: {  	[hbm:s11], [sflag:s18] =	dma.local [spmem:s19], $0x2700  }
0x61: {  	_ =	swait.ge [sflag:s15], $0x2700  }
0x62: {  	s2 =	sadd.s32 $0x1, s2;
	[sflag:s15] =	ssyncset.done $0x0  }
0x63: {  	p1 =	sne.s32 s2, s13;
	s19 =	sshrl.u32 @!p0 s9, $0x3;
	[sflag:s15] =	ssyncadd.s32 $0xFFFFD900  }
0x64: {  	[hbm:s12], [sflag:s18] =	dma.local @!p0 [spmem:s19], $0x100  }
.Ltmp4:
0x65: {  	_ = 	snop;
	(pc) =	sbr.rel @p1 .LBB2_1-.Ltmp4, $4  }
0x66: {  	s18 =	simm.s32 @!p0 $0x2  }
0x67: {  	_ =	swait.ge @!p0 [sflag:s18], $0x100  }
0x68: {  	[sflag:s18] =	ssyncset.done @!p0 $0x0  }
0x69: {  	[sflag:s18] =	ssyncadd.s32 @!p0 $0xFFFFFF00  }
0x6a: {  	_ =	sfence.sel $0x180000  }
0x6b: {  	[bflag:$0x0] =	sbarrier.arrive $0xFFFF  }
0x6c: {  	_ =	strace $0x90000047  }
0x6d: {  	s0 =	sadd.s32 @!p0 $0x100000, s0;
	[bflag:$0x2] =	sbarrier.arrive $0xFFFF  }
0x6e: {  	[sflag:s0] =	ssyncadd.tile.s32 @!p0 $0x1;
	_ =	shalt  }
.Lfunc_end2:
_tile_overlayer_lowered:
.L_overlay_start_2:
0x6f: {  	(tag) =	ssettag $0x2  }
0x70: {  	s0 =	rddreg [dreg:$0x0];
	s2 =	stileid.u32  }
0x71: {  	s1 =	rddreg [dreg:$0x1];
	p0 =	sne.s32 s2, $0x0  }
0x72: {  	s3 =	rddreg [dreg:$0x2];
	[bflag:$0x3] =	sbarrier.arrive $0xFFFF;
	s2 =	simm.s32 @!p0 $0x1C02  }
0x73: {  	[timem:s3], [sflag:s2] =	dma.local @!p0 [hbm:s0], s1  }
0x74: {  	s0 =	simm.s32 @!p0 $0x2  }
0x75: {  	_ =	swait.ge @!p0 [sflag:s0], s1  }
0x76: {  	s1 =	ssub.s32 @!p0 $0x0, s1;
	[sflag:s0] =	ssyncset.done @!p0 $0x0  }
0x77: {  	[sflag:s0] =	ssyncadd.s32 @!p0 s1  }
0x78: {  	[bflag:$0x3] =	sbarrier.arrive $0xFFFF  }
0x79: {  	_ =	shalt  }

</sc_bundles>
